<compile_context>
chip_gen: v7x
topology: tpu7x:2x2x1
jax: 0.10.2.dev20260603
libtpu: 0.0.44.dev20260713+nightly
codegen_flags: <defaults>
</compile_context>

<pallas_src>
import jax
import jax.numpy as jnp
from jax import lax
from jax.experimental import pallas as pl
from jax.experimental.pallas import tpu as pltpu
from jax.experimental.pallas import tpu_sc as plsc

_NC = 2
_NS = 16
_NW = _NC * _NS
_C = 80
_BN = 1000


def _mesh():
    return plsc.VectorSubcoreMesh(
        core_axis_name="c", subcore_axis_name="s",
        num_cores=_NC, num_subcores=_NS)


def _pad_rows(n):
    return -(-n // (_NS * 128)) * (_NS * 128)


def _sc_degree(dst3, n, f):
    nw, nchunks, c_ = dst3.shape
    assert nw == _NW and c_ == _C
    n_p = _pad_rows(n)
    rpt = n_p // _NS
    zr = 16
    nz = rpt // zr
    assert nz * zr == rpt

    def body(dst_hbm, out_hbm, di_all, ones_v, zbuf_v, acc_sh, sem):
        c = lax.axis_index("c")
        s = lax.axis_index("s")
        wid = s * _NC + c

        pltpu.sync_copy(dst_hbm.at[wid], di_all)

        def fill_ones(i, _):
            for kk in range(f // 16):
                ones_v[i, pl.ds(kk * 16, 16)] = jnp.full((16,), 1.0,
                                                         jnp.float32)
            return 0
        lax.fori_loop(0, _C, fill_ones, 0)

        def fill_zero(i, _):
            for kk in range(f // 16):
                zbuf_v[i, pl.ds(kk * 16, 16)] = jnp.zeros((16,), jnp.float32)
            return 0
        lax.fori_loop(0, zr, fill_zero, 0)

        def zero_acc(k, _):
            pltpu.sync_copy(zbuf_v, acc_sh.at[pl.ds(s * rpt + k * zr, zr)])
            return 0
        lax.fori_loop(0, nz, zero_acc, 0)
        plsc.subcore_barrier()

        kdepth = 4
        for j in range(kdepth):
            pltpu.async_copy(ones_v, acc_sh.at[di_all.at[j]], sem, add=True)

        def chunk(j, _):
            pltpu.make_async_copy(ones_v, acc_sh.at[di_all.at[j]],
                                  sem).wait()
            pltpu.async_copy(ones_v, acc_sh.at[di_all.at[j + kdepth]], sem,
                             add=True)
            return 0
        lax.fori_loop(0, nchunks - kdepth, chunk, 0)
        for j in range(kdepth):
            pltpu.make_async_copy(ones_v, acc_sh.at[di_all.at[j]],
                                  sem).wait()
        plsc.subcore_barrier()

        pltpu.sync_copy(acc_sh.at[pl.ds(s * rpt, rpt)],
                        out_hbm.at[c, pl.ds(s * rpt, rpt)])

    k = pl.kernel(
        body,
        out_type=jax.ShapeDtypeStruct((_NC, n_p, f), jnp.float32),
        mesh=_mesh(),
        scratch_types=[
            pltpu.VMEM((nchunks, _C), jnp.int32),
            pltpu.VMEM((_C, f), jnp.float32),
            pltpu.VMEM((zr, f), jnp.float32),
            pltpu.VMEM_SHARED((n_p, f), jnp.float32),
            pltpu.SemaphoreType.DMA,
        ])
    return k(dst3)


def _sc_scatter_sum(g, packed3):
    n, f = g.shape
    nw, nchunks, c_ = packed3.shape
    assert nw == _NW and c_ == _C and nchunks % 2 == 1
    n_p = _pad_rows(n)
    rpt = n_p // _NS
    zr = 16
    nz = rpt // zr
    assert nz * zr == rpt
    npairs = (nchunks - 1) // 2
    mask14 = jnp.int32((1 << 14) - 1)

    def body(g_hbm, pk_hbm, out_hbm,
             pk_all, si0, di0, si1, di1, rows0, rows1, zbuf_v, acc_sh,
             sem0, sem1, sems):
        c = lax.axis_index("c")
        s = lax.axis_index("s")
        wid = s * _NC + c

        pltpu.sync_copy(pk_hbm.at[wid], pk_all)

        def fill_zero(i, _):
            for kk in range(f // 16):
                zbuf_v[i, pl.ds(kk * 16, 16)] = jnp.zeros((16,), jnp.float32)
            return 0
        lax.fori_loop(0, zr, fill_zero, 0)

        def zero_acc(k2, _):
            pltpu.sync_copy(zbuf_v, acc_sh.at[pl.ds(s * rpt + k2 * zr, zr)])
            return 0
        lax.fori_loop(0, nz, zero_acc, 0)
        plsc.subcore_barrier()

        def unpack(j, si_v, di_v):
            for kk in range(_C // 16):
                pk = pk_all[j, pl.ds(kk * 16, 16)]
                si_v[pl.ds(kk * 16, 16)] = pk & mask14
                di_v[pl.ds(kk * 16, 16)] = lax.shift_right_logical(pk, 14)

        unpack(0, si0, di0)
        pltpu.async_copy(g_hbm.at[si0], rows0, sem0)

        def pair(jj, _):
            j0 = jj * 2
            unpack(j0 + 1, si1, di1)
            pltpu.async_copy(g_hbm.at[si1], rows1, sem1)
            pltpu.make_async_copy(g_hbm.at[si0], rows0, sem0).wait()
            pltpu.async_copy(rows0, acc_sh.at[di0], sems, add=True)
            pltpu.make_async_copy(g_hbm.at[si1], rows1, sem1).wait()
            pltpu.async_copy(rows1, acc_sh.at[di1], sems, add=True)
            pltpu.make_async_copy(rows0, acc_sh.at[di0], sems).wait()
            unpack(j0 + 2, si0, di0)
            pltpu.async_copy(g_hbm.at[si0], rows0, sem0)
            pltpu.make_async_copy(rows1, acc_sh.at[di1], sems).wait()
            return 0
        lax.fori_loop(0, npairs, pair, 0)

        pltpu.make_async_copy(g_hbm.at[si0], rows0, sem0).wait()
        pltpu.sync_copy(rows0, acc_sh.at[di0], add=True)
        plsc.subcore_barrier()

        pltpu.sync_copy(acc_sh.at[pl.ds(s * rpt, rpt)],
                        out_hbm.at[c, pl.ds(s * rpt, rpt)])

    k = pl.kernel(
        body,
        out_type=jax.ShapeDtypeStruct((_NC, n_p, f), jnp.float32),
        mesh=_mesh(),
        scratch_types=[
            pltpu.VMEM((nchunks, _C), jnp.int32),
            pltpu.VMEM((_C,), jnp.int32),
            pltpu.VMEM((_C,), jnp.int32),
            pltpu.VMEM((_C,), jnp.int32),
            pltpu.VMEM((_C,), jnp.int32),
            pltpu.VMEM((_C, f), jnp.float32),
            pltpu.VMEM((_C, f), jnp.float32),
            pltpu.VMEM((zr, f), jnp.float32),
            pltpu.VMEM_SHARED((n_p, f), jnp.float32),
            pltpu.SemaphoreType.DMA,
            pltpu.SemaphoreType.DMA,
            pltpu.SemaphoreType.DMA,
        ])
    return k(g, packed3)


def _dis_block(degp_ref):
    deg = degp_ref[0, :, 0:1] + degp_ref[1, :, 0:1] + 1.0
    return lax.rsqrt(deg)


def _tc_scale_matmul(degp, x, w, hp):
    n, d = x.shape
    h = w.shape[1]
    df = degp.shape[2]

    def body(degp_ref, x_ref, w_ref, o_ref):
        dis = _dis_block(degp_ref)
        mm = jnp.dot(x_ref[...], w_ref[...],
                     preferred_element_type=jnp.float32) * dis
        if hp > h:
            mm = jnp.concatenate(
                [mm, jnp.zeros((mm.shape[0], hp - h), jnp.float32)], axis=1)
        o_ref[...] = mm

    return pl.pallas_call(
        body,
        grid=(n // _BN,),
        in_specs=[
            pl.BlockSpec((2, _BN, df), lambda i: (0, i, 0)),
            pl.BlockSpec((_BN, d), lambda i: (i, 0)),
            pl.BlockSpec((d, h), lambda i: (0, 0)),
        ],
        out_specs=pl.BlockSpec((_BN, hp), lambda i: (i, 0)),
        out_shape=jax.ShapeDtypeStruct((n, hp), jnp.float32),
    )(degp, x, w)


def _tc_mid(degp, p, g, w, b):
    n, hp = g.shape
    h = w.shape[0]
    d2 = w.shape[1]
    df = degp.shape[2]

    def body(degp_ref, p_ref, g_ref, w_ref, b_ref, o_ref):
        dis = _dis_block(degp_ref)
        acc = p_ref[0, :, 0:h] + p_ref[1, :, 0:h] + g_ref[:, 0:h]
        y = jnp.maximum(acc * dis + b_ref[...], 0.0)
        o_ref[...] = jnp.dot(y, w_ref[...],
                             preferred_element_type=jnp.float32) * dis

    return pl.pallas_call(
        body,
        grid=(n // _BN,),
        in_specs=[
            pl.BlockSpec((2, _BN, df), lambda i: (0, i, 0)),
            pl.BlockSpec((2, _BN, hp), lambda i: (0, i, 0)),
            pl.BlockSpec((_BN, hp), lambda i: (i, 0)),
            pl.BlockSpec((h, d2), lambda i: (0, 0)),
            pl.BlockSpec((1, h), lambda i: (0, 0)),
        ],
        out_specs=pl.BlockSpec((_BN, d2), lambda i: (i, 0)),
        out_shape=jax.ShapeDtypeStruct((n, d2), jnp.float32),
    )(degp, p, g, w, b)


def _tc_out(degp, p, g, b):
    n, d2 = g.shape
    df = degp.shape[2]

    def body(degp_ref, p_ref, g_ref, b_ref, o_ref):
        dis = _dis_block(degp_ref)
        acc = p_ref[0] + p_ref[1] + g_ref[...]
        o_ref[...] = jnp.maximum(acc * dis + b_ref[...], 0.0)

    return pl.pallas_call(
        body,
        grid=(n // _BN,),
        in_specs=[
            pl.BlockSpec((2, _BN, df), lambda i: (0, i, 0)),
            pl.BlockSpec((2, _BN, d2), lambda i: (0, i, 0)),
            pl.BlockSpec((_BN, d2), lambda i: (i, 0)),
            pl.BlockSpec((1, d2), lambda i: (0, 0)),
        ],
        out_specs=pl.BlockSpec((_BN, d2), lambda i: (i, 0)),
        out_shape=jax.ShapeDtypeStruct((n, d2), jnp.float32),
    )(degp, p, g, b)


def kernel(embedding, edge_index, W1, b1, W2, b2):
    x = embedding
    n = x.shape[0]
    e = edge_index.shape[1]
    e_per_w = e // _NW
    assert e_per_w * _NW == e and e_per_w % _C == 0
    nchunks = e_per_w // _C
    dst3 = edge_index[1].reshape(_NW, nchunks, _C)
    packed3 = (edge_index[0] | (edge_index[1] << 14)).reshape(
        _NW, nchunks, _C)

    degp = _sc_degree(dst3, n, 128)
    g1 = _tc_scale_matmul(degp, x, W1, 128)
    p1 = _sc_scatter_sum(g1, packed3)
    g2 = _tc_mid(degp, p1, g1, W2, b1.reshape(1, -1))
    p2 = _sc_scatter_sum(g2, packed3)
    out = _tc_out(degp, p2, g2, b2.reshape(1, -1))
    return out

# --- scband reference (transcript-rebuilt; emitter-appended) ---
"""Pipeline reference for scband-gcn-28329604284476 (READ-ONLY COPY).

The authoritative reference and input builder live on the scoring server;
editing this copy changes nothing except your own understanding.
"""

import jax, jax.numpy as jnp
import numpy as np

N = 10000
E = 320000
D = 128
H = 64


def gcn_conv(x, edge_index, W, b):
    num_nodes = x.shape[0]
    src = edge_index[0]
    dst = edge_index[1]
    loop = jnp.arange(num_nodes, dtype=edge_index.dtype)
    src = jnp.concatenate([src, loop])
    dst = jnp.concatenate([dst, loop])
    # symmetric normalization (PyG gcn_norm with add_self_loops=True)
    deg = jnp.zeros((num_nodes,), x.dtype).at[dst].add(1.0)
    deg_inv_sqrt = jnp.where(deg > 0, 1.0 / jnp.sqrt(deg), 0.0)
    norm = deg_inv_sqrt[src] * deg_inv_sqrt[dst]
    h = x @ W
    msg = h[src] * norm[:, None]
    out = jnp.zeros((num_nodes, W.shape[1]), x.dtype).at[dst].add(msg)
    return out + b


def setup_inputs(seed: int = 0) -> dict:
    key = jax.random.key(seed)
    k1, k2, k3, k4, k5, k6 = jax.random.split(key, 6)
    embedding = jax.random.normal(k1, (N, D), dtype=jnp.float32)
    edge_index = jax.random.randint(k2, (2, E), 0, N, dtype=jnp.int32)
    # glorot-style init for GCNConv weights, zero bias (PyG default)
    W1 = jax.random.normal(k3, (D, H), dtype=jnp.float32) * jnp.sqrt(2.0 / (D + H))
    b1 = jnp.zeros((H,), dtype=jnp.float32)
    W2 = jax.random.normal(k4, (H, D), dtype=jnp.float32) * jnp.sqrt(2.0 / (H + D))
    b2 = jnp.zeros((D,), dtype=jnp.float32)
    return {"embedding": embedding, "edge_index": edge_index, "W1": W1, "b1": b1, "W2": W2, "b2": b2}


def reference(embedding, edge_index, W1, b1, W2, b2):
    rho_full1 = jax.nn.relu(gcn_conv(embedding, edge_index, W1, b1))
    rho_full2 = jax.nn.relu(gcn_conv(rho_full1, edge_index, W2, b2))
    return rho_full2

if __name__ == "__main__":
    import jax
    _d = setup_inputs()
    print(jax.jit(kernel)(*tuple(_d.values())))

</pallas_src>

<mosaic_0001>
#map = affine_map<(d0, d1) -> (0, 0, 0)>
module attributes {stable_mosaic.version = 14 : i64} {
  func.func @body(%arg0: i32, %arg1: i32, %arg2: memref<32x125x80xi32, #tpu.memory_space<hbm>>, %arg3: memref<2x10240x128xf32, #tpu.memory_space<hbm>>, %arg4: memref<125x80xi32, #tpu.memory_space<vmem>>, %arg5: memref<80x128xf32, #tpu.memory_space<vmem>>, %arg6: memref<16x128xf32, #tpu.memory_space<vmem>>, %arg7: memref<10240x128xf32, #tpu.memory_space<vmem_shared>>, %arg8: memref<!tpu.dma_semaphore, #tpu.memory_space<semaphore_mem>>) attributes {dimension_semantics = [#tpu.dimension_semantics<core_parallel>, #tpu.dimension_semantics<subcore_parallel>], iteration_bounds = array<i64: 2, 16>, scalar_prefetch = 0 : i64, scratch_operands = 5 : i64, tpu.core_type = #tpu.core_type<sc_vector_subcore>, window_params = [{transform_indices = #map}, {transform_indices = #map}]} {
    %mul3A = arith.constant 2 : i32
    %mul3A_0 = arith.muli %arg1, %mul3A : i32
    %add3A = arith.addi %mul3A_0, %arg0 : i32
    "tpu.region"() ({
      %run_scoped3A = tpu.sem_alloc : memref<!tpu.dma_semaphore, #tpu.memory_space<semaphore_mem>>
      %dma_start3A_87 = arith.constant 0 : i32
      %dma_start3A_88 = arith.constant 0 : i32
      %dma_start3A_89 = tpu.memref_slice %arg2[%add3A, %dma_start3A_87, %dma_start3A_88] : memref<32x125x80xi32, #tpu.memory_space<hbm>> -> memref<1x125x80xi32, #tpu.memory_space<hbm>>
      %dma_start3A_90 = tpu.memref_squeeze %dma_start3A_89 : memref<1x125x80xi32, #tpu.memory_space<hbm>> -> memref<125x80xi32, #tpu.memory_space<hbm>>
      %dma_start3A_91 = arith.constant 0 : i32
      %dma_start3A_92 = arith.constant 0 : i32
      %dma_start3A_93 = tpu.memref_slice %arg2[%add3A, %dma_start3A_91, %dma_start3A_92] : memref<32x125x80xi32, #tpu.memory_space<hbm>> -> memref<1x125x80xi32, #tpu.memory_space<hbm>>
      %dma_start3A_94 = tpu.memref_squeeze %dma_start3A_93 : memref<1x125x80xi32, #tpu.memory_space<hbm>> -> memref<125x80xi32, #tpu.memory_space<hbm>>
      tpu.enqueue_dma source(%dma_start3A_94 : memref<125x80xi32, #tpu.memory_space<hbm>>) target(%arg4 : memref<125x80xi32, #tpu.memory_space<vmem>>) target_semaphore(%run_scoped3A : memref<!tpu.dma_semaphore, #tpu.memory_space<semaphore_mem>>)
      %dma_wait3A_95 = arith.constant 0 : i32
      %dma_wait3A_96 = arith.constant 0 : i32
      %dma_wait3A_97 = tpu.memref_slice %arg2[%add3A, %dma_wait3A_95, %dma_wait3A_96] : memref<32x125x80xi32, #tpu.memory_space<hbm>> -> memref<1x125x80xi32, #tpu.memory_space<hbm>>
      %dma_wait3A_98 = tpu.memref_squeeze %dma_wait3A_97 : memref<1x125x80xi32, #tpu.memory_space<hbm>> -> memref<125x80xi32, #tpu.memory_space<hbm>>
      %dma_wait3A_99 = arith.constant 0 : i32
      %dma_wait3A_100 = arith.constant 0 : i32
      %dma_wait3A_101 = tpu.memref_slice %arg2[%add3A, %dma_wait3A_99, %dma_wait3A_100] : memref<32x125x80xi32, #tpu.memory_space<hbm>> -> memref<1x125x80xi32, #tpu.memory_space<hbm>>
      %dma_wait3A_102 = tpu.memref_squeeze %dma_wait3A_101 : memref<1x125x80xi32, #tpu.memory_space<hbm>> -> memref<125x80xi32, #tpu.memory_space<hbm>>
      tpu.wait_dma2 semaphore(%run_scoped3A : memref<!tpu.dma_semaphore, #tpu.memory_space<semaphore_mem>>) src(%dma_wait3A_102 : memref<125x80xi32, #tpu.memory_space<hbm>>) dst(%arg4 : memref<125x80xi32, #tpu.memory_space<vmem>>)
      tpu.yield
    }) : () -> ()
    %scan3A = arith.constant 0 : i32
    %scan3A_1 = arith.constant 0 : i32
    %scan3A_2 = arith.constant 80 : i32
    %scan3A_3 = arith.addi %scan3A_1, %scan3A_2 : i32
    %scan3A_4 = arith.constant 1 : i32
    %scan3A_5 = scf.for %scan3A_87 = %scan3A_1 to %scan3A_3 step %scan3A_4 iter_args(%scan3A_88 = %scan3A) -> (i32)  : i32 {
      %broadcast_in_dim3A = arith.constant 1.000000e+00 : f32
      %broadcast_in_dim3A_89 = vector.broadcast %broadcast_in_dim3A : f32 to vector<16xf32>
      %swap3A = arith.index_cast %scan3A_87 : i32 to index
      %swap3A_90 = arith.constant 0 : index
      %swap3A_91 = tpu.vector_load %arg5[%swap3A, %swap3A_90] {strides = array<i32>} : memref<80x128xf32, #tpu.memory_space<vmem>>, vector<1x16xf32>,
      %swap3A_92 = vector.shape_cast %swap3A_91 : vector<1x16xf32> to vector<16xf32>
      %swap3A_93 = vector.shape_cast %broadcast_in_dim3A_89 : vector<16xf32> to vector<1x16xf32>
      tpu.vector_store %arg5[%swap3A, %swap3A_90], %swap3A_93 {strides = array<i32>} : memref<80x128xf32, #tpu.memory_space<vmem>>, vector<1x16xf32>,
      %broadcast_in_dim3A_94 = arith.constant 1.000000e+00 : f32
      %broadcast_in_dim3A_95 = vector.broadcast %broadcast_in_dim3A_94 : f32 to vector<16xf32>
      %swap3A_96 = arith.index_cast %scan3A_87 : i32 to index
      %swap3A_97 = arith.constant 16 : index
      %swap3A_98 = tpu.vector_load %arg5[%swap3A_96, %swap3A_97] {strides = array<i32>} : memref<80x128xf32, #tpu.memory_space<vmem>>, vector<1x16xf32>,
      %swap3A_99 = vector.shape_cast %swap3A_98 : vector<1x16xf32> to vector<16xf32>
      %swap3A_100 = vector.shape_cast %broadcast_in_dim3A_95 : vector<16xf32> to vector<1x16xf32>
      tpu.vector_store %arg5[%swap3A_96, %swap3A_97], %swap3A_100 {strides = array<i32>} : memref<80x128xf32, #tpu.memory_space<vmem>>, vector<1x16xf32>,
      %broadcast_in_dim3A_101 = arith.constant 1.000000e+00 : f32
      %broadcast_in_dim3A_102 = vector.broadcast %broadcast_in_dim3A_101 : f32 to vector<16xf32>
      %swap3A_103 = arith.index_cast %scan3A_87 : i32 to index
      %swap3A_104 = arith.constant 32 : index
      %swap3A_105 = tpu.vector_load %arg5[%swap3A_103, %swap3A_104] {strides = array<i32>} : memref<80x128xf32, #tpu.memory_space<vmem>>, vector<1x16xf32>,
      %swap3A_106 = vector.shape_cast %swap3A_105 : vector<1x16xf32> to vector<16xf32>
      %swap3A_107 = vector.shape_cast %broadcast_in_dim3A_102 : vector<16xf32> to vector<1x16xf32>
      tpu.vector_store %arg5[%swap3A_103, %swap3A_104], %swap3A_107 {strides = array<i32>} : memref<80x128xf32, #tpu.memory_space<vmem>>, vector<1x16xf32>,
      %broadcast_in_dim3A_108 = arith.constant 1.000000e+00 : f32
      %broadcast_in_dim3A_109 = vector.broadcast %broadcast_in_dim3A_108 : f32 to vector<16xf32>
      %swap3A_110 = arith.index_cast %scan3A_87 : i32 to index
      %swap3A_111 = arith.constant 48 : index
      %swap3A_112 = tpu.vector_load %arg5[%swap3A_110, %swap3A_111] {strides = array<i32>} : memref<80x128xf32, #tpu.memory_space<vmem>>, vector<1x16xf32>,
      %swap3A_113 = vector.shape_cast %swap3A_112 : vector<1x16xf32> to vector<16xf32>
      %swap3A_114 = vector.shape_cast %broadcast_in_dim3A_109 : vector<16xf32> to vector<1x16xf32>
      tpu.vector_store %arg5[%swap3A_110, %swap3A_111], %swap3A_114 {strides = array<i32>} : memref<80x128xf32, #tpu.memory_space<vmem>>, vector<1x16xf32>,
      %broadcast_in_dim3A_115 = arith.constant 1.000000e+00 : f32
      %broadcast_in_dim3A_116 = vector.broadcast %broadcast_in_dim3A_115 : f32 to vector<16xf32>
      %swap3A_117 = arith.index_cast %scan3A_87 : i32 to index
      %swap3A_118 = arith.constant 64 : index
      %swap3A_119 = tpu.vector_load %arg5[%swap3A_117, %swap3A_118] {strides = array<i32>} : memref<80x128xf32, #tpu.memory_space<vmem>>, vector<1x16xf32>,
      %swap3A_120 = vector.shape_cast %swap3A_119 : vector<1x16xf32> to vector<16xf32>
      %swap3A_121 = vector.shape_cast %broadcast_in_dim3A_116 : vector<16xf32> to vector<1x16xf32>
      tpu.vector_store %arg5[%swap3A_117, %swap3A_118], %swap3A_121 {strides = array<i32>} : memref<80x128xf32, #tpu.memory_space<vmem>>, vector<1x16xf32>,
      %broadcast_in_dim3A_122 = arith.constant 1.000000e+00 : f32
      %broadcast_in_dim3A_123 = vector.broadcast %broadcast_in_dim3A_122 : f32 to vector<16xf32>
      %swap3A_124 = arith.index_cast %scan3A_87 : i32 to index
      %swap3A_125 = arith.constant 80 : index
      %swap3A_126 = tpu.vector_load %arg5[%swap3A_124, %swap3A_125] {strides = array<i32>} : memref<80x128xf32, #tpu.memory_space<vmem>>, vector<1x16xf32>,
      %swap3A_127 = vector.shape_cast %swap3A_126 : vector<1x16xf32> to vector<16xf32>
      %swap3A_128 = vector.shape_cast %broadcast_in_dim3A_123 : vector<16xf32> to vector<1x16xf32>
      tpu.vector_store %arg5[%swap3A_124, %swap3A_125], %swap3A_128 {strides = array<i32>} : memref<80x128xf32, #tpu.memory_space<vmem>>, vector<1x16xf32>,
      %broadcast_in_dim3A_129 = arith.constant 1.000000e+00 : f32
      %broadcast_in_dim3A_130 = vector.broadcast %broadcast_in_dim3A_129 : f32 to vector<16xf32>
      %swap3A_131 = arith.index_cast %scan3A_87 : i32 to index
      %swap3A_132 = arith.constant 96 : index
      %swap3A_133 = tpu.vector_load %arg5[%swap3A_131, %swap3A_132] {strides = array<i32>} : memref<80x128xf32, #tpu.memory_space<vmem>>, vector<1x16xf32>,
      %swap3A_134 = vector.shape_cast %swap3A_133 : vector<1x16xf32> to vector<16xf32>
      %swap3A_135 = vector.shape_cast %broadcast_in_dim3A_130 : vector<16xf32> to vector<1x16xf32>
      tpu.vector_store %arg5[%swap3A_131, %swap3A_132], %swap3A_135 {strides = array<i32>} : memref<80x128xf32, #tpu.memory_space<vmem>>, vector<1x16xf32>,
      %broadcast_in_dim3A_136 = arith.constant 1.000000e+00 : f32
      %broadcast_in_dim3A_137 = vector.broadcast %broadcast_in_dim3A_136 : f32 to vector<16xf32>
      %swap3A_138 = arith.index_cast %scan3A_87 : i32 to index
      %swap3A_139 = arith.constant 112 : index
      %swap3A_140 = tpu.vector_load %arg5[%swap3A_138, %swap3A_139] {strides = array<i32>} : memref<80x128xf32, #tpu.memory_space<vmem>>, vector<1x16xf32>,
      %swap3A_141 = vector.shape_cast %swap3A_140 : vector<1x16xf32> to vector<16xf32>
      %swap3A_142 = vector.shape_cast %broadcast_in_dim3A_137 : vector<16xf32> to vector<1x16xf32>
      tpu.vector_store %arg5[%swap3A_138, %swap3A_139], %swap3A_142 {strides = array<i32>} : memref<80x128xf32, #tpu.memory_space<vmem>>, vector<1x16xf32>,
      %scan3A_143 = arith.constant 0 : i32
      scf.yield %scan3A_143 : i32
    }
    %scan3A_6 = arith.constant 80 : i32
    %scan3A_7 = arith.constant 0 : i32
    %scan3A_8 = arith.constant 0 : i32
    %scan3A_9 = arith.constant 16 : i32
    %scan3A_10 = arith.addi %scan3A_8, %scan3A_9 : i32
    %scan3A_11 = arith.constant 1 : i32
    %scan3A_12 = scf.for %scan3A_87 = %scan3A_8 to %scan3A_10 step %scan3A_11 iter_args(%scan3A_88 = %scan3A_7) -> (i32)  : i32 {
      %broadcast_in_dim3A = arith.constant 0.000000e+00 : f32
      %broadcast_in_dim3A_89 = vector.broadcast %broadcast_in_dim3A : f32 to vector<16xf32>
      %swap3A = arith.index_cast %scan3A_87 : i32 to index
      %swap3A_90 = arith.constant 0 : index
      %swap3A_91 = tpu.vector_load %arg6[%swap3A, %swap3A_90] {strides = array<i32>} : memref<16x128xf32, #tpu.memory_space<vmem>>, vector<1x16xf32>,
      %swap3A_92 = vector.shape_cast %swap3A_91 : vector<1x16xf32> to vector<16xf32>
      %swap3A_93 = vector.shape_cast %broadcast_in_dim3A_89 : vector<16xf32> to vector<1x16xf32>
      tpu.vector_store %arg6[%swap3A, %swap3A_90], %swap3A_93 {strides = array<i32>} : memref<16x128xf32, #tpu.memory_space<vmem>>, vector<1x16xf32>,
      %broadcast_in_dim3A_94 = arith.constant 0.000000e+00 : f32
      %broadcast_in_dim3A_95 = vector.broadcast %broadcast_in_dim3A_94 : f32 to vector<16xf32>
      %swap3A_96 = arith.index_cast %scan3A_87 : i32 to index
      %swap3A_97 = arith.constant 16 : index
      %swap3A_98 = tpu.vector_load %arg6[%swap3A_96, %swap3A_97] {strides = array<i32>} : memref<16x128xf32, #tpu.memory_space<vmem>>, vector<1x16xf32>,
      %swap3A_99 = vector.shape_cast %swap3A_98 : vector<1x16xf32> to vector<16xf32>
      %swap3A_100 = vector.shape_cast %broadcast_in_dim3A_95 : vector<16xf32> to vector<1x16xf32>
      tpu.vector_store %arg6[%swap3A_96, %swap3A_97], %swap3A_100 {strides = array<i32>} : memref<16x128xf32, #tpu.memory_space<vmem>>, vector<1x16xf32>,
      %broadcast_in_dim3A_101 = arith.constant 0.000000e+00 : f32
      %broadcast_in_dim3A_102 = vector.broadcast %broadcast_in_dim3A_101 : f32 to vector<16xf32>
      %swap3A_103 = arith.index_cast %scan3A_87 : i32 to index
      %swap3A_104 = arith.constant 32 : index
      %swap3A_105 = tpu.vector_load %arg6[%swap3A_103, %swap3A_104] {strides = array<i32>} : memref<16x128xf32, #tpu.memory_space<vmem>>, vector<1x16xf32>,
      %swap3A_106 = vector.shape_cast %swap3A_105 : vector<1x16xf32> to vector<16xf32>
      %swap3A_107 = vector.shape_cast %broadcast_in_dim3A_102 : vector<16xf32> to vector<1x16xf32>
      tpu.vector_store %arg6[%swap3A_103, %swap3A_104], %swap3A_107 {strides = array<i32>} : memref<16x128xf32, #tpu.memory_space<vmem>>, vector<1x16xf32>,
      %broadcast_in_dim3A_108 = arith.constant 0.000000e+00 : f32
      %broadcast_in_dim3A_109 = vector.broadcast %broadcast_in_dim3A_108 : f32 to vector<16xf32>
      %swap3A_110 = arith.index_cast %scan3A_87 : i32 to index
      %swap3A_111 = arith.constant 48 : index
      %swap3A_112 = tpu.vector_load %arg6[%swap3A_110, %swap3A_111] {strides = array<i32>} : memref<16x128xf32, #tpu.memory_space<vmem>>, vector<1x16xf32>,
      %swap3A_113 = vector.shape_cast %swap3A_112 : vector<1x16xf32> to vector<16xf32>
      %swap3A_114 = vector.shape_cast %broadcast_in_dim3A_109 : vector<16xf32> to vector<1x16xf32>
      tpu.vector_store %arg6[%swap3A_110, %swap3A_111], %swap3A_114 {strides = array<i32>} : memref<16x128xf32, #tpu.memory_space<vmem>>, vector<1x16xf32>,
      %broadcast_in_dim3A_115 = arith.constant 0.000000e+00 : f32
      %broadcast_in_dim3A_116 = vector.broadcast %broadcast_in_dim3A_115 : f32 to vector<16xf32>
      %swap3A_117 = arith.index_cast %scan3A_87 : i32 to index
      %swap3A_118 = arith.constant 64 : index
      %swap3A_119 = tpu.vector_load %arg6[%swap3A_117, %swap3A_118] {strides = array<i32>} : memref<16x128xf32, #tpu.memory_space<vmem>>, vector<1x16xf32>,
      %swap3A_120 = vector.shape_cast %swap3A_119 : vector<1x16xf32> to vector<16xf32>
      %swap3A_121 = vector.shape_cast %broadcast_in_dim3A_116 : vector<16xf32> to vector<1x16xf32>
      tpu.vector_store %arg6[%swap3A_117, %swap3A_118], %swap3A_121 {strides = array<i32>} : memref<16x128xf32, #tpu.memory_space<vmem>>, vector<1x16xf32>,
      %broadcast_in_dim3A_122 = arith.constant 0.000000e+00 : f32
      %broadcast_in_dim3A_123 = vector.broadcast %broadcast_in_dim3A_122 : f32 to vector<16xf32>
      %swap3A_124 = arith.index_cast %scan3A_87 : i32 to index
      %swap3A_125 = arith.constant 80 : index
      %swap3A_126 = tpu.vector_load %arg6[%swap3A_124, %swap3A_125] {strides = array<i32>} : memref<16x128xf32, #tpu.memory_space<vmem>>, vector<1x16xf32>,
      %swap3A_127 = vector.shape_cast %swap3A_126 : vector<1x16xf32> to vector<16xf32>
      %swap3A_128 = vector.shape_cast %broadcast_in_dim3A_123 : vector<16xf32> to vector<1x16xf32>
      tpu.vector_store %arg6[%swap3A_124, %swap3A_125], %swap3A_128 {strides = array<i32>} : memref<16x128xf32, #tpu.memory_space<vmem>>, vector<1x16xf32>,
      %broadcast_in_dim3A_129 = arith.constant 0.000000e+00 : f32
      %broadcast_in_dim3A_130 = vector.broadcast %broadcast_in_dim3A_129 : f32 to vector<16xf32>
      %swap3A_131 = arith.index_cast %scan3A_87 : i32 to index
      %swap3A_132 = arith.constant 96 : index
      %swap3A_133 = tpu.vector_load %arg6[%swap3A_131, %swap3A_132] {strides = array<i32>} : memref<16x128xf32, #tpu.memory_space<vmem>>, vector<1x16xf32>,
      %swap3A_134 = vector.shape_cast %swap3A_133 : vector<1x16xf32> to vector<16xf32>
      %swap3A_135 = vector.shape_cast %broadcast_in_dim3A_130 : vector<16xf32> to vector<1x16xf32>
      tpu.vector_store %arg6[%swap3A_131, %swap3A_132], %swap3A_135 {strides = array<i32>} : memref<16x128xf32, #tpu.memory_space<vmem>>, vector<1x16xf32>,
      %broadcast_in_dim3A_136 = arith.constant 0.000000e+00 : f32
      %broadcast_in_dim3A_137 = vector.broadcast %broadcast_in_dim3A_136 : f32 to vector<16xf32>
      %swap3A_138 = arith.index_cast %scan3A_87 : i32 to index
      %swap3A_139 = arith.constant 112 : index
      %swap3A_140 = tpu.vector_load %arg6[%swap3A_138, %swap3A_139] {strides = array<i32>} : memref<16x128xf32, #tpu.memory_space<vmem>>, vector<1x16xf32>,
      %swap3A_141 = vector.shape_cast %swap3A_140 : vector<1x16xf32> to vector<16xf32>
      %swap3A_142 = vector.shape_cast %broadcast_in_dim3A_137 : vector<16xf32> to vector<1x16xf32>
      tpu.vector_store %arg6[%swap3A_138, %swap3A_139], %swap3A_142 {strides = array<i32>} : memref<16x128xf32, #tpu.memory_space<vmem>>, vector<1x16xf32>,
      %scan3A_143 = arith.constant 0 : i32
      scf.yield %scan3A_143 : i32
    }
    %scan3A_13 = arith.constant 16 : i32
    %scan3A_14 = arith.constant 0 : i32
    %scan3A_15 = arith.constant 0 : i32
    %scan3A_16 = arith.constant 40 : i32
    %scan3A_17 = arith.addi %scan3A_15, %scan3A_16 : i32
    %scan3A_18 = arith.constant 1 : i32
    %scan3A_19 = scf.for %scan3A_87 = %scan3A_15 to %scan3A_17 step %scan3A_18 iter_args(%scan3A_88 = %scan3A_14) -> (i32)  : i32 {
      %mul3A_89 = arith.constant 640 : i32
      %mul3A_90 = arith.muli %arg1, %mul3A_89 : i32
      %mul3A_91 = arith.constant 16 : i32
      %mul3A_92 = arith.muli %scan3A_87, %mul3A_91 : i32
      %add3A_93 = arith.addi %mul3A_90, %mul3A_92 : i32
      "tpu.region"() ({
        %run_scoped3A = tpu.sem_alloc : memref<!tpu.dma_semaphore, #tpu.memory_space<semaphore_mem>>
        %dma_start3A_95 = arith.constant 0 : i32
        %dma_start3A_96 = tpu.memref_slice %arg7[%add3A_93, %dma_start3A_95] : memref<10240x128xf32, #tpu.memory_space<vmem_shared>> -> memref<16x128xf32, #tpu.memory_space<vmem_shared>>
        %dma_start3A_97 = arith.constant 0 : i32
        %dma_start3A_98 = tpu.memref_slice %arg7[%add3A_93, %dma_start3A_97] : memref<10240x128xf32, #tpu.memory_space<vmem_shared>> -> memref<16x128xf32, #tpu.memory_space<vmem_shared>>
        tpu.enqueue_dma source(%arg6 : memref<16x128xf32, #tpu.memory_space<vmem>>) target(%dma_start3A_98 : memref<16x128xf32, #tpu.memory_space<vmem_shared>>) target_semaphore(%run_scoped3A : memref<!tpu.dma_semaphore, #tpu.memory_space<semaphore_mem>>)
        %dma_wait3A_99 = arith.constant 0 : i32
        %dma_wait3A_100 = tpu.memref_slice %arg7[%add3A_93, %dma_wait3A_99] : memref<10240x128xf32, #tpu.memory_space<vmem_shared>> -> memref<16x128xf32, #tpu.memory_space<vmem_shared>>
        %dma_wait3A_101 = arith.constant 0 : i32
        %dma_wait3A_102 = tpu.memref_slice %arg7[%add3A_93, %dma_wait3A_101] : memref<10240x128xf32, #tpu.memory_space<vmem_shared>> -> memref<16x128xf32, #tpu.memory_space<vmem_shared>>
        tpu.wait_dma2 semaphore(%run_scoped3A : memref<!tpu.dma_semaphore, #tpu.memory_space<semaphore_mem>>) src(%arg6 : memref<16x128xf32, #tpu.memory_space<vmem>>) dst(%dma_wait3A_102 : memref<16x128xf32, #tpu.memory_space<vmem_shared>>)
        tpu.yield
      }) : () -> ()
      %scan3A_94 = arith.constant 0 : i32
      scf.yield %scan3A_94 : i32
    }
    %scan3A_20 = arith.constant 40 : i32
    %barrier3A = arith.constant 0 : index
    tpu.barrier barrier_id(%barrier3A)
    %dma_start3A = arith.constant 0 : i32
    %dma_start3A_21 = arith.constant 0 : i32
    %dma_start3A_22 = tpu.memref_slice %arg4[%dma_start3A, %dma_start3A_21] : memref<125x80xi32, #tpu.memory_space<vmem>> -> memref<1x80xi32, #tpu.memory_space<vmem>>
    %dma_start3A_23 = tpu.memref_squeeze %dma_start3A_22 : memref<1x80xi32, #tpu.memory_space<vmem>> -> memref<80xi32, #tpu.memory_space<vmem>>
    %dma_start3A_24 = arith.constant 0 : i32
    %dma_start3A_25 = arith.constant 0 : i32
    %dma_start3A_26 = tpu.memref_slice %arg7[%dma_start3A_24, %dma_start3A_25] : memref<10240x128xf32, #tpu.memory_space<vmem_shared>> -> memref<10240x128xf32, #tpu.memory_space<vmem_shared>>
    tpu.enqueue_indirect_dma source(%arg5 : memref<80x128xf32, #tpu.memory_space<vmem>>) target(%dma_start3A_26 : memref<10240x128xf32, #tpu.memory_space<vmem_shared>>) offsets(%dma_start3A_23 : memref<80xi32, #tpu.memory_space<vmem>>) semaphore(%arg8 : memref<!tpu.dma_semaphore, #tpu.memory_space<semaphore_mem>>) {add = true}
    %dma_start3A_27 = arith.constant 1 : i32
    %dma_start3A_28 = arith.constant 0 : i32
    %dma_start3A_29 = tpu.memref_slice %arg4[%dma_start3A_27, %dma_start3A_28] : memref<125x80xi32, #tpu.memory_space<vmem>> -> memref<1x80xi32, #tpu.memory_space<vmem>>
    %dma_start3A_30 = tpu.memref_squeeze %dma_start3A_29 : memref<1x80xi32, #tpu.memory_space<vmem>> -> memref<80xi32, #tpu.memory_space<vmem>>
    %dma_start3A_31 = arith.constant 0 : i32
    %dma_start3A_32 = arith.constant 0 : i32
    %dma_start3A_33 = tpu.memref_slice %arg7[%dma_start3A_31, %dma_start3A_32] : memref<10240x128xf32, #tpu.memory_space<vmem_shared>> -> memref<10240x128xf32, #tpu.memory_space<vmem_shared>>
    tpu.enqueue_indirect_dma source(%arg5 : memref<80x128xf32, #tpu.memory_space<vmem>>) target(%dma_start3A_33 : memref<10240x128xf32, #tpu.memory_space<vmem_shared>>) offsets(%dma_start3A_30 : memref<80xi32, #tpu.memory_space<vmem>>) semaphore(%arg8 : memref<!tpu.dma_semaphore, #tpu.memory_space<semaphore_mem>>) {add = true}
    %dma_start3A_34 = arith.constant 2 : i32
    %dma_start3A_35 = arith.constant 0 : i32
    %dma_start3A_36 = tpu.memref_slice %arg4[%dma_start3A_34, %dma_start3A_35] : memref<125x80xi32, #tpu.memory_space<vmem>> -> memref<1x80xi32, #tpu.memory_space<vmem>>
    %dma_start3A_37 = tpu.memref_squeeze %dma_start3A_36 : memref<1x80xi32, #tpu.memory_space<vmem>> -> memref<80xi32, #tpu.memory_space<vmem>>
    %dma_start3A_38 = arith.constant 0 : i32
    %dma_start3A_39 = arith.constant 0 : i32
    %dma_start3A_40 = tpu.memref_slice %arg7[%dma_start3A_38, %dma_start3A_39] : memref<10240x128xf32, #tpu.memory_space<vmem_shared>> -> memref<10240x128xf32, #tpu.memory_space<vmem_shared>>
    tpu.enqueue_indirect_dma source(%arg5 : memref<80x128xf32, #tpu.memory_space<vmem>>) target(%dma_start3A_40 : memref<10240x128xf32, #tpu.memory_space<vmem_shared>>) offsets(%dma_start3A_37 : memref<80xi32, #tpu.memory_space<vmem>>) semaphore(%arg8 : memref<!tpu.dma_semaphore, #tpu.memory_space<semaphore_mem>>) {add = true}
    %dma_start3A_41 = arith.constant 3 : i32
    %dma_start3A_42 = arith.constant 0 : i32
    %dma_start3A_43 = tpu.memref_slice %arg4[%dma_start3A_41, %dma_start3A_42] : memref<125x80xi32, #tpu.memory_space<vmem>> -> memref<1x80xi32, #tpu.memory_space<vmem>>
    %dma_start3A_44 = tpu.memref_squeeze %dma_start3A_43 : memref<1x80xi32, #tpu.memory_space<vmem>> -> memref<80xi32, #tpu.memory_space<vmem>>
    %dma_start3A_45 = arith.constant 0 : i32
    %dma_start3A_46 = arith.constant 0 : i32
    %dma_start3A_47 = tpu.memref_slice %arg7[%dma_start3A_45, %dma_start3A_46] : memref<10240x128xf32, #tpu.memory_space<vmem_shared>> -> memref<10240x128xf32, #tpu.memory_space<vmem_shared>>
    tpu.enqueue_indirect_dma source(%arg5 : memref<80x128xf32, #tpu.memory_space<vmem>>) target(%dma_start3A_47 : memref<10240x128xf32, #tpu.memory_space<vmem_shared>>) offsets(%dma_start3A_44 : memref<80xi32, #tpu.memory_space<vmem>>) semaphore(%arg8 : memref<!tpu.dma_semaphore, #tpu.memory_space<semaphore_mem>>) {add = true}
    %scan3A_48 = arith.constant 0 : i32
    %scan3A_49 = arith.constant 0 : i32
    %scan3A_50 = arith.constant 121 : i32
    %scan3A_51 = arith.addi %scan3A_49, %scan3A_50 : i32
    %scan3A_52 = arith.constant 1 : i32
    %scan3A_53 = scf.for %scan3A_87 = %scan3A_49 to %scan3A_51 step %scan3A_52 iter_args(%scan3A_88 = %scan3A_48) -> (i32)  : i32 {
      %dma_wait3A_89 = arith.constant 0 : i32
      %dma_wait3A_90 = tpu.memref_slice %arg4[%scan3A_87, %dma_wait3A_89] : memref<125x80xi32, #tpu.memory_space<vmem>> -> memref<1x80xi32, #tpu.memory_space<vmem>>
      %dma_wait3A_91 = tpu.memref_squeeze %dma_wait3A_90 : memref<1x80xi32, #tpu.memory_space<vmem>> -> memref<80xi32, #tpu.memory_space<vmem>>
      %dma_wait3A_92 = arith.constant 0 : i32
      %dma_wait3A_93 = arith.constant 0 : i32
      %dma_wait3A_94 = tpu.memref_slice %arg7[%dma_wait3A_92, %dma_wait3A_93] : memref<10240x128xf32, #tpu.memory_space<vmem_shared>> -> memref<10240x128xf32, #tpu.memory_space<vmem_shared>>
      tpu.wait_indirect_dma semaphore(%arg8 : memref<!tpu.dma_semaphore, #tpu.memory_space<semaphore_mem>>) src(%arg5 : memref<80x128xf32, #tpu.memory_space<vmem>>) dst(%dma_wait3A_94 : memref<10240x128xf32, #tpu.memory_space<vmem_shared>>)
      %add3A_95 = arith.constant 4 : i32
      %add3A_96 = arith.addi %scan3A_87, %add3A_95 : i32
      %dma_start3A_97 = arith.constant 0 : i32
      %dma_start3A_98 = tpu.memref_slice %arg4[%add3A_96, %dma_start3A_97] : memref<125x80xi32, #tpu.memory_space<vmem>> -> memref<1x80xi32, #tpu.memory_space<vmem>>
      %dma_start3A_99 = tpu.memref_squeeze %dma_start3A_98 : memref<1x80xi32, #tpu.memory_space<vmem>> -> memref<80xi32, #tpu.memory_space<vmem>>
      %dma_start3A_100 = arith.constant 0 : i32
      %dma_start3A_101 = arith.constant 0 : i32
      %dma_start3A_102 = tpu.memref_slice %arg7[%dma_start3A_100, %dma_start3A_101] : memref<10240x128xf32, #tpu.memory_space<vmem_shared>> -> memref<10240x128xf32, #tpu.memory_space<vmem_shared>>
      tpu.enqueue_indirect_dma source(%arg5 : memref<80x128xf32, #tpu.memory_space<vmem>>) target(%dma_start3A_102 : memref<10240x128xf32, #tpu.memory_space<vmem_shared>>) offsets(%dma_start3A_99 : memref<80xi32, #tpu.memory_space<vmem>>) semaphore(%arg8 : memref<!tpu.dma_semaphore, #tpu.memory_space<semaphore_mem>>) {add = true}
      %scan3A_103 = arith.constant 0 : i32
      scf.yield %scan3A_103 : i32
    }
    %scan3A_54 = arith.constant 121 : i32
    %dma_wait3A = arith.constant 0 : i32
    %dma_wait3A_55 = arith.constant 0 : i32
    %dma_wait3A_56 = tpu.memref_slice %arg4[%dma_wait3A, %dma_wait3A_55] : memref<125x80xi32, #tpu.memory_space<vmem>> -> memref<1x80xi32, #tpu.memory_space<vmem>>
    %dma_wait3A_57 = tpu.memref_squeeze %dma_wait3A_56 : memref<1x80xi32, #tpu.memory_space<vmem>> -> memref<80xi32, #tpu.memory_space<vmem>>
    %dma_wait3A_58 = arith.constant 0 : i32
    %dma_wait3A_59 = arith.constant 0 : i32
    %dma_wait3A_60 = tpu.memref_slice %arg7[%dma_wait3A_58, %dma_wait3A_59] : memref<10240x128xf32, #tpu.memory_space<vmem_shared>> -> memref<10240x128xf32, #tpu.memory_space<vmem_shared>>
    tpu.wait_indirect_dma semaphore(%arg8 : memref<!tpu.dma_semaphore, #tpu.memory_space<semaphore_mem>>) src(%arg5 : memref<80x128xf32, #tpu.memory_space<vmem>>) dst(%dma_wait3A_60 : memref<10240x128xf32, #tpu.memory_space<vmem_shared>>)
    %dma_wait3A_61 = arith.constant 1 : i32
    %dma_wait3A_62 = arith.constant 0 : i32
    %dma_wait3A_63 = tpu.memref_slice %arg4[%dma_wait3A_61, %dma_wait3A_62] : memref<125x80xi32, #tpu.memory_space<vmem>> -> memref<1x80xi32, #tpu.memory_space<vmem>>
    %dma_wait3A_64 = tpu.memref_squeeze %dma_wait3A_63 : memref<1x80xi32, #tpu.memory_space<vmem>> -> memref<80xi32, #tpu.memory_space<vmem>>
    %dma_wait3A_65 = arith.constant 0 : i32
    %dma_wait3A_66 = arith.constant 0 : i32
    %dma_wait3A_67 = tpu.memref_slice %arg7[%dma_wait3A_65, %dma_wait3A_66] : memref<10240x128xf32, #tpu.memory_space<vmem_shared>> -> memref<10240x128xf32, #tpu.memory_space<vmem_shared>>
    tpu.wait_indirect_dma semaphore(%arg8 : memref<!tpu.dma_semaphore, #tpu.memory_space<semaphore_mem>>) src(%arg5 : memref<80x128xf32, #tpu.memory_space<vmem>>) dst(%dma_wait3A_67 : memref<10240x128xf32, #tpu.memory_space<vmem_shared>>)
    %dma_wait3A_68 = arith.constant 2 : i32
    %dma_wait3A_69 = arith.constant 0 : i32
    %dma_wait3A_70 = tpu.memref_slice %arg4[%dma_wait3A_68, %dma_wait3A_69] : memref<125x80xi32, #tpu.memory_space<vmem>> -> memref<1x80xi32, #tpu.memory_space<vmem>>
    %dma_wait3A_71 = tpu.memref_squeeze %dma_wait3A_70 : memref<1x80xi32, #tpu.memory_space<vmem>> -> memref<80xi32, #tpu.memory_space<vmem>>
    %dma_wait3A_72 = arith.constant 0 : i32
    %dma_wait3A_73 = arith.constant 0 : i32
    %dma_wait3A_74 = tpu.memref_slice %arg7[%dma_wait3A_72, %dma_wait3A_73] : memref<10240x128xf32, #tpu.memory_space<vmem_shared>> -> memref<10240x128xf32, #tpu.memory_space<vmem_shared>>
    tpu.wait_indirect_dma semaphore(%arg8 : memref<!tpu.dma_semaphore, #tpu.memory_space<semaphore_mem>>) src(%arg5 : memref<80x128xf32, #tpu.memory_space<vmem>>) dst(%dma_wait3A_74 : memref<10240x128xf32, #tpu.memory_space<vmem_shared>>)
    %dma_wait3A_75 = arith.constant 3 : i32
    %dma_wait3A_76 = arith.constant 0 : i32
    %dma_wait3A_77 = tpu.memref_slice %arg4[%dma_wait3A_75, %dma_wait3A_76] : memref<125x80xi32, #tpu.memory_space<vmem>> -> memref<1x80xi32, #tpu.memory_space<vmem>>
    %dma_wait3A_78 = tpu.memref_squeeze %dma_wait3A_77 : memref<1x80xi32, #tpu.memory_space<vmem>> -> memref<80xi32, #tpu.memory_space<vmem>>
    %dma_wait3A_79 = arith.constant 0 : i32
    %dma_wait3A_80 = arith.constant 0 : i32
    %dma_wait3A_81 = tpu.memref_slice %arg7[%dma_wait3A_79, %dma_wait3A_80] : memref<10240x128xf32, #tpu.memory_space<vmem_shared>> -> memref<10240x128xf32, #tpu.memory_space<vmem_shared>>
    tpu.wait_indirect_dma semaphore(%arg8 : memref<!tpu.dma_semaphore, #tpu.memory_space<semaphore_mem>>) src(%arg5 : memref<80x128xf32, #tpu.memory_space<vmem>>) dst(%dma_wait3A_81 : memref<10240x128xf32, #tpu.memory_space<vmem_shared>>)
    %barrier3A_82 = arith.constant 0 : index
    tpu.barrier barrier_id(%barrier3A_82)
    %mul3A_83 = arith.constant 640 : i32
    %mul3A_84 = arith.muli %arg1, %mul3A_83 : i32
    %mul3A_85 = arith.constant 640 : i32
    %mul3A_86 = arith.muli %arg1, %mul3A_85 : i32
    "tpu.region"() ({
      %run_scoped3A = tpu.sem_alloc : memref<!tpu.dma_semaphore, #tpu.memory_space<semaphore_mem>>
      %dma_start3A_87 = arith.constant 0 : i32
      %dma_start3A_88 = tpu.memref_slice %arg3[%arg0, %mul3A_86, %dma_start3A_87] : memref<2x10240x128xf32, #tpu.memory_space<hbm>> -> memref<1x640x128xf32, #tpu.memory_space<hbm>>
      %dma_start3A_89 = tpu.memref_squeeze %dma_start3A_88 : memref<1x640x128xf32, #tpu.memory_space<hbm>> -> memref<640x128xf32, #tpu.memory_space<hbm>>
      %dma_start3A_90 = arith.constant 0 : i32
      %dma_start3A_91 = tpu.memref_slice %arg7[%mul3A_84, %dma_start3A_90] : memref<10240x128xf32, #tpu.memory_space<vmem_shared>> -> memref<640x128xf32, #tpu.memory_space<vmem_shared>>
      tpu.enqueue_dma source(%dma_start3A_91 : memref<640x128xf32, #tpu.memory_space<vmem_shared>>) target(%dma_start3A_89 : memref<640x128xf32, #tpu.memory_space<hbm>>) target_semaphore(%run_scoped3A : memref<!tpu.dma_semaphore, #tpu.memory_space<semaphore_mem>>)
      %dma_wait3A_92 = arith.constant 0 : i32
      %dma_wait3A_93 = tpu.memref_slice %arg3[%arg0, %mul3A_86, %dma_wait3A_92] : memref<2x10240x128xf32, #tpu.memory_space<hbm>> -> memref<1x640x128xf32, #tpu.memory_space<hbm>>
      %dma_wait3A_94 = tpu.memref_squeeze %dma_wait3A_93 : memref<1x640x128xf32, #tpu.memory_space<hbm>> -> memref<640x128xf32, #tpu.memory_space<hbm>>
      %dma_wait3A_95 = arith.constant 0 : i32
      %dma_wait3A_96 = tpu.memref_slice %arg7[%mul3A_84, %dma_wait3A_95] : memref<10240x128xf32, #tpu.memory_space<vmem_shared>> -> memref<640x128xf32, #tpu.memory_space<vmem_shared>>
      tpu.wait_dma2 semaphore(%run_scoped3A : memref<!tpu.dma_semaphore, #tpu.memory_space<semaphore_mem>>) src(%dma_wait3A_96 : memref<640x128xf32, #tpu.memory_space<vmem_shared>>) dst(%dma_wait3A_94 : memref<640x128xf32, #tpu.memory_space<hbm>>)
      tpu.yield
    }) : () -> ()
    return
  }
}

#map = affine_map<(d0, d1) -> (0, 0)>
#map1 = affine_map<(d0, d1) -> (0, 0, 0)>
#map2 = affine_map<(d0, d1) -> (0)>
module attributes {stable_mosaic.version = 14 : i64} {
  func.func @_rewritten_body(%arg0: i32, %arg1: i32, %arg2: memref<10000x128xf32, #tpu.memory_space<hbm>>, %arg3: memref<32x125x80xi32, #tpu.memory_space<hbm>>, %arg4: memref<1xi32, #tpu.memory_space<hbm>>, %arg5: memref<2x10240x128xf32, #tpu.memory_space<hbm>>, %arg6: memref<125x80xi32, #tpu.memory_space<vmem>>, %arg7: memref<80xi32, #tpu.memory_space<vmem>>, %arg8: memref<80xi32, #tpu.memory_space<vmem>>, %arg9: memref<80xi32, #tpu.memory_space<vmem>>, %arg10: memref<80xi32, #tpu.memory_space<vmem>>, %arg11: memref<80x128xf32, #tpu.memory_space<vmem>>, %arg12: memref<80x128xf32, #tpu.memory_space<vmem>>, %arg13: memref<16x128xf32, #tpu.memory_space<vmem>>, %arg14: memref<10240x128xf32, #tpu.memory_space<vmem_shared>>, %arg15: memref<!tpu.dma_semaphore, #tpu.memory_space<semaphore_mem>>, %arg16: memref<!tpu.dma_semaphore, #tpu.memory_space<semaphore_mem>>, %arg17: memref<!tpu.dma_semaphore, #tpu.memory_space<semaphore_mem>>) attributes {dimension_semantics = [#tpu.dimension_semantics<core_parallel>, #tpu.dimension_semantics<subcore_parallel>], iteration_bounds = array<i64: 2, 16>, scalar_prefetch = 0 : i64, scratch_operands = 12 : i64, tpu.core_type = #tpu.core_type<sc_vector_subcore>, window_params = [{transform_indices = #map}, {transform_indices = #map1}, {transform_indices = #map2}, {transform_indices = #map1}]} {
    %empty_ref3A = memref.alloca() : memref<16xi32, #tpu.memory_space<vmem>>
    "tpu.region"() ({
      %run_scoped3A = tpu.sem_alloc : memref<!tpu.dma_semaphore, #tpu.memory_space<semaphore_mem>>
      %dma_start3A_119 = arith.constant 0 : i32
      %dma_start3A_120 = tpu.memref_slice %empty_ref3A[%dma_start3A_119] : memref<16xi32, #tpu.memory_space<vmem>> -> memref<1xi32, #tpu.memory_space<vmem>>
      %dma_start3A_121 = arith.constant 0 : i32
      %dma_start3A_122 = tpu.memref_slice %empty_ref3A[%dma_start3A_121] : memref<16xi32, #tpu.memory_space<vmem>> -> memref<1xi32, #tpu.memory_space<vmem>>
      tpu.enqueue_dma source(%arg4 : memref<1xi32, #tpu.memory_space<hbm>>) target(%dma_start3A_122 : memref<1xi32, #tpu.memory_space<vmem>>) target_semaphore(%run_scoped3A : memref<!tpu.dma_semaphore, #tpu.memory_space<semaphore_mem>>)
      %dma_wait3A_123 = arith.constant 0 : i32
      %dma_wait3A_124 = tpu.memref_slice %empty_ref3A[%dma_wait3A_123] : memref<16xi32, #tpu.memory_space<vmem>> -> memref<1xi32, #tpu.memory_space<vmem>>
      %dma_wait3A_125 = arith.constant 0 : i32
      %dma_wait3A_126 = tpu.memref_slice %empty_ref3A[%dma_wait3A_125] : memref<16xi32, #tpu.memory_space<vmem>> -> memref<1xi32, #tpu.memory_space<vmem>>
      tpu.wait_dma2 semaphore(%run_scoped3A : memref<!tpu.dma_semaphore, #tpu.memory_space<semaphore_mem>>) src(%arg4 : memref<1xi32, #tpu.memory_space<hbm>>) dst(%dma_wait3A_126 : memref<1xi32, #tpu.memory_space<vmem>>)
      tpu.yield
    }) : () -> ()
    %get3A = arith.constant 0 : index
    %get3A_0 = tpu.vector_load %empty_ref3A[%get3A] {strides = array<i32>} : memref<16xi32, #tpu.memory_space<vmem>>, vector<16xi32>,
    %get3A_1 = vector.shape_cast %get3A_0 : vector<16xi32> to vector<16xi32>
    %slice3A = vector.extract_strided_slice %get3A_1 {offsets = [0], sizes = [1], strides = [1]} : vector<16xi32> to vector<1xi32>
    %squeeze3A = vector.extract %slice3A[0] : i32 from vector<1xi32>
    %mul3A = arith.constant 2 : i32
    %mul3A_2 = arith.muli %arg1, %mul3A : i32
    %add3A = arith.addi %mul3A_2, %arg0 : i32
    "tpu.region"() ({
      %run_scoped3A = tpu.sem_alloc : memref<!tpu.dma_semaphore, #tpu.memory_space<semaphore_mem>>
      %dma_start3A_119 = arith.constant 0 : i32
      %dma_start3A_120 = arith.constant 0 : i32
      %dma_start3A_121 = tpu.memref_slice %arg3[%add3A, %dma_start3A_119, %dma_start3A_120] : memref<32x125x80xi32, #tpu.memory_space<hbm>> -> memref<1x125x80xi32, #tpu.memory_space<hbm>>
      %dma_start3A_122 = tpu.memref_squeeze %dma_start3A_121 : memref<1x125x80xi32, #tpu.memory_space<hbm>> -> memref<125x80xi32, #tpu.memory_space<hbm>>
      %dma_start3A_123 = arith.constant 0 : i32
      %dma_start3A_124 = arith.constant 0 : i32
      %dma_start3A_125 = tpu.memref_slice %arg3[%add3A, %dma_start3A_123, %dma_start3A_124] : memref<32x125x80xi32, #tpu.memory_space<hbm>> -> memref<1x125x80xi32, #tpu.memory_space<hbm>>
      %dma_start3A_126 = tpu.memref_squeeze %dma_start3A_125 : memref<1x125x80xi32, #tpu.memory_space<hbm>> -> memref<125x80xi32, #tpu.memory_space<hbm>>
      tpu.enqueue_dma source(%dma_start3A_126 : memref<125x80xi32, #tpu.memory_space<hbm>>) target(%arg6 : memref<125x80xi32, #tpu.memory_space<vmem>>) target_semaphore(%run_scoped3A : memref<!tpu.dma_semaphore, #tpu.memory_space<semaphore_mem>>)
      %dma_wait3A_127 = arith.constant 0 : i32
      %dma_wait3A_128 = arith.constant 0 : i32
      %dma_wait3A_129 = tpu.memref_slice %arg3[%add3A, %dma_wait3A_127, %dma_wait3A_128] : memref<32x125x80xi32, #tpu.memory_space<hbm>> -> memref<1x125x80xi32, #tpu.memory_space<hbm>>
      %dma_wait3A_130 = tpu.memref_squeeze %dma_wait3A_129 : memref<1x125x80xi32, #tpu.memory_space<hbm>> -> memref<125x80xi32, #tpu.memory_space<hbm>>
      %dma_wait3A_131 = arith.constant 0 : i32
      %dma_wait3A_132 = arith.constant 0 : i32
      %dma_wait3A_133 = tpu.memref_slice %arg3[%add3A, %dma_wait3A_131, %dma_wait3A_132] : memref<32x125x80xi32, #tpu.memory_space<hbm>> -> memref<1x125x80xi32, #tpu.memory_space<hbm>>
      %dma_wait3A_134 = tpu.memref_squeeze %dma_wait3A_133 : memref<1x125x80xi32, #tpu.memory_space<hbm>> -> memref<125x80xi32, #tpu.memory_space<hbm>>
      tpu.wait_dma2 semaphore(%run_scoped3A : memref<!tpu.dma_semaphore, #tpu.memory_space<semaphore_mem>>) src(%dma_wait3A_134 : memref<125x80xi32, #tpu.memory_space<hbm>>) dst(%arg6 : memref<125x80xi32, #tpu.memory_space<vmem>>)
      tpu.yield
    }) : () -> ()
    %scan3A = arith.constant 0 : i32
    %scan3A_3 = arith.constant 0 : i32
    %scan3A_4 = arith.constant 16 : i32
    %scan3A_5 = arith.addi %scan3A_3, %scan3A_4 : i32
    %scan3A_6 = arith.constant 1 : i32
    %scan3A_7 = scf.for %scan3A_119 = %scan3A_3 to %scan3A_5 step %scan3A_6 iter_args(%scan3A_120 = %scan3A) -> (i32)  : i32 {
      %broadcast_in_dim3A = arith.constant 0.000000e+00 : f32
      %broadcast_in_dim3A_121 = vector.broadcast %broadcast_in_dim3A : f32 to vector<16xf32>
      %swap3A_122 = arith.index_cast %scan3A_119 : i32 to index
      %swap3A_123 = arith.constant 0 : index
      %swap3A_124 = tpu.vector_load %arg13[%swap3A_122, %swap3A_123] {strides = array<i32>} : memref<16x128xf32, #tpu.memory_space<vmem>>, vector<1x16xf32>,
      %swap3A_125 = vector.shape_cast %swap3A_124 : vector<1x16xf32> to vector<16xf32>
      %swap3A_126 = vector.shape_cast %broadcast_in_dim3A_121 : vector<16xf32> to vector<1x16xf32>
      tpu.vector_store %arg13[%swap3A_122, %swap3A_123], %swap3A_126 {strides = array<i32>} : memref<16x128xf32, #tpu.memory_space<vmem>>, vector<1x16xf32>,
      %broadcast_in_dim3A_127 = arith.constant 0.000000e+00 : f32
      %broadcast_in_dim3A_128 = vector.broadcast %broadcast_in_dim3A_127 : f32 to vector<16xf32>
      %swap3A_129 = arith.index_cast %scan3A_119 : i32 to index
      %swap3A_130 = arith.constant 16 : index
      %swap3A_131 = tpu.vector_load %arg13[%swap3A_129, %swap3A_130] {strides = array<i32>} : memref<16x128xf32, #tpu.memory_space<vmem>>, vector<1x16xf32>,
      %swap3A_132 = vector.shape_cast %swap3A_131 : vector<1x16xf32> to vector<16xf32>
      %swap3A_133 = vector.shape_cast %broadcast_in_dim3A_128 : vector<16xf32> to vector<1x16xf32>
      tpu.vector_store %arg13[%swap3A_129, %swap3A_130], %swap3A_133 {strides = array<i32>} : memref<16x128xf32, #tpu.memory_space<vmem>>, vector<1x16xf32>,
      %broadcast_in_dim3A_134 = arith.constant 0.000000e+00 : f32
      %broadcast_in_dim3A_135 = vector.broadcast %broadcast_in_dim3A_134 : f32 to vector<16xf32>
      %swap3A_136 = arith.index_cast %scan3A_119 : i32 to index
      %swap3A_137 = arith.constant 32 : index
      %swap3A_138 = tpu.vector_load %arg13[%swap3A_136, %swap3A_137] {strides = array<i32>} : memref<16x128xf32, #tpu.memory_space<vmem>>, vector<1x16xf32>,
      %swap3A_139 = vector.shape_cast %swap3A_138 : vector<1x16xf32> to vector<16xf32>
      %swap3A_140 = vector.shape_cast %broadcast_in_dim3A_135 : vector<16xf32> to vector<1x16xf32>
      tpu.vector_store %arg13[%swap3A_136, %swap3A_137], %swap3A_140 {strides = array<i32>} : memref<16x128xf32, #tpu.memory_space<vmem>>, vector<1x16xf32>,
      %broadcast_in_dim3A_141 = arith.constant 0.000000e+00 : f32
      %broadcast_in_dim3A_142 = vector.broadcast %broadcast_in_dim3A_141 : f32 to vector<16xf32>
      %swap3A_143 = arith.index_cast %scan3A_119 : i32 to index
      %swap3A_144 = arith.constant 48 : index
      %swap3A_145 = tpu.vector_load %arg13[%swap3A_143, %swap3A_144] {strides = array<i32>} : memref<16x128xf32, #tpu.memory_space<vmem>>, vector<1x16xf32>,
      %swap3A_146 = vector.shape_cast %swap3A_145 : vector<1x16xf32> to vector<16xf32>
      %swap3A_147 = vector.shape_cast %broadcast_in_dim3A_142 : vector<16xf32> to vector<1x16xf32>
      tpu.vector_store %arg13[%swap3A_143, %swap3A_144], %swap3A_147 {strides = array<i32>} : memref<16x128xf32, #tpu.memory_space<vmem>>, vector<1x16xf32>,
      %broadcast_in_dim3A_148 = arith.constant 0.000000e+00 : f32
      %broadcast_in_dim3A_149 = vector.broadcast %broadcast_in_dim3A_148 : f32 to vector<16xf32>
      %swap3A_150 = arith.index_cast %scan3A_119 : i32 to index
      %swap3A_151 = arith.constant 64 : index
      %swap3A_152 = tpu.vector_load %arg13[%swap3A_150, %swap3A_151] {strides = array<i32>} : memref<16x128xf32, #tpu.memory_space<vmem>>, vector<1x16xf32>,
      %swap3A_153 = vector.shape_cast %swap3A_152 : vector<1x16xf32> to vector<16xf32>
      %swap3A_154 = vector.shape_cast %broadcast_in_dim3A_149 : vector<16xf32> to vector<1x16xf32>
      tpu.vector_store %arg13[%swap3A_150, %swap3A_151], %swap3A_154 {strides = array<i32>} : memref<16x128xf32, #tpu.memory_space<vmem>>, vector<1x16xf32>,
      %broadcast_in_dim3A_155 = arith.constant 0.000000e+00 : f32
      %broadcast_in_dim3A_156 = vector.broadcast %broadcast_in_dim3A_155 : f32 to vector<16xf32>
      %swap3A_157 = arith.index_cast %scan3A_119 : i32 to index
      %swap3A_158 = arith.constant 80 : index
      %swap3A_159 = tpu.vector_load %arg13[%swap3A_157, %swap3A_158] {strides = array<i32>} : memref<16x128xf32, #tpu.memory_space<vmem>>, vector<1x16xf32>,
      %swap3A_160 = vector.shape_cast %swap3A_159 : vector<1x16xf32> to vector<16xf32>
      %swap3A_161 = vector.shape_cast %broadcast_in_dim3A_156 : vector<16xf32> to vector<1x16xf32>
      tpu.vector_store %arg13[%swap3A_157, %swap3A_158], %swap3A_161 {strides = array<i32>} : memref<16x128xf32, #tpu.memory_space<vmem>>, vector<1x16xf32>,
      %broadcast_in_dim3A_162 = arith.constant 0.000000e+00 : f32
      %broadcast_in_dim3A_163 = vector.broadcast %broadcast_in_dim3A_162 : f32 to vector<16xf32>
      %swap3A_164 = arith.index_cast %scan3A_119 : i32 to index
      %swap3A_165 = arith.constant 96 : index
      %swap3A_166 = tpu.vector_load %arg13[%swap3A_164, %swap3A_165] {strides = array<i32>} : memref<16x128xf32, #tpu.memory_space<vmem>>, vector<1x16xf32>,
      %swap3A_167 = vector.shape_cast %swap3A_166 : vector<1x16xf32> to vector<16xf32>
      %swap3A_168 = vector.shape_cast %broadcast_in_dim3A_163 : vector<16xf32> to vector<1x16xf32>
      tpu.vector_store %arg13[%swap3A_164, %swap3A_165], %swap3A_168 {strides = array<i32>} : memref<16x128xf32, #tpu.memory_space<vmem>>, vector<1x16xf32>,
      %broadcast_in_dim3A_169 = arith.constant 0.000000e+00 : f32
      %broadcast_in_dim3A_170 = vector.broadcast %broadcast_in_dim3A_169 : f32 to vector<16xf32>
      %swap3A_171 = arith.index_cast %scan3A_119 : i32 to index
      %swap3A_172 = arith.constant 112 : index
      %swap3A_173 = tpu.vector_load %arg13[%swap3A_171, %swap3A_172] {strides = array<i32>} : memref<16x128xf32, #tpu.memory_space<vmem>>, vector<1x16xf32>,
      %swap3A_174 = vector.shape_cast %swap3A_173 : vector<1x16xf32> to vector<16xf32>
      %swap3A_175 = vector.shape_cast %broadcast_in_dim3A_170 : vector<16xf32> to vector<1x16xf32>
      tpu.vector_store %arg13[%swap3A_171, %swap3A_172], %swap3A_175 {strides = array<i32>} : memref<16x128xf32, #tpu.memory_space<vmem>>, vector<1x16xf32>,
      %scan3A_176 = arith.constant 0 : i32
      scf.yield %scan3A_176 : i32
    }
    %scan3A_8 = arith.constant 16 : i32
    %scan3A_9 = arith.constant 0 : i32
    %scan3A_10 = arith.constant 0 : i32
    %scan3A_11 = arith.constant 40 : i32
    %scan3A_12 = arith.addi %scan3A_10, %scan3A_11 : i32
    %scan3A_13 = arith.constant 1 : i32
    %scan3A_14 = scf.for %scan3A_119 = %scan3A_10 to %scan3A_12 step %scan3A_13 iter_args(%scan3A_120 = %scan3A_9) -> (i32)  : i32 {
      %mul3A_121 = arith.constant 640 : i32
      %mul3A_122 = arith.muli %arg1, %mul3A_121 : i32
      %mul3A_123 = arith.constant 16 : i32
      %mul3A_124 = arith.muli %scan3A_119, %mul3A_123 : i32
      %add3A_125 = arith.addi %mul3A_122, %mul3A_124 : i32
      "tpu.region"() ({
        %run_scoped3A = tpu.sem_alloc : memref<!tpu.dma_semaphore, #tpu.memory_space<semaphore_mem>>
        %dma_start3A_127 = arith.constant 0 : i32
        %dma_start3A_128 = tpu.memref_slice %arg14[%add3A_125, %dma_start3A_127] : memref<10240x128xf32, #tpu.memory_space<vmem_shared>> -> memref<16x128xf32, #tpu.memory_space<vmem_shared>>
        %dma_start3A_129 = arith.constant 0 : i32
        %dma_start3A_130 = tpu.memref_slice %arg14[%add3A_125, %dma_start3A_129] : memref<10240x128xf32, #tpu.memory_space<vmem_shared>> -> memref<16x128xf32, #tpu.memory_space<vmem_shared>>
        tpu.enqueue_dma source(%arg13 : memref<16x128xf32, #tpu.memory_space<vmem>>) target(%dma_start3A_130 : memref<16x128xf32, #tpu.memory_space<vmem_shared>>) target_semaphore(%run_scoped3A : memref<!tpu.dma_semaphore, #tpu.memory_space<semaphore_mem>>)
        %dma_wait3A_131 = arith.constant 0 : i32
        %dma_wait3A_132 = tpu.memref_slice %arg14[%add3A_125, %dma_wait3A_131] : memref<10240x128xf32, #tpu.memory_space<vmem_shared>> -> memref<16x128xf32, #tpu.memory_space<vmem_shared>>
        %dma_wait3A_133 = arith.constant 0 : i32
        %dma_wait3A_134 = tpu.memref_slice %arg14[%add3A_125, %dma_wait3A_133] : memref<10240x128xf32, #tpu.memory_space<vmem_shared>> -> memref<16x128xf32, #tpu.memory_space<vmem_shared>>
        tpu.wait_dma2 semaphore(%run_scoped3A : memref<!tpu.dma_semaphore, #tpu.memory_space<semaphore_mem>>) src(%arg13 : memref<16x128xf32, #tpu.memory_space<vmem>>) dst(%dma_wait3A_134 : memref<16x128xf32, #tpu.memory_space<vmem_shared>>)
        tpu.yield
      }) : () -> ()
      %scan3A_126 = arith.constant 0 : i32
      scf.yield %scan3A_126 : i32
    }
    %scan3A_15 = arith.constant 40 : i32
    %barrier3A = arith.constant 0 : index
    tpu.barrier barrier_id(%barrier3A)
    %get3A_16 = arith.constant 0 : i32
    %get3A_17 = arith.index_cast %get3A_16 : i32 to index
    %get3A_18 = arith.constant 0 : index
    %get3A_19 = tpu.vector_load %arg6[%get3A_17, %get3A_18] {strides = array<i32>} : memref<125x80xi32, #tpu.memory_space<vmem>>, vector<1x16xi32>,
    %get3A_20 = vector.shape_cast %get3A_19 : vector<1x16xi32> to vector<16xi32>
    %and3A = vector.broadcast %squeeze3A : i32 to vector<16xi32>
    %and3A_21 = arith.andi %get3A_20, %and3A : vector<16xi32>
    %swap3A = arith.constant 0 : index
    %swap3A_22 = tpu.vector_load %arg7[%swap3A] {strides = array<i32>} : memref<80xi32, #tpu.memory_space<vmem>>, vector<16xi32>,
    %swap3A_23 = vector.shape_cast %swap3A_22 : vector<16xi32> to vector<16xi32>
    %swap3A_24 = vector.shape_cast %and3A_21 : vector<16xi32> to vector<16xi32>
    tpu.vector_store %arg7[%swap3A], %swap3A_24 {strides = array<i32>} : memref<80xi32, #tpu.memory_space<vmem>>, vector<16xi32>,
    %shift_right_logical3A = arith.constant 14 : i32
    %shift_right_logical3A_25 = vector.broadcast %shift_right_logical3A : i32 to vector<16xi32>
    %shift_right_logical3A_26 = arith.shrui %get3A_20, %shift_right_logical3A_25 : vector<16xi32>
    %swap3A_27 = arith.constant 0 : index
    %swap3A_28 = tpu.vector_load %arg8[%swap3A_27] {strides = array<i32>} : memref<80xi32, #tpu.memory_space<vmem>>, vector<16xi32>,
    %swap3A_29 = vector.shape_cast %swap3A_28 : vector<16xi32> to vector<16xi32>
    %swap3A_30 = vector.shape_cast %shift_right_logical3A_26 : vector<16xi32> to vector<16xi32>
    tpu.vector_store %arg8[%swap3A_27], %swap3A_30 {strides = array<i32>} : memref<80xi32, #tpu.memory_space<vmem>>, vector<16xi32>,
    %get3A_31 = arith.constant 0 : i32
    %get3A_32 = arith.index_cast %get3A_31 : i32 to index
    %get3A_33 = arith.constant 16 : index
    %get3A_34 = tpu.vector_load %arg6[%get3A_32, %get3A_33] {strides = array<i32>} : memref<125x80xi32, #tpu.memory_space<vmem>>, vector<1x16xi32>,
    %get3A_35 = vector.shape_cast %get3A_34 : vector<1x16xi32> to vector<16xi32>
    %and3A_36 = vector.broadcast %squeeze3A : i32 to vector<16xi32>
    %and3A_37 = arith.andi %get3A_35, %and3A_36 : vector<16xi32>
    %swap3A_38 = arith.constant 16 : index
    %swap3A_39 = tpu.vector_load %arg7[%swap3A_38] {strides = array<i32>} : memref<80xi32, #tpu.memory_space<vmem>>, vector<16xi32>,
    %swap3A_40 = vector.shape_cast %swap3A_39 : vector<16xi32> to vector<16xi32>
    %swap3A_41 = vector.shape_cast %and3A_37 : vector<16xi32> to vector<16xi32>
    tpu.vector_store %arg7[%swap3A_38], %swap3A_41 {strides = array<i32>} : memref<80xi32, #tpu.memory_space<vmem>>, vector<16xi32>,
    %shift_right_logical3A_42 = arith.constant 14 : i32
    %shift_right_logical3A_43 = vector.broadcast %shift_right_logical3A_42 : i32 to vector<16xi32>
    %shift_right_logical3A_44 = arith.shrui %get3A_35, %shift_right_logical3A_43 : vector<16xi32>
    %swap3A_45 = arith.constant 16 : index
    %swap3A_46 = tpu.vector_load %arg8[%swap3A_45] {strides = array<i32>} : memref<80xi32, #tpu.memory_space<vmem>>, vector<16xi32>,
    %swap3A_47 = vector.shape_cast %swap3A_46 : vector<16xi32> to vector<16xi32>
    %swap3A_48 = vector.shape_cast %shift_right_logical3A_44 : vector<16xi32> to vector<16xi32>
    tpu.vector_store %arg8[%swap3A_45], %swap3A_48 {strides = array<i32>} : memref<80xi32, #tpu.memory_space<vmem>>, vector<16xi32>,
    %get3A_49 = arith.constant 0 : i32
    %get3A_50 = arith.index_cast %get3A_49 : i32 to index
    %get3A_51 = arith.constant 32 : index
    %get3A_52 = tpu.vector_load %arg6[%get3A_50, %get3A_51] {strides = array<i32>} : memref<125x80xi32, #tpu.memory_space<vmem>>, vector<1x16xi32>,
    %get3A_53 = vector.shape_cast %get3A_52 : vector<1x16xi32> to vector<16xi32>
    %and3A_54 = vector.broadcast %squeeze3A : i32 to vector<16xi32>
    %and3A_55 = arith.andi %get3A_53, %and3A_54 : vector<16xi32>
    %swap3A_56 = arith.constant 32 : index
    %swap3A_57 = tpu.vector_load %arg7[%swap3A_56] {strides = array<i32>} : memref<80xi32, #tpu.memory_space<vmem>>, vector<16xi32>,
    %swap3A_58 = vector.shape_cast %swap3A_57 : vector<16xi32> to vector<16xi32>
    %swap3A_59 = vector.shape_cast %and3A_55 : vector<16xi32> to vector<16xi32>
    tpu.vector_store %arg7[%swap3A_56], %swap3A_59 {strides = array<i32>} : memref<80xi32, #tpu.memory_space<vmem>>, vector<16xi32>,
    %shift_right_logical3A_60 = arith.constant 14 : i32
    %shift_right_logical3A_61 = vector.broadcast %shift_right_logical3A_60 : i32 to vector<16xi32>
    %shift_right_logical3A_62 = arith.shrui %get3A_53, %shift_right_logical3A_61 : vector<16xi32>
    %swap3A_63 = arith.constant 32 : index
    %swap3A_64 = tpu.vector_load %arg8[%swap3A_63] {strides = array<i32>} : memref<80xi32, #tpu.memory_space<vmem>>, vector<16xi32>,
    %swap3A_65 = vector.shape_cast %swap3A_64 : vector<16xi32> to vector<16xi32>
    %swap3A_66 = vector.shape_cast %shift_right_logical3A_62 : vector<16xi32> to vector<16xi32>
    tpu.vector_store %arg8[%swap3A_63], %swap3A_66 {strides = array<i32>} : memref<80xi32, #tpu.memory_space<vmem>>, vector<16xi32>,
    %get3A_67 = arith.constant 0 : i32
    %get3A_68 = arith.index_cast %get3A_67 : i32 to index
    %get3A_69 = arith.constant 48 : index
    %get3A_70 = tpu.vector_load %arg6[%get3A_68, %get3A_69] {strides = array<i32>} : memref<125x80xi32, #tpu.memory_space<vmem>>, vector<1x16xi32>,
    %get3A_71 = vector.shape_cast %get3A_70 : vector<1x16xi32> to vector<16xi32>
    %and3A_72 = vector.broadcast %squeeze3A : i32 to vector<16xi32>
    %and3A_73 = arith.andi %get3A_71, %and3A_72 : vector<16xi32>
    %swap3A_74 = arith.constant 48 : index
    %swap3A_75 = tpu.vector_load %arg7[%swap3A_74] {strides = array<i32>} : memref<80xi32, #tpu.memory_space<vmem>>, vector<16xi32>,
    %swap3A_76 = vector.shape_cast %swap3A_75 : vector<16xi32> to vector<16xi32>
    %swap3A_77 = vector.shape_cast %and3A_73 : vector<16xi32> to vector<16xi32>
    tpu.vector_store %arg7[%swap3A_74], %swap3A_77 {strides = array<i32>} : memref<80xi32, #tpu.memory_space<vmem>>, vector<16xi32>,
    %shift_right_logical3A_78 = arith.constant 14 : i32
    %shift_right_logical3A_79 = vector.broadcast %shift_right_logical3A_78 : i32 to vector<16xi32>
    %shift_right_logical3A_80 = arith.shrui %get3A_71, %shift_right_logical3A_79 : vector<16xi32>
    %swap3A_81 = arith.constant 48 : index
    %swap3A_82 = tpu.vector_load %arg8[%swap3A_81] {strides = array<i32>} : memref<80xi32, #tpu.memory_space<vmem>>, vector<16xi32>,
    %swap3A_83 = vector.shape_cast %swap3A_82 : vector<16xi32> to vector<16xi32>
    %swap3A_84 = vector.shape_cast %shift_right_logical3A_80 : vector<16xi32> to vector<16xi32>
    tpu.vector_store %arg8[%swap3A_81], %swap3A_84 {strides = array<i32>} : memref<80xi32, #tpu.memory_space<vmem>>, vector<16xi32>,
    %get3A_85 = arith.constant 0 : i32
    %get3A_86 = arith.index_cast %get3A_85 : i32 to index
    %get3A_87 = arith.constant 64 : index
    %get3A_88 = tpu.vector_load %arg6[%get3A_86, %get3A_87] {strides = array<i32>} : memref<125x80xi32, #tpu.memory_space<vmem>>, vector<1x16xi32>,
    %get3A_89 = vector.shape_cast %get3A_88 : vector<1x16xi32> to vector<16xi32>
    %and3A_90 = vector.broadcast %squeeze3A : i32 to vector<16xi32>
    %and3A_91 = arith.andi %get3A_89, %and3A_90 : vector<16xi32>
    %swap3A_92 = arith.constant 64 : index
    %swap3A_93 = tpu.vector_load %arg7[%swap3A_92] {strides = array<i32>} : memref<80xi32, #tpu.memory_space<vmem>>, vector<16xi32>,
    %swap3A_94 = vector.shape_cast %swap3A_93 : vector<16xi32> to vector<16xi32>
    %swap3A_95 = vector.shape_cast %and3A_91 : vector<16xi32> to vector<16xi32>
    tpu.vector_store %arg7[%swap3A_92], %swap3A_95 {strides = array<i32>} : memref<80xi32, #tpu.memory_space<vmem>>, vector<16xi32>,
    %shift_right_logical3A_96 = arith.constant 14 : i32
    %shift_right_logical3A_97 = vector.broadcast %shift_right_logical3A_96 : i32 to vector<16xi32>
    %shift_right_logical3A_98 = arith.shrui %get3A_89, %shift_right_logical3A_97 : vector<16xi32>
    %swap3A_99 = arith.constant 64 : index
    %swap3A_100 = tpu.vector_load %arg8[%swap3A_99] {strides = array<i32>} : memref<80xi32, #tpu.memory_space<vmem>>, vector<16xi32>,
    %swap3A_101 = vector.shape_cast %swap3A_100 : vector<16xi32> to vector<16xi32>
    %swap3A_102 = vector.shape_cast %shift_right_logical3A_98 : vector<16xi32> to vector<16xi32>
    tpu.vector_store %arg8[%swap3A_99], %swap3A_102 {strides = array<i32>} : memref<80xi32, #tpu.memory_space<vmem>>, vector<16xi32>,
    %dma_start3A = arith.constant 0 : i32
    %dma_start3A_103 = arith.constant 0 : i32
    %dma_start3A_104 = tpu.memref_slice %arg2[%dma_start3A, %dma_start3A_103] : memref<10000x128xf32, #tpu.memory_space<hbm>> -> memref<10000x128xf32, #tpu.memory_space<hbm>>
    tpu.enqueue_indirect_dma source(%dma_start3A_104 : memref<10000x128xf32, #tpu.memory_space<hbm>>) target(%arg11 : memref<80x128xf32, #tpu.memory_space<vmem>>) offsets(%arg7 : memref<80xi32, #tpu.memory_space<vmem>>) semaphore(%arg15 : memref<!tpu.dma_semaphore, #tpu.memory_space<semaphore_mem>>)
    %scan3A_105 = arith.constant 0 : i32
    %scan3A_106 = arith.constant 0 : i32
    %scan3A_107 = arith.constant 62 : i32
    %scan3A_108 = arith.addi %scan3A_106, %scan3A_107 : i32
    %scan3A_109 = arith.constant 1 : i32
    %scan3A_110 = scf.for %scan3A_119 = %scan3A_106 to %scan3A_108 step %scan3A_109 iter_args(%scan3A_120 = %scan3A_105) -> (i32)  : i32 {
      %mul3A_121 = arith.constant 2 : i32
      %mul3A_122 = arith.muli %scan3A_119, %mul3A_121 : i32
      %add3A_123 = arith.constant 1 : i32
      %add3A_124 = arith.addi %mul3A_122, %add3A_123 : i32
      %get3A_125 = arith.index_cast %add3A_124 : i32 to index
      %get3A_126 = arith.constant 0 : index
      %get3A_127 = tpu.vector_load %arg6[%get3A_125, %get3A_126] {strides = array<i32>} : memref<125x80xi32, #tpu.memory_space<vmem>>, vector<1x16xi32>,
      %get3A_128 = vector.shape_cast %get3A_127 : vector<1x16xi32> to vector<16xi32>
      %and3A_129 = vector.broadcast %squeeze3A : i32 to vector<16xi32>
      %and3A_130 = arith.andi %get3A_128, %and3A_129 : vector<16xi32>
      %swap3A_131 = arith.constant 0 : index
      %swap3A_132 = tpu.vector_load %arg9[%swap3A_131] {strides = array<i32>} : memref<80xi32, #tpu.memory_space<vmem>>, vector<16xi32>,
      %swap3A_133 = vector.shape_cast %swap3A_132 : vector<16xi32> to vector<16xi32>
      %swap3A_134 = vector.shape_cast %and3A_130 : vector<16xi32> to vector<16xi32>
      tpu.vector_store %arg9[%swap3A_131], %swap3A_134 {strides = array<i32>} : memref<80xi32, #tpu.memory_space<vmem>>, vector<16xi32>,
      %shift_right_logical3A_135 = arith.constant 14 : i32
      %shift_right_logical3A_136 = vector.broadcast %shift_right_logical3A_135 : i32 to vector<16xi32>
      %shift_right_logical3A_137 = arith.shrui %get3A_128, %shift_right_logical3A_136 : vector<16xi32>
      %swap3A_138 = arith.constant 0 : index
      %swap3A_139 = tpu.vector_load %arg10[%swap3A_138] {strides = array<i32>} : memref<80xi32, #tpu.memory_space<vmem>>, vector<16xi32>,
      %swap3A_140 = vector.shape_cast %swap3A_139 : vector<16xi32> to vector<16xi32>
      %swap3A_141 = vector.shape_cast %shift_right_logical3A_137 : vector<16xi32> to vector<16xi32>
      tpu.vector_store %arg10[%swap3A_138], %swap3A_141 {strides = array<i32>} : memref<80xi32, #tpu.memory_space<vmem>>, vector<16xi32>,
      %get3A_142 = arith.index_cast %add3A_124 : i32 to index
      %get3A_143 = arith.constant 16 : index
      %get3A_144 = tpu.vector_load %arg6[%get3A_142, %get3A_143] {strides = array<i32>} : memref<125x80xi32, #tpu.memory_space<vmem>>, vector<1x16xi32>,
      %get3A_145 = vector.shape_cast %get3A_144 : vector<1x16xi32> to vector<16xi32>
      %and3A_146 = vector.broadcast %squeeze3A : i32 to vector<16xi32>
      %and3A_147 = arith.andi %get3A_145, %and3A_146 : vector<16xi32>
      %swap3A_148 = arith.constant 16 : index
      %swap3A_149 = tpu.vector_load %arg9[%swap3A_148] {strides = array<i32>} : memref<80xi32, #tpu.memory_space<vmem>>, vector<16xi32>,
      %swap3A_150 = vector.shape_cast %swap3A_149 : vector<16xi32> to vector<16xi32>
      %swap3A_151 = vector.shape_cast %and3A_147 : vector<16xi32> to vector<16xi32>
      tpu.vector_store %arg9[%swap3A_148], %swap3A_151 {strides = array<i32>} : memref<80xi32, #tpu.memory_space<vmem>>, vector<16xi32>,
      %shift_right_logical3A_152 = arith.constant 14 : i32
      %shift_right_logical3A_153 = vector.broadcast %shift_right_logical3A_152 : i32 to vector<16xi32>
      %shift_right_logical3A_154 = arith.shrui %get3A_145, %shift_right_logical3A_153 : vector<16xi32>
      %swap3A_155 = arith.constant 16 : index
      %swap3A_156 = tpu.vector_load %arg10[%swap3A_155] {strides = array<i32>} : memref<80xi32, #tpu.memory_space<vmem>>, vector<16xi32>,
      %swap3A_157 = vector.shape_cast %swap3A_156 : vector<16xi32> to vector<16xi32>
      %swap3A_158 = vector.shape_cast %shift_right_logical3A_154 : vector<16xi32> to vector<16xi32>
      tpu.vector_store %arg10[%swap3A_155], %swap3A_158 {strides = array<i32>} : memref<80xi32, #tpu.memory_space<vmem>>, vector<16xi32>,
      %get3A_159 = arith.index_cast %add3A_124 : i32 to index
      %get3A_160 = arith.constant 32 : index
      %get3A_161 = tpu.vector_load %arg6[%get3A_159, %get3A_160] {strides = array<i32>} : memref<125x80xi32, #tpu.memory_space<vmem>>, vector<1x16xi32>,
      %get3A_162 = vector.shape_cast %get3A_161 : vector<1x16xi32> to vector<16xi32>
      %and3A_163 = vector.broadcast %squeeze3A : i32 to vector<16xi32>
      %and3A_164 = arith.andi %get3A_162, %and3A_163 : vector<16xi32>
      %swap3A_165 = arith.constant 32 : index
      %swap3A_166 = tpu.vector_load %arg9[%swap3A_165] {strides = array<i32>} : memref<80xi32, #tpu.memory_space<vmem>>, vector<16xi32>,
      %swap3A_167 = vector.shape_cast %swap3A_166 : vector<16xi32> to vector<16xi32>
      %swap3A_168 = vector.shape_cast %and3A_164 : vector<16xi32> to vector<16xi32>
      tpu.vector_store %arg9[%swap3A_165], %swap3A_168 {strides = array<i32>} : memref<80xi32, #tpu.memory_space<vmem>>, vector<16xi32>,
      %shift_right_logical3A_169 = arith.constant 14 : i32
      %shift_right_logical3A_170 = vector.broadcast %shift_right_logical3A_169 : i32 to vector<16xi32>
      %shift_right_logical3A_171 = arith.shrui %get3A_162, %shift_right_logical3A_170 : vector<16xi32>
      %swap3A_172 = arith.constant 32 : index
      %swap3A_173 = tpu.vector_load %arg10[%swap3A_172] {strides = array<i32>} : memref<80xi32, #tpu.memory_space<vmem>>, vector<16xi32>,
      %swap3A_174 = vector.shape_cast %swap3A_173 : vector<16xi32> to vector<16xi32>
      %swap3A_175 = vector.shape_cast %shift_right_logical3A_171 : vector<16xi32> to vector<16xi32>
      tpu.vector_store %arg10[%swap3A_172], %swap3A_175 {strides = array<i32>} : memref<80xi32, #tpu.memory_space<vmem>>, vector<16xi32>,
      %get3A_176 = arith.index_cast %add3A_124 : i32 to index
      %get3A_177 = arith.constant 48 : index
      %get3A_178 = tpu.vector_load %arg6[%get3A_176, %get3A_177] {strides = array<i32>} : memref<125x80xi32, #tpu.memory_space<vmem>>, vector<1x16xi32>,
      %get3A_179 = vector.shape_cast %get3A_178 : vector<1x16xi32> to vector<16xi32>
      %and3A_180 = vector.broadcast %squeeze3A : i32 to vector<16xi32>
      %and3A_181 = arith.andi %get3A_179, %and3A_180 : vector<16xi32>
      %swap3A_182 = arith.constant 48 : index
      %swap3A_183 = tpu.vector_load %arg9[%swap3A_182] {strides = array<i32>} : memref<80xi32, #tpu.memory_space<vmem>>, vector<16xi32>,
      %swap3A_184 = vector.shape_cast %swap3A_183 : vector<16xi32> to vector<16xi32>
      %swap3A_185 = vector.shape_cast %and3A_181 : vector<16xi32> to vector<16xi32>
      tpu.vector_store %arg9[%swap3A_182], %swap3A_185 {strides = array<i32>} : memref<80xi32, #tpu.memory_space<vmem>>, vector<16xi32>,
      %shift_right_logical3A_186 = arith.constant 14 : i32
      %shift_right_logical3A_187 = vector.broadcast %shift_right_logical3A_186 : i32 to vector<16xi32>
      %shift_right_logical3A_188 = arith.shrui %get3A_179, %shift_right_logical3A_187 : vector<16xi32>
      %swap3A_189 = arith.constant 48 : index
      %swap3A_190 = tpu.vector_load %arg10[%swap3A_189] {strides = array<i32>} : memref<80xi32, #tpu.memory_space<vmem>>, vector<16xi32>,
      %swap3A_191 = vector.shape_cast %swap3A_190 : vector<16xi32> to vector<16xi32>
      %swap3A_192 = vector.shape_cast %shift_right_logical3A_188 : vector<16xi32> to vector<16xi32>
      tpu.vector_store %arg10[%swap3A_189], %swap3A_192 {strides = array<i32>} : memref<80xi32, #tpu.memory_space<vmem>>, vector<16xi32>,
      %get3A_193 = arith.index_cast %add3A_124 : i32 to index
      %get3A_194 = arith.constant 64 : index
      %get3A_195 = tpu.vector_load %arg6[%get3A_193, %get3A_194] {strides = array<i32>} : memref<125x80xi32, #tpu.memory_space<vmem>>, vector<1x16xi32>,
      %get3A_196 = vector.shape_cast %get3A_195 : vector<1x16xi32> to vector<16xi32>
      %and3A_197 = vector.broadcast %squeeze3A : i32 to vector<16xi32>
      %and3A_198 = arith.andi %get3A_196, %and3A_197 : vector<16xi32>
      %swap3A_199 = arith.constant 64 : index
      %swap3A_200 = tpu.vector_load %arg9[%swap3A_199] {strides = array<i32>} : memref<80xi32, #tpu.memory_space<vmem>>, vector<16xi32>,
      %swap3A_201 = vector.shape_cast %swap3A_200 : vector<16xi32> to vector<16xi32>
      %swap3A_202 = vector.shape_cast %and3A_198 : vector<16xi32> to vector<16xi32>
      tpu.vector_store %arg9[%swap3A_199], %swap3A_202 {strides = array<i32>} : memref<80xi32, #tpu.memory_space<vmem>>, vector<16xi32>,
      %shift_right_logical3A_203 = arith.constant 14 : i32
      %shift_right_logical3A_204 = vector.broadcast %shift_right_logical3A_203 : i32 to vector<16xi32>
      %shift_right_logical3A_205 = arith.shrui %get3A_196, %shift_right_logical3A_204 : vector<16xi32>
      %swap3A_206 = arith.constant 64 : index
      %swap3A_207 = tpu.vector_load %arg10[%swap3A_206] {strides = array<i32>} : memref<80xi32, #tpu.memory_space<vmem>>, vector<16xi32>,
      %swap3A_208 = vector.shape_cast %swap3A_207 : vector<16xi32> to vector<16xi32>
      %swap3A_209 = vector.shape_cast %shift_right_logical3A_205 : vector<16xi32> to vector<16xi32>
      tpu.vector_store %arg10[%swap3A_206], %swap3A_209 {strides = array<i32>} : memref<80xi32, #tpu.memory_space<vmem>>, vector<16xi32>,
      %dma_start3A_210 = arith.constant 0 : i32
      %dma_start3A_211 = arith.constant 0 : i32
      %dma_start3A_212 = tpu.memref_slice %arg2[%dma_start3A_210, %dma_start3A_211] : memref<10000x128xf32, #tpu.memory_space<hbm>> -> memref<10000x128xf32, #tpu.memory_space<hbm>>
      tpu.enqueue_indirect_dma source(%dma_start3A_212 : memref<10000x128xf32, #tpu.memory_space<hbm>>) target(%arg12 : memref<80x128xf32, #tpu.memory_space<vmem>>) offsets(%arg9 : memref<80xi32, #tpu.memory_space<vmem>>) semaphore(%arg16 : memref<!tpu.dma_semaphore, #tpu.memory_space<semaphore_mem>>)
      %dma_wait3A_213 = arith.constant 0 : i32
      %dma_wait3A_214 = arith.constant 0 : i32
      %dma_wait3A_215 = tpu.memref_slice %arg2[%dma_wait3A_213, %dma_wait3A_214] : memref<10000x128xf32, #tpu.memory_space<hbm>> -> memref<10000x128xf32, #tpu.memory_space<hbm>>
      tpu.wait_indirect_dma semaphore(%arg15 : memref<!tpu.dma_semaphore, #tpu.memory_space<semaphore_mem>>) src(%dma_wait3A_215 : memref<10000x128xf32, #tpu.memory_space<hbm>>) dst(%arg11 : memref<80x128xf32, #tpu.memory_space<vmem>>)
      %dma_start3A_216 = arith.constant 0 : i32
      %dma_start3A_217 = arith.constant 0 : i32
      %dma_start3A_218 = tpu.memref_slice %arg14[%dma_start3A_216, %dma_start3A_217] : memref<10240x128xf32, #tpu.memory_space<vmem_shared>> -> memref<10240x128xf32, #tpu.memory_space<vmem_shared>>
      tpu.enqueue_indirect_dma source(%arg11 : memref<80x128xf32, #tpu.memory_space<vmem>>) target(%dma_start3A_218 : memref<10240x128xf32, #tpu.memory_space<vmem_shared>>) offsets(%arg8 : memref<80xi32, #tpu.memory_space<vmem>>) semaphore(%arg17 : memref<!tpu.dma_semaphore, #tpu.memory_space<semaphore_mem>>) {add = true}
      %dma_wait3A_219 = arith.constant 0 : i32
      %dma_wait3A_220 = arith.constant 0 : i32
      %dma_wait3A_221 = tpu.memref_slice %arg2[%dma_wait3A_219, %dma_wait3A_220] : memref<10000x128xf32, #tpu.memory_space<hbm>> -> memref<10000x128xf32, #tpu.memory_space<hbm>>
      tpu.wait_indirect_dma semaphore(%arg16 : memref<!tpu.dma_semaphore, #tpu.memory_space<semaphore_mem>>) src(%dma_wait3A_221 : memref<10000x128xf32, #tpu.memory_space<hbm>>) dst(%arg12 : memref<80x128xf32, #tpu.memory_space<vmem>>)
      %dma_start3A_222 = arith.constant 0 : i32
      %dma_start3A_223 = arith.constant 0 : i32
      %dma_start3A_224 = tpu.memref_slice %arg14[%dma_start3A_222, %dma_start3A_223] : memref<10240x128xf32, #tpu.memory_space<vmem_shared>> -> memref<10240x128xf32, #tpu.memory_space<vmem_shared>>
      tpu.enqueue_indirect_dma source(%arg12 : memref<80x128xf32, #tpu.memory_space<vmem>>) target(%dma_start3A_224 : memref<10240x128xf32, #tpu.memory_space<vmem_shared>>) offsets(%arg10 : memref<80xi32, #tpu.memory_space<vmem>>) semaphore(%arg17 : memref<!tpu.dma_semaphore, #tpu.memory_space<semaphore_mem>>) {add = true}
      %dma_wait3A_225 = arith.constant 0 : i32
      %dma_wait3A_226 = arith.constant 0 : i32
      %dma_wait3A_227 = tpu.memref_slice %arg14[%dma_wait3A_225, %dma_wait3A_226] : memref<10240x128xf32, #tpu.memory_space<vmem_shared>> -> memref<10240x128xf32, #tpu.memory_space<vmem_shared>>
      tpu.wait_indirect_dma semaphore(%arg17 : memref<!tpu.dma_semaphore, #tpu.memory_space<semaphore_mem>>) src(%arg11 : memref<80x128xf32, #tpu.memory_space<vmem>>) dst(%dma_wait3A_227 : memref<10240x128xf32, #tpu.memory_space<vmem_shared>>)
      %add3A_228 = arith.constant 2 : i32
      %add3A_229 = arith.addi %mul3A_122, %add3A_228 : i32
      %get3A_230 = arith.index_cast %add3A_229 : i32 to index
      %get3A_231 = arith.constant 0 : index
      %get3A_232 = tpu.vector_load %arg6[%get3A_230, %get3A_231] {strides = array<i32>} : memref<125x80xi32, #tpu.memory_space<vmem>>, vector<1x16xi32>,
      %get3A_233 = vector.shape_cast %get3A_232 : vector<1x16xi32> to vector<16xi32>
      %and3A_234 = vector.broadcast %squeeze3A : i32 to vector<16xi32>
      %and3A_235 = arith.andi %get3A_233, %and3A_234 : vector<16xi32>
      %swap3A_236 = arith.constant 0 : index
      %swap3A_237 = tpu.vector_load %arg7[%swap3A_236] {strides = array<i32>} : memref<80xi32, #tpu.memory_space<vmem>>, vector<16xi32>,
      %swap3A_238 = vector.shape_cast %swap3A_237 : vector<16xi32> to vector<16xi32>
      %swap3A_239 = vector.shape_cast %and3A_235 : vector<16xi32> to vector<16xi32>
      tpu.vector_store %arg7[%swap3A_236], %swap3A_239 {strides = array<i32>} : memref<80xi32, #tpu.memory_space<vmem>>, vector<16xi32>,
      %shift_right_logical3A_240 = arith.constant 14 : i32
      %shift_right_logical3A_241 = vector.broadcast %shift_right_logical3A_240 : i32 to vector<16xi32>
      %shift_right_logical3A_242 = arith.shrui %get3A_233, %shift_right_logical3A_241 : vector<16xi32>
      %swap3A_243 = arith.constant 0 : index
      %swap3A_244 = tpu.vector_load %arg8[%swap3A_243] {strides = array<i32>} : memref<80xi32, #tpu.memory_space<vmem>>, vector<16xi32>,
      %swap3A_245 = vector.shape_cast %swap3A_244 : vector<16xi32> to vector<16xi32>
      %swap3A_246 = vector.shape_cast %shift_right_logical3A_242 : vector<16xi32> to vector<16xi32>
      tpu.vector_store %arg8[%swap3A_243], %swap3A_246 {strides = array<i32>} : memref<80xi32, #tpu.memory_space<vmem>>, vector<16xi32>,
      %get3A_247 = arith.index_cast %add3A_229 : i32 to index
      %get3A_248 = arith.constant 16 : index
      %get3A_249 = tpu.vector_load %arg6[%get3A_247, %get3A_248] {strides = array<i32>} : memref<125x80xi32, #tpu.memory_space<vmem>>, vector<1x16xi32>,
      %get3A_250 = vector.shape_cast %get3A_249 : vector<1x16xi32> to vector<16xi32>
      %and3A_251 = vector.broadcast %squeeze3A : i32 to vector<16xi32>
      %and3A_252 = arith.andi %get3A_250, %and3A_251 : vector<16xi32>
      %swap3A_253 = arith.constant 16 : index
      %swap3A_254 = tpu.vector_load %arg7[%swap3A_253] {strides = array<i32>} : memref<80xi32, #tpu.memory_space<vmem>>, vector<16xi32>,
      %swap3A_255 = vector.shape_cast %swap3A_254 : vector<16xi32> to vector<16xi32>
      %swap3A_256 = vector.shape_cast %and3A_252 : vector<16xi32> to vector<16xi32>
      tpu.vector_store %arg7[%swap3A_253], %swap3A_256 {strides = array<i32>} : memref<80xi32, #tpu.memory_space<vmem>>, vector<16xi32>,
      %shift_right_logical3A_257 = arith.constant 14 : i32
      %shift_right_logical3A_258 = vector.broadcast %shift_right_logical3A_257 : i32 to vector<16xi32>
      %shift_right_logical3A_259 = arith.shrui %get3A_250, %shift_right_logical3A_258 : vector<16xi32>
      %swap3A_260 = arith.constant 16 : index
      %swap3A_261 = tpu.vector_load %arg8[%swap3A_260] {strides = array<i32>} : memref<80xi32, #tpu.memory_space<vmem>>, vector<16xi32>,
      %swap3A_262 = vector.shape_cast %swap3A_261 : vector<16xi32> to vector<16xi32>
      %swap3A_263 = vector.shape_cast %shift_right_logical3A_259 : vector<16xi32> to vector<16xi32>
      tpu.vector_store %arg8[%swap3A_260], %swap3A_263 {strides = array<i32>} : memref<80xi32, #tpu.memory_space<vmem>>, vector<16xi32>,
      %get3A_264 = arith.index_cast %add3A_229 : i32 to index
      %get3A_265 = arith.constant 32 : index
      %get3A_266 = tpu.vector_load %arg6[%get3A_264, %get3A_265] {strides = array<i32>} : memref<125x80xi32, #tpu.memory_space<vmem>>, vector<1x16xi32>,
      %get3A_267 = vector.shape_cast %get3A_266 : vector<1x16xi32> to vector<16xi32>
      %and3A_268 = vector.broadcast %squeeze3A : i32 to vector<16xi32>
      %and3A_269 = arith.andi %get3A_267, %and3A_268 : vector<16xi32>
      %swap3A_270 = arith.constant 32 : index
      %swap3A_271 = tpu.vector_load %arg7[%swap3A_270] {strides = array<i32>} : memref<80xi32, #tpu.memory_space<vmem>>, vector<16xi32>,
      %swap3A_272 = vector.shape_cast %swap3A_271 : vector<16xi32> to vector<16xi32>
      %swap3A_273 = vector.shape_cast %and3A_269 : vector<16xi32> to vector<16xi32>
      tpu.vector_store %arg7[%swap3A_270], %swap3A_273 {strides = array<i32>} : memref<80xi32, #tpu.memory_space<vmem>>, vector<16xi32>,
      %shift_right_logical3A_274 = arith.constant 14 : i32
      %shift_right_logical3A_275 = vector.broadcast %shift_right_logical3A_274 : i32 to vector<16xi32>
      %shift_right_logical3A_276 = arith.shrui %get3A_267, %shift_right_logical3A_275 : vector<16xi32>
      %swap3A_277 = arith.constant 32 : index
      %swap3A_278 = tpu.vector_load %arg8[%swap3A_277] {strides = array<i32>} : memref<80xi32, #tpu.memory_space<vmem>>, vector<16xi32>,
      %swap3A_279 = vector.shape_cast %swap3A_278 : vector<16xi32> to vector<16xi32>
      %swap3A_280 = vector.shape_cast %shift_right_logical3A_276 : vector<16xi32> to vector<16xi32>
      tpu.vector_store %arg8[%swap3A_277], %swap3A_280 {strides = array<i32>} : memref<80xi32, #tpu.memory_space<vmem>>, vector<16xi32>,
      %get3A_281 = arith.index_cast %add3A_229 : i32 to index
      %get3A_282 = arith.constant 48 : index
      %get3A_283 = tpu.vector_load %arg6[%get3A_281, %get3A_282] {strides = array<i32>} : memref<125x80xi32, #tpu.memory_space<vmem>>, vector<1x16xi32>,
      %get3A_284 = vector.shape_cast %get3A_283 : vector<1x16xi32> to vector<16xi32>
      %and3A_285 = vector.broadcast %squeeze3A : i32 to vector<16xi32>
      %and3A_286 = arith.andi %get3A_284, %and3A_285 : vector<16xi32>
      %swap3A_287 = arith.constant 48 : index
      %swap3A_288 = tpu.vector_load %arg7[%swap3A_287] {strides = array<i32>} : memref<80xi32, #tpu.memory_space<vmem>>, vector<16xi32>,
      %swap3A_289 = vector.shape_cast %swap3A_288 : vector<16xi32> to vector<16xi32>
      %swap3A_290 = vector.shape_cast %and3A_286 : vector<16xi32> to vector<16xi32>
      tpu.vector_store %arg7[%swap3A_287], %swap3A_290 {strides = array<i32>} : memref<80xi32, #tpu.memory_space<vmem>>, vector<16xi32>,
      %shift_right_logical3A_291 = arith.constant 14 : i32
      %shift_right_logical3A_292 = vector.broadcast %shift_right_logical3A_291 : i32 to vector<16xi32>
      %shift_right_logical3A_293 = arith.shrui %get3A_284, %shift_right_logical3A_292 : vector<16xi32>
      %swap3A_294 = arith.constant 48 : index
      %swap3A_295 = tpu.vector_load %arg8[%swap3A_294] {strides = array<i32>} : memref<80xi32, #tpu.memory_space<vmem>>, vector<16xi32>,
      %swap3A_296 = vector.shape_cast %swap3A_295 : vector<16xi32> to vector<16xi32>
      %swap3A_297 = vector.shape_cast %shift_right_logical3A_293 : vector<16xi32> to vector<16xi32>
      tpu.vector_store %arg8[%swap3A_294], %swap3A_297 {strides = array<i32>} : memref<80xi32, #tpu.memory_space<vmem>>, vector<16xi32>,
      %get3A_298 = arith.index_cast %add3A_229 : i32 to index
      %get3A_299 = arith.constant 64 : index
      %get3A_300 = tpu.vector_load %arg6[%get3A_298, %get3A_299] {strides = array<i32>} : memref<125x80xi32, #tpu.memory_space<vmem>>, vector<1x16xi32>,
      %get3A_301 = vector.shape_cast %get3A_300 : vector<1x16xi32> to vector<16xi32>
      %and3A_302 = vector.broadcast %squeeze3A : i32 to vector<16xi32>
      %and3A_303 = arith.andi %get3A_301, %and3A_302 : vector<16xi32>
      %swap3A_304 = arith.constant 64 : index
      %swap3A_305 = tpu.vector_load %arg7[%swap3A_304] {strides = array<i32>} : memref<80xi32, #tpu.memory_space<vmem>>, vector<16xi32>,
      %swap3A_306 = vector.shape_cast %swap3A_305 : vector<16xi32> to vector<16xi32>
      %swap3A_307 = vector.shape_cast %and3A_303 : vector<16xi32> to vector<16xi32>
      tpu.vector_store %arg7[%swap3A_304], %swap3A_307 {strides = array<i32>} : memref<80xi32, #tpu.memory_space<vmem>>, vector<16xi32>,
      %shift_right_logical3A_308 = arith.constant 14 : i32
      %shift_right_logical3A_309 = vector.broadcast %shift_right_logical3A_308 : i32 to vector<16xi32>
      %shift_right_logical3A_310 = arith.shrui %get3A_301, %shift_right_logical3A_309 : vector<16xi32>
      %swap3A_311 = arith.constant 64 : index
      %swap3A_312 = tpu.vector_load %arg8[%swap3A_311] {strides = array<i32>} : memref<80xi32, #tpu.memory_space<vmem>>, vector<16xi32>,
      %swap3A_313 = vector.shape_cast %swap3A_312 : vector<16xi32> to vector<16xi32>
      %swap3A_314 = vector.shape_cast %shift_right_logical3A_310 : vector<16xi32> to vector<16xi32>
      tpu.vector_store %arg8[%swap3A_311], %swap3A_314 {strides = array<i32>} : memref<80xi32, #tpu.memory_space<vmem>>, vector<16xi32>,
      %dma_start3A_315 = arith.constant 0 : i32
      %dma_start3A_316 = arith.constant 0 : i32
      %dma_start3A_317 = tpu.memref_slice %arg2[%dma_start3A_315, %dma_start3A_316] : memref<10000x128xf32, #tpu.memory_space<hbm>> -> memref<10000x128xf32, #tpu.memory_space<hbm>>
      tpu.enqueue_indirect_dma source(%dma_start3A_317 : memref<10000x128xf32, #tpu.memory_space<hbm>>) target(%arg11 : memref<80x128xf32, #tpu.memory_space<vmem>>) offsets(%arg7 : memref<80xi32, #tpu.memory_space<vmem>>) semaphore(%arg15 : memref<!tpu.dma_semaphore, #tpu.memory_space<semaphore_mem>>)
      %dma_wait3A_318 = arith.constant 0 : i32
      %dma_wait3A_319 = arith.constant 0 : i32
      %dma_wait3A_320 = tpu.memref_slice %arg14[%dma_wait3A_318, %dma_wait3A_319] : memref<10240x128xf32, #tpu.memory_space<vmem_shared>> -> memref<10240x128xf32, #tpu.memory_space<vmem_shared>>
      tpu.wait_indirect_dma semaphore(%arg17 : memref<!tpu.dma_semaphore, #tpu.memory_space<semaphore_mem>>) src(%arg12 : memref<80x128xf32, #tpu.memory_space<vmem>>) dst(%dma_wait3A_320 : memref<10240x128xf32, #tpu.memory_space<vmem_shared>>)
      %scan3A_321 = arith.constant 0 : i32
      scf.yield %scan3A_321 : i32
    }
    %scan3A_111 = arith.constant 62 : i32
    %dma_wait3A = arith.constant 0 : i32
    %dma_wait3A_112 = arith.constant 0 : i32
    %dma_wait3A_113 = tpu.memref_slice %arg2[%dma_wait3A, %dma_wait3A_112] : memref<10000x128xf32, #tpu.memory_space<hbm>> -> memref<10000x128xf32, #tpu.memory_space<hbm>>
    tpu.wait_indirect_dma semaphore(%arg15 : memref<!tpu.dma_semaphore, #tpu.memory_space<semaphore_mem>>) src(%dma_wait3A_113 : memref<10000x128xf32, #tpu.memory_space<hbm>>) dst(%arg11 : memref<80x128xf32, #tpu.memory_space<vmem>>)
    "tpu.region"() ({
      %run_scoped3A = tpu.sem_alloc : memref<!tpu.dma_semaphore, #tpu.memory_space<semaphore_mem>>
      %dma_start3A_119 = arith.constant 0 : i32
      %dma_start3A_120 = arith.constant 0 : i32
      %dma_start3A_121 = tpu.memref_slice %arg14[%dma_start3A_119, %dma_start3A_120] : memref<10240x128xf32, #tpu.memory_space<vmem_shared>> -> memref<10240x128xf32, #tpu.memory_space<vmem_shared>>
      tpu.enqueue_indirect_dma source(%arg11 : memref<80x128xf32, #tpu.memory_space<vmem>>) target(%dma_start3A_121 : memref<10240x128xf32, #tpu.memory_space<vmem_shared>>) offsets(%arg8 : memref<80xi32, #tpu.memory_space<vmem>>) semaphore(%run_scoped3A : memref<!tpu.dma_semaphore, #tpu.memory_space<semaphore_mem>>) {add = true}
      %dma_wait3A_122 = arith.constant 0 : i32
      %dma_wait3A_123 = arith.constant 0 : i32
      %dma_wait3A_124 = tpu.memref_slice %arg14[%dma_wait3A_122, %dma_wait3A_123] : memref<10240x128xf32, #tpu.memory_space<vmem_shared>> -> memref<10240x128xf32, #tpu.memory_space<vmem_shared>>
      tpu.wait_indirect_dma semaphore(%run_scoped3A : memref<!tpu.dma_semaphore, #tpu.memory_space<semaphore_mem>>) src(%arg11 : memref<80x128xf32, #tpu.memory_space<vmem>>) dst(%dma_wait3A_124 : memref<10240x128xf32, #tpu.memory_space<vmem_shared>>)
      tpu.yield
    }) : () -> ()
    %barrier3A_114 = arith.constant 0 : index
    tpu.barrier barrier_id(%barrier3A_114)
    %mul3A_115 = arith.constant 640 : i32
    %mul3A_116 = arith.muli %arg1, %mul3A_115 : i32
    %mul3A_117 = arith.constant 640 : i32
    %mul3A_118 = arith.muli %arg1, %mul3A_117 : i32
    "tpu.region"() ({
      %run_scoped3A = tpu.sem_alloc : memref<!tpu.dma_semaphore, #tpu.memory_space<semaphore_mem>>
      %dma_start3A_119 = arith.constant 0 : i32
      %dma_start3A_120 = tpu.memref_slice %arg5[%arg0, %mul3A_118, %dma_start3A_119] : memref<2x10240x128xf32, #tpu.memory_space<hbm>> -> memref<1x640x128xf32, #tpu.memory_space<hbm>>
      %dma_start3A_121 = tpu.memref_squeeze %dma_start3A_120 : memref<1x640x128xf32, #tpu.memory_space<hbm>> -> memref<640x128xf32, #tpu.memory_space<hbm>>
      %dma_start3A_122 = arith.constant 0 : i32
      %dma_start3A_123 = tpu.memref_slice %arg14[%mul3A_116, %dma_start3A_122] : memref<10240x128xf32, #tpu.memory_space<vmem_shared>> -> memref<640x128xf32, #tpu.memory_space<vmem_shared>>
      tpu.enqueue_dma source(%dma_start3A_123 : memref<640x128xf32, #tpu.memory_space<vmem_shared>>) target(%dma_start3A_121 : memref<640x128xf32, #tpu.memory_space<hbm>>) target_semaphore(%run_scoped3A : memref<!tpu.dma_semaphore, #tpu.memory_space<semaphore_mem>>)
      %dma_wait3A_124 = arith.constant 0 : i32
      %dma_wait3A_125 = tpu.memref_slice %arg5[%arg0, %mul3A_118, %dma_wait3A_124] : memref<2x10240x128xf32, #tpu.memory_space<hbm>> -> memref<1x640x128xf32, #tpu.memory_space<hbm>>
      %dma_wait3A_126 = tpu.memref_squeeze %dma_wait3A_125 : memref<1x640x128xf32, #tpu.memory_space<hbm>> -> memref<640x128xf32, #tpu.memory_space<hbm>>
      %dma_wait3A_127 = arith.constant 0 : i32
      %dma_wait3A_128 = tpu.memref_slice %arg14[%mul3A_116, %dma_wait3A_127] : memref<10240x128xf32, #tpu.memory_space<vmem_shared>> -> memref<640x128xf32, #tpu.memory_space<vmem_shared>>
      tpu.wait_dma2 semaphore(%run_scoped3A : memref<!tpu.dma_semaphore, #tpu.memory_space<semaphore_mem>>) src(%dma_wait3A_128 : memref<640x128xf32, #tpu.memory_space<vmem_shared>>) dst(%dma_wait3A_126 : memref<640x128xf32, #tpu.memory_space<hbm>>)
      tpu.yield
    }) : () -> ()
    return
  }
}

#map = affine_map<(d0, d1) -> (0, 0)>
#map1 = affine_map<(d0, d1) -> (0, 0, 0)>
#map2 = affine_map<(d0, d1) -> (0)>
module attributes {stable_mosaic.version = 14 : i64} {
  func.func @_rewritten_body(%arg0: i32, %arg1: i32, %arg2: memref<10000x128xf32, #tpu.memory_space<hbm>>, %arg3: memref<32x125x80xi32, #tpu.memory_space<hbm>>, %arg4: memref<1xi32, #tpu.memory_space<hbm>>, %arg5: memref<2x10240x128xf32, #tpu.memory_space<hbm>>, %arg6: memref<125x80xi32, #tpu.memory_space<vmem>>, %arg7: memref<80xi32, #tpu.memory_space<vmem>>, %arg8: memref<80xi32, #tpu.memory_space<vmem>>, %arg9: memref<80xi32, #tpu.memory_space<vmem>>, %arg10: memref<80xi32, #tpu.memory_space<vmem>>, %arg11: memref<80x128xf32, #tpu.memory_space<vmem>>, %arg12: memref<80x128xf32, #tpu.memory_space<vmem>>, %arg13: memref<16x128xf32, #tpu.memory_space<vmem>>, %arg14: memref<10240x128xf32, #tpu.memory_space<vmem_shared>>, %arg15: memref<!tpu.dma_semaphore, #tpu.memory_space<semaphore_mem>>, %arg16: memref<!tpu.dma_semaphore, #tpu.memory_space<semaphore_mem>>, %arg17: memref<!tpu.dma_semaphore, #tpu.memory_space<semaphore_mem>>) attributes {dimension_semantics = [#tpu.dimension_semantics<core_parallel>, #tpu.dimension_semantics<subcore_parallel>], iteration_bounds = array<i64: 2, 16>, scalar_prefetch = 0 : i64, scratch_operands = 12 : i64, tpu.core_type = #tpu.core_type<sc_vector_subcore>, window_params = [{transform_indices = #map}, {transform_indices = #map1}, {transform_indices = #map2}, {transform_indices = #map1}]} {
    %empty_ref3A = memref.alloca() : memref<16xi32, #tpu.memory_space<vmem>>
    "tpu.region"() ({
      %run_scoped3A = tpu.sem_alloc : memref<!tpu.dma_semaphore, #tpu.memory_space<semaphore_mem>>
      %dma_start3A_119 = arith.constant 0 : i32
      %dma_start3A_120 = tpu.memref_slice %empty_ref3A[%dma_start3A_119] : memref<16xi32, #tpu.memory_space<vmem>> -> memref<1xi32, #tpu.memory_space<vmem>>
      %dma_start3A_121 = arith.constant 0 : i32
      %dma_start3A_122 = tpu.memref_slice %empty_ref3A[%dma_start3A_121] : memref<16xi32, #tpu.memory_space<vmem>> -> memref<1xi32, #tpu.memory_space<vmem>>
      tpu.enqueue_dma source(%arg4 : memref<1xi32, #tpu.memory_space<hbm>>) target(%dma_start3A_122 : memref<1xi32, #tpu.memory_space<vmem>>) target_semaphore(%run_scoped3A : memref<!tpu.dma_semaphore, #tpu.memory_space<semaphore_mem>>)
      %dma_wait3A_123 = arith.constant 0 : i32
      %dma_wait3A_124 = tpu.memref_slice %empty_ref3A[%dma_wait3A_123] : memref<16xi32, #tpu.memory_space<vmem>> -> memref<1xi32, #tpu.memory_space<vmem>>
      %dma_wait3A_125 = arith.constant 0 : i32
      %dma_wait3A_126 = tpu.memref_slice %empty_ref3A[%dma_wait3A_125] : memref<16xi32, #tpu.memory_space<vmem>> -> memref<1xi32, #tpu.memory_space<vmem>>
      tpu.wait_dma2 semaphore(%run_scoped3A : memref<!tpu.dma_semaphore, #tpu.memory_space<semaphore_mem>>) src(%arg4 : memref<1xi32, #tpu.memory_space<hbm>>) dst(%dma_wait3A_126 : memref<1xi32, #tpu.memory_space<vmem>>)
      tpu.yield
    }) : () -> ()
    %get3A = arith.constant 0 : index
    %get3A_0 = tpu.vector_load %empty_ref3A[%get3A] {strides = array<i32>} : memref<16xi32, #tpu.memory_space<vmem>>, vector<16xi32>,
    %get3A_1 = vector.shape_cast %get3A_0 : vector<16xi32> to vector<16xi32>
    %slice3A = vector.extract_strided_slice %get3A_1 {offsets = [0], sizes = [1], strides = [1]} : vector<16xi32> to vector<1xi32>
    %squeeze3A = vector.extract %slice3A[0] : i32 from vector<1xi32>
    %mul3A = arith.constant 2 : i32
    %mul3A_2 = arith.muli %arg1, %mul3A : i32
    %add3A = arith.addi %mul3A_2, %arg0 : i32
    "tpu.region"() ({
      %run_scoped3A = tpu.sem_alloc : memref<!tpu.dma_semaphore, #tpu.memory_space<semaphore_mem>>
      %dma_start3A_119 = arith.constant 0 : i32
      %dma_start3A_120 = arith.constant 0 : i32
      %dma_start3A_121 = tpu.memref_slice %arg3[%add3A, %dma_start3A_119, %dma_start3A_120] : memref<32x125x80xi32, #tpu.memory_space<hbm>> -> memref<1x125x80xi32, #tpu.memory_space<hbm>>
      %dma_start3A_122 = tpu.memref_squeeze %dma_start3A_121 : memref<1x125x80xi32, #tpu.memory_space<hbm>> -> memref<125x80xi32, #tpu.memory_space<hbm>>
      %dma_start3A_123 = arith.constant 0 : i32
      %dma_start3A_124 = arith.constant 0 : i32
      %dma_start3A_125 = tpu.memref_slice %arg3[%add3A, %dma_start3A_123, %dma_start3A_124] : memref<32x125x80xi32, #tpu.memory_space<hbm>> -> memref<1x125x80xi32, #tpu.memory_space<hbm>>
      %dma_start3A_126 = tpu.memref_squeeze %dma_start3A_125 : memref<1x125x80xi32, #tpu.memory_space<hbm>> -> memref<125x80xi32, #tpu.memory_space<hbm>>
      tpu.enqueue_dma source(%dma_start3A_126 : memref<125x80xi32, #tpu.memory_space<hbm>>) target(%arg6 : memref<125x80xi32, #tpu.memory_space<vmem>>) target_semaphore(%run_scoped3A : memref<!tpu.dma_semaphore, #tpu.memory_space<semaphore_mem>>)
      %dma_wait3A_127 = arith.constant 0 : i32
      %dma_wait3A_128 = arith.constant 0 : i32
      %dma_wait3A_129 = tpu.memref_slice %arg3[%add3A, %dma_wait3A_127, %dma_wait3A_128] : memref<32x125x80xi32, #tpu.memory_space<hbm>> -> memref<1x125x80xi32, #tpu.memory_space<hbm>>
      %dma_wait3A_130 = tpu.memref_squeeze %dma_wait3A_129 : memref<1x125x80xi32, #tpu.memory_space<hbm>> -> memref<125x80xi32, #tpu.memory_space<hbm>>
      %dma_wait3A_131 = arith.constant 0 : i32
      %dma_wait3A_132 = arith.constant 0 : i32
      %dma_wait3A_133 = tpu.memref_slice %arg3[%add3A, %dma_wait3A_131, %dma_wait3A_132] : memref<32x125x80xi32, #tpu.memory_space<hbm>> -> memref<1x125x80xi32, #tpu.memory_space<hbm>>
      %dma_wait3A_134 = tpu.memref_squeeze %dma_wait3A_133 : memref<1x125x80xi32, #tpu.memory_space<hbm>> -> memref<125x80xi32, #tpu.memory_space<hbm>>
      tpu.wait_dma2 semaphore(%run_scoped3A : memref<!tpu.dma_semaphore, #tpu.memory_space<semaphore_mem>>) src(%dma_wait3A_134 : memref<125x80xi32, #tpu.memory_space<hbm>>) dst(%arg6 : memref<125x80xi32, #tpu.memory_space<vmem>>)
      tpu.yield
    }) : () -> ()
    %scan3A = arith.constant 0 : i32
    %scan3A_3 = arith.constant 0 : i32
    %scan3A_4 = arith.constant 16 : i32
    %scan3A_5 = arith.addi %scan3A_3, %scan3A_4 : i32
    %scan3A_6 = arith.constant 1 : i32
    %scan3A_7 = scf.for %scan3A_119 = %scan3A_3 to %scan3A_5 step %scan3A_6 iter_args(%scan3A_120 = %scan3A) -> (i32)  : i32 {
      %broadcast_in_dim3A = arith.constant 0.000000e+00 : f32
      %broadcast_in_dim3A_121 = vector.broadcast %broadcast_in_dim3A : f32 to vector<16xf32>
      %swap3A_122 = arith.index_cast %scan3A_119 : i32 to index
      %swap3A_123 = arith.constant 0 : index
      %swap3A_124 = tpu.vector_load %arg13[%swap3A_122, %swap3A_123] {strides = array<i32>} : memref<16x128xf32, #tpu.memory_space<vmem>>, vector<1x16xf32>,
      %swap3A_125 = vector.shape_cast %swap3A_124 : vector<1x16xf32> to vector<16xf32>
      %swap3A_126 = vector.shape_cast %broadcast_in_dim3A_121 : vector<16xf32> to vector<1x16xf32>
      tpu.vector_store %arg13[%swap3A_122, %swap3A_123], %swap3A_126 {strides = array<i32>} : memref<16x128xf32, #tpu.memory_space<vmem>>, vector<1x16xf32>,
      %broadcast_in_dim3A_127 = arith.constant 0.000000e+00 : f32
      %broadcast_in_dim3A_128 = vector.broadcast %broadcast_in_dim3A_127 : f32 to vector<16xf32>
      %swap3A_129 = arith.index_cast %scan3A_119 : i32 to index
      %swap3A_130 = arith.constant 16 : index
      %swap3A_131 = tpu.vector_load %arg13[%swap3A_129, %swap3A_130] {strides = array<i32>} : memref<16x128xf32, #tpu.memory_space<vmem>>, vector<1x16xf32>,
      %swap3A_132 = vector.shape_cast %swap3A_131 : vector<1x16xf32> to vector<16xf32>
      %swap3A_133 = vector.shape_cast %broadcast_in_dim3A_128 : vector<16xf32> to vector<1x16xf32>
      tpu.vector_store %arg13[%swap3A_129, %swap3A_130], %swap3A_133 {strides = array<i32>} : memref<16x128xf32, #tpu.memory_space<vmem>>, vector<1x16xf32>,
      %broadcast_in_dim3A_134 = arith.constant 0.000000e+00 : f32
      %broadcast_in_dim3A_135 = vector.broadcast %broadcast_in_dim3A_134 : f32 to vector<16xf32>
      %swap3A_136 = arith.index_cast %scan3A_119 : i32 to index
      %swap3A_137 = arith.constant 32 : index
      %swap3A_138 = tpu.vector_load %arg13[%swap3A_136, %swap3A_137] {strides = array<i32>} : memref<16x128xf32, #tpu.memory_space<vmem>>, vector<1x16xf32>,
      %swap3A_139 = vector.shape_cast %swap3A_138 : vector<1x16xf32> to vector<16xf32>
      %swap3A_140 = vector.shape_cast %broadcast_in_dim3A_135 : vector<16xf32> to vector<1x16xf32>
      tpu.vector_store %arg13[%swap3A_136, %swap3A_137], %swap3A_140 {strides = array<i32>} : memref<16x128xf32, #tpu.memory_space<vmem>>, vector<1x16xf32>,
      %broadcast_in_dim3A_141 = arith.constant 0.000000e+00 : f32
      %broadcast_in_dim3A_142 = vector.broadcast %broadcast_in_dim3A_141 : f32 to vector<16xf32>
      %swap3A_143 = arith.index_cast %scan3A_119 : i32 to index
      %swap3A_144 = arith.constant 48 : index
      %swap3A_145 = tpu.vector_load %arg13[%swap3A_143, %swap3A_144] {strides = array<i32>} : memref<16x128xf32, #tpu.memory_space<vmem>>, vector<1x16xf32>,
      %swap3A_146 = vector.shape_cast %swap3A_145 : vector<1x16xf32> to vector<16xf32>
      %swap3A_147 = vector.shape_cast %broadcast_in_dim3A_142 : vector<16xf32> to vector<1x16xf32>
      tpu.vector_store %arg13[%swap3A_143, %swap3A_144], %swap3A_147 {strides = array<i32>} : memref<16x128xf32, #tpu.memory_space<vmem>>, vector<1x16xf32>,
      %broadcast_in_dim3A_148 = arith.constant 0.000000e+00 : f32
      %broadcast_in_dim3A_149 = vector.broadcast %broadcast_in_dim3A_148 : f32 to vector<16xf32>
      %swap3A_150 = arith.index_cast %scan3A_119 : i32 to index
      %swap3A_151 = arith.constant 64 : index
      %swap3A_152 = tpu.vector_load %arg13[%swap3A_150, %swap3A_151] {strides = array<i32>} : memref<16x128xf32, #tpu.memory_space<vmem>>, vector<1x16xf32>,
      %swap3A_153 = vector.shape_cast %swap3A_152 : vector<1x16xf32> to vector<16xf32>
      %swap3A_154 = vector.shape_cast %broadcast_in_dim3A_149 : vector<16xf32> to vector<1x16xf32>
      tpu.vector_store %arg13[%swap3A_150, %swap3A_151], %swap3A_154 {strides = array<i32>} : memref<16x128xf32, #tpu.memory_space<vmem>>, vector<1x16xf32>,
      %broadcast_in_dim3A_155 = arith.constant 0.000000e+00 : f32
      %broadcast_in_dim3A_156 = vector.broadcast %broadcast_in_dim3A_155 : f32 to vector<16xf32>
      %swap3A_157 = arith.index_cast %scan3A_119 : i32 to index
      %swap3A_158 = arith.constant 80 : index
      %swap3A_159 = tpu.vector_load %arg13[%swap3A_157, %swap3A_158] {strides = array<i32>} : memref<16x128xf32, #tpu.memory_space<vmem>>, vector<1x16xf32>,
      %swap3A_160 = vector.shape_cast %swap3A_159 : vector<1x16xf32> to vector<16xf32>
      %swap3A_161 = vector.shape_cast %broadcast_in_dim3A_156 : vector<16xf32> to vector<1x16xf32>
      tpu.vector_store %arg13[%swap3A_157, %swap3A_158], %swap3A_161 {strides = array<i32>} : memref<16x128xf32, #tpu.memory_space<vmem>>, vector<1x16xf32>,
      %broadcast_in_dim3A_162 = arith.constant 0.000000e+00 : f32
      %broadcast_in_dim3A_163 = vector.broadcast %broadcast_in_dim3A_162 : f32 to vector<16xf32>
      %swap3A_164 = arith.index_cast %scan3A_119 : i32 to index
      %swap3A_165 = arith.constant 96 : index
      %swap3A_166 = tpu.vector_load %arg13[%swap3A_164, %swap3A_165] {strides = array<i32>} : memref<16x128xf32, #tpu.memory_space<vmem>>, vector<1x16xf32>,
      %swap3A_167 = vector.shape_cast %swap3A_166 : vector<1x16xf32> to vector<16xf32>
      %swap3A_168 = vector.shape_cast %broadcast_in_dim3A_163 : vector<16xf32> to vector<1x16xf32>
      tpu.vector_store %arg13[%swap3A_164, %swap3A_165], %swap3A_168 {strides = array<i32>} : memref<16x128xf32, #tpu.memory_space<vmem>>, vector<1x16xf32>,
      %broadcast_in_dim3A_169 = arith.constant 0.000000e+00 : f32
      %broadcast_in_dim3A_170 = vector.broadcast %broadcast_in_dim3A_169 : f32 to vector<16xf32>
      %swap3A_171 = arith.index_cast %scan3A_119 : i32 to index
      %swap3A_172 = arith.constant 112 : index
      %swap3A_173 = tpu.vector_load %arg13[%swap3A_171, %swap3A_172] {strides = array<i32>} : memref<16x128xf32, #tpu.memory_space<vmem>>, vector<1x16xf32>,
      %swap3A_174 = vector.shape_cast %swap3A_173 : vector<1x16xf32> to vector<16xf32>
      %swap3A_175 = vector.shape_cast %broadcast_in_dim3A_170 : vector<16xf32> to vector<1x16xf32>
      tpu.vector_store %arg13[%swap3A_171, %swap3A_172], %swap3A_175 {strides = array<i32>} : memref<16x128xf32, #tpu.memory_space<vmem>>, vector<1x16xf32>,
      %scan3A_176 = arith.constant 0 : i32
      scf.yield %scan3A_176 : i32
    }
    %scan3A_8 = arith.constant 16 : i32
    %scan3A_9 = arith.constant 0 : i32
    %scan3A_10 = arith.constant 0 : i32
    %scan3A_11 = arith.constant 40 : i32
    %scan3A_12 = arith.addi %scan3A_10, %scan3A_11 : i32
    %scan3A_13 = arith.constant 1 : i32
    %scan3A_14 = scf.for %scan3A_119 = %scan3A_10 to %scan3A_12 step %scan3A_13 iter_args(%scan3A_120 = %scan3A_9) -> (i32)  : i32 {
      %mul3A_121 = arith.constant 640 : i32
      %mul3A_122 = arith.muli %arg1, %mul3A_121 : i32
      %mul3A_123 = arith.constant 16 : i32
      %mul3A_124 = arith.muli %scan3A_119, %mul3A_123 : i32
      %add3A_125 = arith.addi %mul3A_122, %mul3A_124 : i32
      "tpu.region"() ({
        %run_scoped3A = tpu.sem_alloc : memref<!tpu.dma_semaphore, #tpu.memory_space<semaphore_mem>>
        %dma_start3A_127 = arith.constant 0 : i32
        %dma_start3A_128 = tpu.memref_slice %arg14[%add3A_125, %dma_start3A_127] : memref<10240x128xf32, #tpu.memory_space<vmem_shared>> -> memref<16x128xf32, #tpu.memory_space<vmem_shared>>
        %dma_start3A_129 = arith.constant 0 : i32
        %dma_start3A_130 = tpu.memref_slice %arg14[%add3A_125, %dma_start3A_129] : memref<10240x128xf32, #tpu.memory_space<vmem_shared>> -> memref<16x128xf32, #tpu.memory_space<vmem_shared>>
        tpu.enqueue_dma source(%arg13 : memref<16x128xf32, #tpu.memory_space<vmem>>) target(%dma_start3A_130 : memref<16x128xf32, #tpu.memory_space<vmem_shared>>) target_semaphore(%run_scoped3A : memref<!tpu.dma_semaphore, #tpu.memory_space<semaphore_mem>>)
        %dma_wait3A_131 = arith.constant 0 : i32
        %dma_wait3A_132 = tpu.memref_slice %arg14[%add3A_125, %dma_wait3A_131] : memref<10240x128xf32, #tpu.memory_space<vmem_shared>> -> memref<16x128xf32, #tpu.memory_space<vmem_shared>>
        %dma_wait3A_133 = arith.constant 0 : i32
        %dma_wait3A_134 = tpu.memref_slice %arg14[%add3A_125, %dma_wait3A_133] : memref<10240x128xf32, #tpu.memory_space<vmem_shared>> -> memref<16x128xf32, #tpu.memory_space<vmem_shared>>
        tpu.wait_dma2 semaphore(%run_scoped3A : memref<!tpu.dma_semaphore, #tpu.memory_space<semaphore_mem>>) src(%arg13 : memref<16x128xf32, #tpu.memory_space<vmem>>) dst(%dma_wait3A_134 : memref<16x128xf32, #tpu.memory_space<vmem_shared>>)
        tpu.yield
      }) : () -> ()
      %scan3A_126 = arith.constant 0 : i32
      scf.yield %scan3A_126 : i32
    }
    %scan3A_15 = arith.constant 40 : i32
    %barrier3A = arith.constant 0 : index
    tpu.barrier barrier_id(%barrier3A)
    %get3A_16 = arith.constant 0 : i32
    %get3A_17 = arith.index_cast %get3A_16 : i32 to index
    %get3A_18 = arith.constant 0 : index
    %get3A_19 = tpu.vector_load %arg6[%get3A_17, %get3A_18] {strides = array<i32>} : memref<125x80xi32, #tpu.memory_space<vmem>>, vector<1x16xi32>,
    %get3A_20 = vector.shape_cast %get3A_19 : vector<1x16xi32> to vector<16xi32>
    %and3A = vector.broadcast %squeeze3A : i32 to vector<16xi32>
    %and3A_21 = arith.andi %get3A_20, %and3A : vector<16xi32>
    %swap3A = arith.constant 0 : index
    %swap3A_22 = tpu.vector_load %arg7[%swap3A] {strides = array<i32>} : memref<80xi32, #tpu.memory_space<vmem>>, vector<16xi32>,
    %swap3A_23 = vector.shape_cast %swap3A_22 : vector<16xi32> to vector<16xi32>
    %swap3A_24 = vector.shape_cast %and3A_21 : vector<16xi32> to vector<16xi32>
    tpu.vector_store %arg7[%swap3A], %swap3A_24 {strides = array<i32>} : memref<80xi32, #tpu.memory_space<vmem>>, vector<16xi32>,
    %shift_right_logical3A = arith.constant 14 : i32
    %shift_right_logical3A_25 = vector.broadcast %shift_right_logical3A : i32 to vector<16xi32>
    %shift_right_logical3A_26 = arith.shrui %get3A_20, %shift_right_logical3A_25 : vector<16xi32>
    %swap3A_27 = arith.constant 0 : index
    %swap3A_28 = tpu.vector_load %arg8[%swap3A_27] {strides = array<i32>} : memref<80xi32, #tpu.memory_space<vmem>>, vector<16xi32>,
    %swap3A_29 = vector.shape_cast %swap3A_28 : vector<16xi32> to vector<16xi32>
    %swap3A_30 = vector.shape_cast %shift_right_logical3A_26 : vector<16xi32> to vector<16xi32>
    tpu.vector_store %arg8[%swap3A_27], %swap3A_30 {strides = array<i32>} : memref<80xi32, #tpu.memory_space<vmem>>, vector<16xi32>,
    %get3A_31 = arith.constant 0 : i32
    %get3A_32 = arith.index_cast %get3A_31 : i32 to index
    %get3A_33 = arith.constant 16 : index
    %get3A_34 = tpu.vector_load %arg6[%get3A_32, %get3A_33] {strides = array<i32>} : memref<125x80xi32, #tpu.memory_space<vmem>>, vector<1x16xi32>,
    %get3A_35 = vector.shape_cast %get3A_34 : vector<1x16xi32> to vector<16xi32>
    %and3A_36 = vector.broadcast %squeeze3A : i32 to vector<16xi32>
    %and3A_37 = arith.andi %get3A_35, %and3A_36 : vector<16xi32>
    %swap3A_38 = arith.constant 16 : index
    %swap3A_39 = tpu.vector_load %arg7[%swap3A_38] {strides = array<i32>} : memref<80xi32, #tpu.memory_space<vmem>>, vector<16xi32>,
    %swap3A_40 = vector.shape_cast %swap3A_39 : vector<16xi32> to vector<16xi32>
    %swap3A_41 = vector.shape_cast %and3A_37 : vector<16xi32> to vector<16xi32>
    tpu.vector_store %arg7[%swap3A_38], %swap3A_41 {strides = array<i32>} : memref<80xi32, #tpu.memory_space<vmem>>, vector<16xi32>,
    %shift_right_logical3A_42 = arith.constant 14 : i32
    %shift_right_logical3A_43 = vector.broadcast %shift_right_logical3A_42 : i32 to vector<16xi32>
    %shift_right_logical3A_44 = arith.shrui %get3A_35, %shift_right_logical3A_43 : vector<16xi32>
    %swap3A_45 = arith.constant 16 : index
    %swap3A_46 = tpu.vector_load %arg8[%swap3A_45] {strides = array<i32>} : memref<80xi32, #tpu.memory_space<vmem>>, vector<16xi32>,
    %swap3A_47 = vector.shape_cast %swap3A_46 : vector<16xi32> to vector<16xi32>
    %swap3A_48 = vector.shape_cast %shift_right_logical3A_44 : vector<16xi32> to vector<16xi32>
    tpu.vector_store %arg8[%swap3A_45], %swap3A_48 {strides = array<i32>} : memref<80xi32, #tpu.memory_space<vmem>>, vector<16xi32>,
    %get3A_49 = arith.constant 0 : i32
    %get3A_50 = arith.index_cast %get3A_49 : i32 to index
    %get3A_51 = arith.constant 32 : index
    %get3A_52 = tpu.vector_load %arg6[%get3A_50, %get3A_51] {strides = array<i32>} : memref<125x80xi32, #tpu.memory_space<vmem>>, vector<1x16xi32>,
    %get3A_53 = vector.shape_cast %get3A_52 : vector<1x16xi32> to vector<16xi32>
    %and3A_54 = vector.broadcast %squeeze3A : i32 to vector<16xi32>
    %and3A_55 = arith.andi %get3A_53, %and3A_54 : vector<16xi32>
    %swap3A_56 = arith.constant 32 : index
    %swap3A_57 = tpu.vector_load %arg7[%swap3A_56] {strides = array<i32>} : memref<80xi32, #tpu.memory_space<vmem>>, vector<16xi32>,
    %swap3A_58 = vector.shape_cast %swap3A_57 : vector<16xi32> to vector<16xi32>
    %swap3A_59 = vector.shape_cast %and3A_55 : vector<16xi32> to vector<16xi32>
    tpu.vector_store %arg7[%swap3A_56], %swap3A_59 {strides = array<i32>} : memref<80xi32, #tpu.memory_space<vmem>>, vector<16xi32>,
    %shift_right_logical3A_60 = arith.constant 14 : i32
    %shift_right_logical3A_61 = vector.broadcast %shift_right_logical3A_60 : i32 to vector<16xi32>
    %shift_right_logical3A_62 = arith.shrui %get3A_53, %shift_right_logical3A_61 : vector<16xi32>
    %swap3A_63 = arith.constant 32 : index
    %swap3A_64 = tpu.vector_load %arg8[%swap3A_63] {strides = array<i32>} : memref<80xi32, #tpu.memory_space<vmem>>, vector<16xi32>,
    %swap3A_65 = vector.shape_cast %swap3A_64 : vector<16xi32> to vector<16xi32>
    %swap3A_66 = vector.shape_cast %shift_right_logical3A_62 : vector<16xi32> to vector<16xi32>
    tpu.vector_store %arg8[%swap3A_63], %swap3A_66 {strides = array<i32>} : memref<80xi32, #tpu.memory_space<vmem>>, vector<16xi32>,
    %get3A_67 = arith.constant 0 : i32
    %get3A_68 = arith.index_cast %get3A_67 : i32 to index
    %get3A_69 = arith.constant 48 : index
    %get3A_70 = tpu.vector_load %arg6[%get3A_68, %get3A_69] {strides = array<i32>} : memref<125x80xi32, #tpu.memory_space<vmem>>, vector<1x16xi32>,
    %get3A_71 = vector.shape_cast %get3A_70 : vector<1x16xi32> to vector<16xi32>
    %and3A_72 = vector.broadcast %squeeze3A : i32 to vector<16xi32>
    %and3A_73 = arith.andi %get3A_71, %and3A_72 : vector<16xi32>
    %swap3A_74 = arith.constant 48 : index
    %swap3A_75 = tpu.vector_load %arg7[%swap3A_74] {strides = array<i32>} : memref<80xi32, #tpu.memory_space<vmem>>, vector<16xi32>,
    %swap3A_76 = vector.shape_cast %swap3A_75 : vector<16xi32> to vector<16xi32>
    %swap3A_77 = vector.shape_cast %and3A_73 : vector<16xi32> to vector<16xi32>
    tpu.vector_store %arg7[%swap3A_74], %swap3A_77 {strides = array<i32>} : memref<80xi32, #tpu.memory_space<vmem>>, vector<16xi32>,
    %shift_right_logical3A_78 = arith.constant 14 : i32
    %shift_right_logical3A_79 = vector.broadcast %shift_right_logical3A_78 : i32 to vector<16xi32>
    %shift_right_logical3A_80 = arith.shrui %get3A_71, %shift_right_logical3A_79 : vector<16xi32>
    %swap3A_81 = arith.constant 48 : index
    %swap3A_82 = tpu.vector_load %arg8[%swap3A_81] {strides = array<i32>} : memref<80xi32, #tpu.memory_space<vmem>>, vector<16xi32>,
    %swap3A_83 = vector.shape_cast %swap3A_82 : vector<16xi32> to vector<16xi32>
    %swap3A_84 = vector.shape_cast %shift_right_logical3A_80 : vector<16xi32> to vector<16xi32>
    tpu.vector_store %arg8[%swap3A_81], %swap3A_84 {strides = array<i32>} : memref<80xi32, #tpu.memory_space<vmem>>, vector<16xi32>,
    %get3A_85 = arith.constant 0 : i32
    %get3A_86 = arith.index_cast %get3A_85 : i32 to index
    %get3A_87 = arith.constant 64 : index
    %get3A_88 = tpu.vector_load %arg6[%get3A_86, %get3A_87] {strides = array<i32>} : memref<125x80xi32, #tpu.memory_space<vmem>>, vector<1x16xi32>,
    %get3A_89 = vector.shape_cast %get3A_88 : vector<1x16xi32> to vector<16xi32>
    %and3A_90 = vector.broadcast %squeeze3A : i32 to vector<16xi32>
    %and3A_91 = arith.andi %get3A_89, %and3A_90 : vector<16xi32>
    %swap3A_92 = arith.constant 64 : index
    %swap3A_93 = tpu.vector_load %arg7[%swap3A_92] {strides = array<i32>} : memref<80xi32, #tpu.memory_space<vmem>>, vector<16xi32>,
    %swap3A_94 = vector.shape_cast %swap3A_93 : vector<16xi32> to vector<16xi32>
    %swap3A_95 = vector.shape_cast %and3A_91 : vector<16xi32> to vector<16xi32>
    tpu.vector_store %arg7[%swap3A_92], %swap3A_95 {strides = array<i32>} : memref<80xi32, #tpu.memory_space<vmem>>, vector<16xi32>,
    %shift_right_logical3A_96 = arith.constant 14 : i32
    %shift_right_logical3A_97 = vector.broadcast %shift_right_logical3A_96 : i32 to vector<16xi32>
    %shift_right_logical3A_98 = arith.shrui %get3A_89, %shift_right_logical3A_97 : vector<16xi32>
    %swap3A_99 = arith.constant 64 : index
    %swap3A_100 = tpu.vector_load %arg8[%swap3A_99] {strides = array<i32>} : memref<80xi32, #tpu.memory_space<vmem>>, vector<16xi32>,
    %swap3A_101 = vector.shape_cast %swap3A_100 : vector<16xi32> to vector<16xi32>
    %swap3A_102 = vector.shape_cast %shift_right_logical3A_98 : vector<16xi32> to vector<16xi32>
    tpu.vector_store %arg8[%swap3A_99], %swap3A_102 {strides = array<i32>} : memref<80xi32, #tpu.memory_space<vmem>>, vector<16xi32>,
    %dma_start3A = arith.constant 0 : i32
    %dma_start3A_103 = arith.constant 0 : i32
    %dma_start3A_104 = tpu.memref_slice %arg2[%dma_start3A, %dma_start3A_103] : memref<10000x128xf32, #tpu.memory_space<hbm>> -> memref<10000x128xf32, #tpu.memory_space<hbm>>
    tpu.enqueue_indirect_dma source(%dma_start3A_104 : memref<10000x128xf32, #tpu.memory_space<hbm>>) target(%arg11 : memref<80x128xf32, #tpu.memory_space<vmem>>) offsets(%arg7 : memref<80xi32, #tpu.memory_space<vmem>>) semaphore(%arg15 : memref<!tpu.dma_semaphore, #tpu.memory_space<semaphore_mem>>)
    %scan3A_105 = arith.constant 0 : i32
    %scan3A_106 = arith.constant 0 : i32
    %scan3A_107 = arith.constant 62 : i32
    %scan3A_108 = arith.addi %scan3A_106, %scan3A_107 : i32
    %scan3A_109 = arith.constant 1 : i32
    %scan3A_110 = scf.for %scan3A_119 = %scan3A_106 to %scan3A_108 step %scan3A_109 iter_args(%scan3A_120 = %scan3A_105) -> (i32)  : i32 {
      %mul3A_121 = arith.constant 2 : i32
      %mul3A_122 = arith.muli %scan3A_119, %mul3A_121 : i32
      %add3A_123 = arith.constant 1 : i32
      %add3A_124 = arith.addi %mul3A_122, %add3A_123 : i32
      %get3A_125 = arith.index_cast %add3A_124 : i32 to index
      %get3A_126 = arith.constant 0 : index
      %get3A_127 = tpu.vector_load %arg6[%get3A_125, %get3A_126] {strides = array<i32>} : memref<125x80xi32, #tpu.memory_space<vmem>>, vector<1x16xi32>,
      %get3A_128 = vector.shape_cast %get3A_127 : vector<1x16xi32> to vector<16xi32>
      %and3A_129 = vector.broadcast %squeeze3A : i32 to vector<16xi32>
      %and3A_130 = arith.andi %get3A_128, %and3A_129 : vector<16xi32>
      %swap3A_131 = arith.constant 0 : index
      %swap3A_132 = tpu.vector_load %arg9[%swap3A_131] {strides = array<i32>} : memref<80xi32, #tpu.memory_space<vmem>>, vector<16xi32>,
      %swap3A_133 = vector.shape_cast %swap3A_132 : vector<16xi32> to vector<16xi32>
      %swap3A_134 = vector.shape_cast %and3A_130 : vector<16xi32> to vector<16xi32>
      tpu.vector_store %arg9[%swap3A_131], %swap3A_134 {strides = array<i32>} : memref<80xi32, #tpu.memory_space<vmem>>, vector<16xi32>,
      %shift_right_logical3A_135 = arith.constant 14 : i32
      %shift_right_logical3A_136 = vector.broadcast %shift_right_logical3A_135 : i32 to vector<16xi32>
      %shift_right_logical3A_137 = arith.shrui %get3A_128, %shift_right_logical3A_136 : vector<16xi32>
      %swap3A_138 = arith.constant 0 : index
      %swap3A_139 = tpu.vector_load %arg10[%swap3A_138] {strides = array<i32>} : memref<80xi32, #tpu.memory_space<vmem>>, vector<16xi32>,
      %swap3A_140 = vector.shape_cast %swap3A_139 : vector<16xi32> to vector<16xi32>
      %swap3A_141 = vector.shape_cast %shift_right_logical3A_137 : vector<16xi32> to vector<16xi32>
      tpu.vector_store %arg10[%swap3A_138], %swap3A_141 {strides = array<i32>} : memref<80xi32, #tpu.memory_space<vmem>>, vector<16xi32>,
      %get3A_142 = arith.index_cast %add3A_124 : i32 to index
      %get3A_143 = arith.constant 16 : index
      %get3A_144 = tpu.vector_load %arg6[%get3A_142, %get3A_143] {strides = array<i32>} : memref<125x80xi32, #tpu.memory_space<vmem>>, vector<1x16xi32>,
      %get3A_145 = vector.shape_cast %get3A_144 : vector<1x16xi32> to vector<16xi32>
      %and3A_146 = vector.broadcast %squeeze3A : i32 to vector<16xi32>
      %and3A_147 = arith.andi %get3A_145, %and3A_146 : vector<16xi32>
      %swap3A_148 = arith.constant 16 : index
      %swap3A_149 = tpu.vector_load %arg9[%swap3A_148] {strides = array<i32>} : memref<80xi32, #tpu.memory_space<vmem>>, vector<16xi32>,
      %swap3A_150 = vector.shape_cast %swap3A_149 : vector<16xi32> to vector<16xi32>
      %swap3A_151 = vector.shape_cast %and3A_147 : vector<16xi32> to vector<16xi32>
      tpu.vector_store %arg9[%swap3A_148], %swap3A_151 {strides = array<i32>} : memref<80xi32, #tpu.memory_space<vmem>>, vector<16xi32>,
      %shift_right_logical3A_152 = arith.constant 14 : i32
      %shift_right_logical3A_153 = vector.broadcast %shift_right_logical3A_152 : i32 to vector<16xi32>
      %shift_right_logical3A_154 = arith.shrui %get3A_145, %shift_right_logical3A_153 : vector<16xi32>
      %swap3A_155 = arith.constant 16 : index
      %swap3A_156 = tpu.vector_load %arg10[%swap3A_155] {strides = array<i32>} : memref<80xi32, #tpu.memory_space<vmem>>, vector<16xi32>,
      %swap3A_157 = vector.shape_cast %swap3A_156 : vector<16xi32> to vector<16xi32>
      %swap3A_158 = vector.shape_cast %shift_right_logical3A_154 : vector<16xi32> to vector<16xi32>
      tpu.vector_store %arg10[%swap3A_155], %swap3A_158 {strides = array<i32>} : memref<80xi32, #tpu.memory_space<vmem>>, vector<16xi32>,
      %get3A_159 = arith.index_cast %add3A_124 : i32 to index
      %get3A_160 = arith.constant 32 : index
      %get3A_161 = tpu.vector_load %arg6[%get3A_159, %get3A_160] {strides = array<i32>} : memref<125x80xi32, #tpu.memory_space<vmem>>, vector<1x16xi32>,
      %get3A_162 = vector.shape_cast %get3A_161 : vector<1x16xi32> to vector<16xi32>
      %and3A_163 = vector.broadcast %squeeze3A : i32 to vector<16xi32>
      %and3A_164 = arith.andi %get3A_162, %and3A_163 : vector<16xi32>
      %swap3A_165 = arith.constant 32 : index
      %swap3A_166 = tpu.vector_load %arg9[%swap3A_165] {strides = array<i32>} : memref<80xi32, #tpu.memory_space<vmem>>, vector<16xi32>,
      %swap3A_167 = vector.shape_cast %swap3A_166 : vector<16xi32> to vector<16xi32>
      %swap3A_168 = vector.shape_cast %and3A_164 : vector<16xi32> to vector<16xi32>
      tpu.vector_store %arg9[%swap3A_165], %swap3A_168 {strides = array<i32>} : memref<80xi32, #tpu.memory_space<vmem>>, vector<16xi32>,
      %shift_right_logical3A_169 = arith.constant 14 : i32
      %shift_right_logical3A_170 = vector.broadcast %shift_right_logical3A_169 : i32 to vector<16xi32>
      %shift_right_logical3A_171 = arith.shrui %get3A_162, %shift_right_logical3A_170 : vector<16xi32>
      %swap3A_172 = arith.constant 32 : index
      %swap3A_173 = tpu.vector_load %arg10[%swap3A_172] {strides = array<i32>} : memref<80xi32, #tpu.memory_space<vmem>>, vector<16xi32>,
      %swap3A_174 = vector.shape_cast %swap3A_173 : vector<16xi32> to vector<16xi32>
      %swap3A_175 = vector.shape_cast %shift_right_logical3A_171 : vector<16xi32> to vector<16xi32>
      tpu.vector_store %arg10[%swap3A_172], %swap3A_175 {strides = array<i32>} : memref<80xi32, #tpu.memory_space<vmem>>, vector<16xi32>,
      %get3A_176 = arith.index_cast %add3A_124 : i32 to index
      %get3A_177 = arith.constant 48 : index
      %get3A_178 = tpu.vector_load %arg6[%get3A_176, %get3A_177] {strides = array<i32>} : memref<125x80xi32, #tpu.memory_space<vmem>>, vector<1x16xi32>,
      %get3A_179 = vector.shape_cast %get3A_178 : vector<1x16xi32> to vector<16xi32>
      %and3A_180 = vector.broadcast %squeeze3A : i32 to vector<16xi32>
      %and3A_181 = arith.andi %get3A_179, %and3A_180 : vector<16xi32>
      %swap3A_182 = arith.constant 48 : index
      %swap3A_183 = tpu.vector_load %arg9[%swap3A_182] {strides = array<i32>} : memref<80xi32, #tpu.memory_space<vmem>>, vector<16xi32>,
      %swap3A_184 = vector.shape_cast %swap3A_183 : vector<16xi32> to vector<16xi32>
      %swap3A_185 = vector.shape_cast %and3A_181 : vector<16xi32> to vector<16xi32>
      tpu.vector_store %arg9[%swap3A_182], %swap3A_185 {strides = array<i32>} : memref<80xi32, #tpu.memory_space<vmem>>, vector<16xi32>,
      %shift_right_logical3A_186 = arith.constant 14 : i32
      %shift_right_logical3A_187 = vector.broadcast %shift_right_logical3A_186 : i32 to vector<16xi32>
      %shift_right_logical3A_188 = arith.shrui %get3A_179, %shift_right_logical3A_187 : vector<16xi32>
      %swap3A_189 = arith.constant 48 : index
      %swap3A_190 = tpu.vector_load %arg10[%swap3A_189] {strides = array<i32>} : memref<80xi32, #tpu.memory_space<vmem>>, vector<16xi32>,
      %swap3A_191 = vector.shape_cast %swap3A_190 : vector<16xi32> to vector<16xi32>
      %swap3A_192 = vector.shape_cast %shift_right_logical3A_188 : vector<16xi32> to vector<16xi32>
      tpu.vector_store %arg10[%swap3A_189], %swap3A_192 {strides = array<i32>} : memref<80xi32, #tpu.memory_space<vmem>>, vector<16xi32>,
      %get3A_193 = arith.index_cast %add3A_124 : i32 to index
      %get3A_194 = arith.constant 64 : index
      %get3A_195 = tpu.vector_load %arg6[%get3A_193, %get3A_194] {strides = array<i32>} : memref<125x80xi32, #tpu.memory_space<vmem>>, vector<1x16xi32>,
      %get3A_196 = vector.shape_cast %get3A_195 : vector<1x16xi32> to vector<16xi32>
      %and3A_197 = vector.broadcast %squeeze3A : i32 to vector<16xi32>
      %and3A_198 = arith.andi %get3A_196, %and3A_197 : vector<16xi32>
      %swap3A_199 = arith.constant 64 : index
      %swap3A_200 = tpu.vector_load %arg9[%swap3A_199] {strides = array<i32>} : memref<80xi32, #tpu.memory_space<vmem>>, vector<16xi32>,
      %swap3A_201 = vector.shape_cast %swap3A_200 : vector<16xi32> to vector<16xi32>
      %swap3A_202 = vector.shape_cast %and3A_198 : vector<16xi32> to vector<16xi32>
      tpu.vector_store %arg9[%swap3A_199], %swap3A_202 {strides = array<i32>} : memref<80xi32, #tpu.memory_space<vmem>>, vector<16xi32>,
      %shift_right_logical3A_203 = arith.constant 14 : i32
      %shift_right_logical3A_204 = vector.broadcast %shift_right_logical3A_203 : i32 to vector<16xi32>
      %shift_right_logical3A_205 = arith.shrui %get3A_196, %shift_right_logical3A_204 : vector<16xi32>
      %swap3A_206 = arith.constant 64 : index
      %swap3A_207 = tpu.vector_load %arg10[%swap3A_206] {strides = array<i32>} : memref<80xi32, #tpu.memory_space<vmem>>, vector<16xi32>,
      %swap3A_208 = vector.shape_cast %swap3A_207 : vector<16xi32> to vector<16xi32>
      %swap3A_209 = vector.shape_cast %shift_right_logical3A_205 : vector<16xi32> to vector<16xi32>
      tpu.vector_store %arg10[%swap3A_206], %swap3A_209 {strides = array<i32>} : memref<80xi32, #tpu.memory_space<vmem>>, vector<16xi32>,
      %dma_start3A_210 = arith.constant 0 : i32
      %dma_start3A_211 = arith.constant 0 : i32
      %dma_start3A_212 = tpu.memref_slice %arg2[%dma_start3A_210, %dma_start3A_211] : memref<10000x128xf32, #tpu.memory_space<hbm>> -> memref<10000x128xf32, #tpu.memory_space<hbm>>
      tpu.enqueue_indirect_dma source(%dma_start3A_212 : memref<10000x128xf32, #tpu.memory_space<hbm>>) target(%arg12 : memref<80x128xf32, #tpu.memory_space<vmem>>) offsets(%arg9 : memref<80xi32, #tpu.memory_space<vmem>>) semaphore(%arg16 : memref<!tpu.dma_semaphore, #tpu.memory_space<semaphore_mem>>)
      %dma_wait3A_213 = arith.constant 0 : i32
      %dma_wait3A_214 = arith.constant 0 : i32
      %dma_wait3A_215 = tpu.memref_slice %arg2[%dma_wait3A_213, %dma_wait3A_214] : memref<10000x128xf32, #tpu.memory_space<hbm>> -> memref<10000x128xf32, #tpu.memory_space<hbm>>
      tpu.wait_indirect_dma semaphore(%arg15 : memref<!tpu.dma_semaphore, #tpu.memory_space<semaphore_mem>>) src(%dma_wait3A_215 : memref<10000x128xf32, #tpu.memory_space<hbm>>) dst(%arg11 : memref<80x128xf32, #tpu.memory_space<vmem>>)
      %dma_start3A_216 = arith.constant 0 : i32
      %dma_start3A_217 = arith.constant 0 : i32
      %dma_start3A_218 = tpu.memref_slice %arg14[%dma_start3A_216, %dma_start3A_217] : memref<10240x128xf32, #tpu.memory_space<vmem_shared>> -> memref<10240x128xf32, #tpu.memory_space<vmem_shared>>
      tpu.enqueue_indirect_dma source(%arg11 : memref<80x128xf32, #tpu.memory_space<vmem>>) target(%dma_start3A_218 : memref<10240x128xf32, #tpu.memory_space<vmem_shared>>) offsets(%arg8 : memref<80xi32, #tpu.memory_space<vmem>>) semaphore(%arg17 : memref<!tpu.dma_semaphore, #tpu.memory_space<semaphore_mem>>) {add = true}
      %dma_wait3A_219 = arith.constant 0 : i32
      %dma_wait3A_220 = arith.constant 0 : i32
      %dma_wait3A_221 = tpu.memref_slice %arg2[%dma_wait3A_219, %dma_wait3A_220] : memref<10000x128xf32, #tpu.memory_space<hbm>> -> memref<10000x128xf32, #tpu.memory_space<hbm>>
      tpu.wait_indirect_dma semaphore(%arg16 : memref<!tpu.dma_semaphore, #tpu.memory_space<semaphore_mem>>) src(%dma_wait3A_221 : memref<10000x128xf32, #tpu.memory_space<hbm>>) dst(%arg12 : memref<80x128xf32, #tpu.memory_space<vmem>>)
      %dma_start3A_222 = arith.constant 0 : i32
      %dma_start3A_223 = arith.constant 0 : i32
      %dma_start3A_224 = tpu.memref_slice %arg14[%dma_start3A_222, %dma_start3A_223] : memref<10240x128xf32, #tpu.memory_space<vmem_shared>> -> memref<10240x128xf32, #tpu.memory_space<vmem_shared>>
      tpu.enqueue_indirect_dma source(%arg12 : memref<80x128xf32, #tpu.memory_space<vmem>>) target(%dma_start3A_224 : memref<10240x128xf32, #tpu.memory_space<vmem_shared>>) offsets(%arg10 : memref<80xi32, #tpu.memory_space<vmem>>) semaphore(%arg17 : memref<!tpu.dma_semaphore, #tpu.memory_space<semaphore_mem>>) {add = true}
      %dma_wait3A_225 = arith.constant 0 : i32
      %dma_wait3A_226 = arith.constant 0 : i32
      %dma_wait3A_227 = tpu.memref_slice %arg14[%dma_wait3A_225, %dma_wait3A_226] : memref<10240x128xf32, #tpu.memory_space<vmem_shared>> -> memref<10240x128xf32, #tpu.memory_space<vmem_shared>>
      tpu.wait_indirect_dma semaphore(%arg17 : memref<!tpu.dma_semaphore, #tpu.memory_space<semaphore_mem>>) src(%arg11 : memref<80x128xf32, #tpu.memory_space<vmem>>) dst(%dma_wait3A_227 : memref<10240x128xf32, #tpu.memory_space<vmem_shared>>)
      %add3A_228 = arith.constant 2 : i32
      %add3A_229 = arith.addi %mul3A_122, %add3A_228 : i32
      %get3A_230 = arith.index_cast %add3A_229 : i32 to index
      %get3A_231 = arith.constant 0 : index
      %get3A_232 = tpu.vector_load %arg6[%get3A_230, %get3A_231] {strides = array<i32>} : memref<125x80xi32, #tpu.memory_space<vmem>>, vector<1x16xi32>,
      %get3A_233 = vector.shape_cast %get3A_232 : vector<1x16xi32> to vector<16xi32>
      %and3A_234 = vector.broadcast %squeeze3A : i32 to vector<16xi32>
      %and3A_235 = arith.andi %get3A_233, %and3A_234 : vector<16xi32>
      %swap3A_236 = arith.constant 0 : index
      %swap3A_237 = tpu.vector_load %arg7[%swap3A_236] {strides = array<i32>} : memref<80xi32, #tpu.memory_space<vmem>>, vector<16xi32>,
      %swap3A_238 = vector.shape_cast %swap3A_237 : vector<16xi32> to vector<16xi32>
      %swap3A_239 = vector.shape_cast %and3A_235 : vector<16xi32> to vector<16xi32>
      tpu.vector_store %arg7[%swap3A_236], %swap3A_239 {strides = array<i32>} : memref<80xi32, #tpu.memory_space<vmem>>, vector<16xi32>,
      %shift_right_logical3A_240 = arith.constant 14 : i32
      %shift_right_logical3A_241 = vector.broadcast %shift_right_logical3A_240 : i32 to vector<16xi32>
      %shift_right_logical3A_242 = arith.shrui %get3A_233, %shift_right_logical3A_241 : vector<16xi32>
      %swap3A_243 = arith.constant 0 : index
      %swap3A_244 = tpu.vector_load %arg8[%swap3A_243] {strides = array<i32>} : memref<80xi32, #tpu.memory_space<vmem>>, vector<16xi32>,
      %swap3A_245 = vector.shape_cast %swap3A_244 : vector<16xi32> to vector<16xi32>
      %swap3A_246 = vector.shape_cast %shift_right_logical3A_242 : vector<16xi32> to vector<16xi32>
      tpu.vector_store %arg8[%swap3A_243], %swap3A_246 {strides = array<i32>} : memref<80xi32, #tpu.memory_space<vmem>>, vector<16xi32>,
      %get3A_247 = arith.index_cast %add3A_229 : i32 to index
      %get3A_248 = arith.constant 16 : index
      %get3A_249 = tpu.vector_load %arg6[%get3A_247, %get3A_248] {strides = array<i32>} : memref<125x80xi32, #tpu.memory_space<vmem>>, vector<1x16xi32>,
      %get3A_250 = vector.shape_cast %get3A_249 : vector<1x16xi32> to vector<16xi32>
      %and3A_251 = vector.broadcast %squeeze3A : i32 to vector<16xi32>
      %and3A_252 = arith.andi %get3A_250, %and3A_251 : vector<16xi32>
      %swap3A_253 = arith.constant 16 : index
      %swap3A_254 = tpu.vector_load %arg7[%swap3A_253] {strides = array<i32>} : memref<80xi32, #tpu.memory_space<vmem>>, vector<16xi32>,
      %swap3A_255 = vector.shape_cast %swap3A_254 : vector<16xi32> to vector<16xi32>
      %swap3A_256 = vector.shape_cast %and3A_252 : vector<16xi32> to vector<16xi32>
      tpu.vector_store %arg7[%swap3A_253], %swap3A_256 {strides = array<i32>} : memref<80xi32, #tpu.memory_space<vmem>>, vector<16xi32>,
      %shift_right_logical3A_257 = arith.constant 14 : i32
      %shift_right_logical3A_258 = vector.broadcast %shift_right_logical3A_257 : i32 to vector<16xi32>
      %shift_right_logical3A_259 = arith.shrui %get3A_250, %shift_right_logical3A_258 : vector<16xi32>
      %swap3A_260 = arith.constant 16 : index
      %swap3A_261 = tpu.vector_load %arg8[%swap3A_260] {strides = array<i32>} : memref<80xi32, #tpu.memory_space<vmem>>, vector<16xi32>,
      %swap3A_262 = vector.shape_cast %swap3A_261 : vector<16xi32> to vector<16xi32>
      %swap3A_263 = vector.shape_cast %shift_right_logical3A_259 : vector<16xi32> to vector<16xi32>
      tpu.vector_store %arg8[%swap3A_260], %swap3A_263 {strides = array<i32>} : memref<80xi32, #tpu.memory_space<vmem>>, vector<16xi32>,
      %get3A_264 = arith.index_cast %add3A_229 : i32 to index
      %get3A_265 = arith.constant 32 : index
      %get3A_266 = tpu.vector_load %arg6[%get3A_264, %get3A_265] {strides = array<i32>} : memref<125x80xi32, #tpu.memory_space<vmem>>, vector<1x16xi32>,
      %get3A_267 = vector.shape_cast %get3A_266 : vector<1x16xi32> to vector<16xi32>
      %and3A_268 = vector.broadcast %squeeze3A : i32 to vector<16xi32>
      %and3A_269 = arith.andi %get3A_267, %and3A_268 : vector<16xi32>
      %swap3A_270 = arith.constant 32 : index
      %swap3A_271 = tpu.vector_load %arg7[%swap3A_270] {strides = array<i32>} : memref<80xi32, #tpu.memory_space<vmem>>, vector<16xi32>,
      %swap3A_272 = vector.shape_cast %swap3A_271 : vector<16xi32> to vector<16xi32>
      %swap3A_273 = vector.shape_cast %and3A_269 : vector<16xi32> to vector<16xi32>
      tpu.vector_store %arg7[%swap3A_270], %swap3A_273 {strides = array<i32>} : memref<80xi32, #tpu.memory_space<vmem>>, vector<16xi32>,
      %shift_right_logical3A_274 = arith.constant 14 : i32
      %shift_right_logical3A_275 = vector.broadcast %shift_right_logical3A_274 : i32 to vector<16xi32>
      %shift_right_logical3A_276 = arith.shrui %get3A_267, %shift_right_logical3A_275 : vector<16xi32>
      %swap3A_277 = arith.constant 32 : index
      %swap3A_278 = tpu.vector_load %arg8[%swap3A_277] {strides = array<i32>} : memref<80xi32, #tpu.memory_space<vmem>>, vector<16xi32>,
      %swap3A_279 = vector.shape_cast %swap3A_278 : vector<16xi32> to vector<16xi32>
      %swap3A_280 = vector.shape_cast %shift_right_logical3A_276 : vector<16xi32> to vector<16xi32>
      tpu.vector_store %arg8[%swap3A_277], %swap3A_280 {strides = array<i32>} : memref<80xi32, #tpu.memory_space<vmem>>, vector<16xi32>,
      %get3A_281 = arith.index_cast %add3A_229 : i32 to index
      %get3A_282 = arith.constant 48 : index
      %get3A_283 = tpu.vector_load %arg6[%get3A_281, %get3A_282] {strides = array<i32>} : memref<125x80xi32, #tpu.memory_space<vmem>>, vector<1x16xi32>,
      %get3A_284 = vector.shape_cast %get3A_283 : vector<1x16xi32> to vector<16xi32>
      %and3A_285 = vector.broadcast %squeeze3A : i32 to vector<16xi32>
      %and3A_286 = arith.andi %get3A_284, %and3A_285 : vector<16xi32>
      %swap3A_287 = arith.constant 48 : index
      %swap3A_288 = tpu.vector_load %arg7[%swap3A_287] {strides = array<i32>} : memref<80xi32, #tpu.memory_space<vmem>>, vector<16xi32>,
      %swap3A_289 = vector.shape_cast %swap3A_288 : vector<16xi32> to vector<16xi32>
      %swap3A_290 = vector.shape_cast %and3A_286 : vector<16xi32> to vector<16xi32>
      tpu.vector_store %arg7[%swap3A_287], %swap3A_290 {strides = array<i32>} : memref<80xi32, #tpu.memory_space<vmem>>, vector<16xi32>,
      %shift_right_logical3A_291 = arith.constant 14 : i32
      %shift_right_logical3A_292 = vector.broadcast %shift_right_logical3A_291 : i32 to vector<16xi32>
      %shift_right_logical3A_293 = arith.shrui %get3A_284, %shift_right_logical3A_292 : vector<16xi32>
      %swap3A_294 = arith.constant 48 : index
      %swap3A_295 = tpu.vector_load %arg8[%swap3A_294] {strides = array<i32>} : memref<80xi32, #tpu.memory_space<vmem>>, vector<16xi32>,
      %swap3A_296 = vector.shape_cast %swap3A_295 : vector<16xi32> to vector<16xi32>
      %swap3A_297 = vector.shape_cast %shift_right_logical3A_293 : vector<16xi32> to vector<16xi32>
      tpu.vector_store %arg8[%swap3A_294], %swap3A_297 {strides = array<i32>} : memref<80xi32, #tpu.memory_space<vmem>>, vector<16xi32>,
      %get3A_298 = arith.index_cast %add3A_229 : i32 to index
      %get3A_299 = arith.constant 64 : index
      %get3A_300 = tpu.vector_load %arg6[%get3A_298, %get3A_299] {strides = array<i32>} : memref<125x80xi32, #tpu.memory_space<vmem>>, vector<1x16xi32>,
      %get3A_301 = vector.shape_cast %get3A_300 : vector<1x16xi32> to vector<16xi32>
      %and3A_302 = vector.broadcast %squeeze3A : i32 to vector<16xi32>
      %and3A_303 = arith.andi %get3A_301, %and3A_302 : vector<16xi32>
      %swap3A_304 = arith.constant 64 : index
      %swap3A_305 = tpu.vector_load %arg7[%swap3A_304] {strides = array<i32>} : memref<80xi32, #tpu.memory_space<vmem>>, vector<16xi32>,
      %swap3A_306 = vector.shape_cast %swap3A_305 : vector<16xi32> to vector<16xi32>
      %swap3A_307 = vector.shape_cast %and3A_303 : vector<16xi32> to vector<16xi32>
      tpu.vector_store %arg7[%swap3A_304], %swap3A_307 {strides = array<i32>} : memref<80xi32, #tpu.memory_space<vmem>>, vector<16xi32>,
      %shift_right_logical3A_308 = arith.constant 14 : i32
      %shift_right_logical3A_309 = vector.broadcast %shift_right_logical3A_308 : i32 to vector<16xi32>
      %shift_right_logical3A_310 = arith.shrui %get3A_301, %shift_right_logical3A_309 : vector<16xi32>
      %swap3A_311 = arith.constant 64 : index
      %swap3A_312 = tpu.vector_load %arg8[%swap3A_311] {strides = array<i32>} : memref<80xi32, #tpu.memory_space<vmem>>, vector<16xi32>,
      %swap3A_313 = vector.shape_cast %swap3A_312 : vector<16xi32> to vector<16xi32>
      %swap3A_314 = vector.shape_cast %shift_right_logical3A_310 : vector<16xi32> to vector<16xi32>
      tpu.vector_store %arg8[%swap3A_311], %swap3A_314 {strides = array<i32>} : memref<80xi32, #tpu.memory_space<vmem>>, vector<16xi32>,
      %dma_start3A_315 = arith.constant 0 : i32
      %dma_start3A_316 = arith.constant 0 : i32
      %dma_start3A_317 = tpu.memref_slice %arg2[%dma_start3A_315, %dma_start3A_316] : memref<10000x128xf32, #tpu.memory_space<hbm>> -> memref<10000x128xf32, #tpu.memory_space<hbm>>
      tpu.enqueue_indirect_dma source(%dma_start3A_317 : memref<10000x128xf32, #tpu.memory_space<hbm>>) target(%arg11 : memref<80x128xf32, #tpu.memory_space<vmem>>) offsets(%arg7 : memref<80xi32, #tpu.memory_space<vmem>>) semaphore(%arg15 : memref<!tpu.dma_semaphore, #tpu.memory_space<semaphore_mem>>)
      %dma_wait3A_318 = arith.constant 0 : i32
      %dma_wait3A_319 = arith.constant 0 : i32
      %dma_wait3A_320 = tpu.memref_slice %arg14[%dma_wait3A_318, %dma_wait3A_319] : memref<10240x128xf32, #tpu.memory_space<vmem_shared>> -> memref<10240x128xf32, #tpu.memory_space<vmem_shared>>
      tpu.wait_indirect_dma semaphore(%arg17 : memref<!tpu.dma_semaphore, #tpu.memory_space<semaphore_mem>>) src(%arg12 : memref<80x128xf32, #tpu.memory_space<vmem>>) dst(%dma_wait3A_320 : memref<10240x128xf32, #tpu.memory_space<vmem_shared>>)
      %scan3A_321 = arith.constant 0 : i32
      scf.yield %scan3A_321 : i32
    }
    %scan3A_111 = arith.constant 62 : i32
    %dma_wait3A = arith.constant 0 : i32
    %dma_wait3A_112 = arith.constant 0 : i32
    %dma_wait3A_113 = tpu.memref_slice %arg2[%dma_wait3A, %dma_wait3A_112] : memref<10000x128xf32, #tpu.memory_space<hbm>> -> memref<10000x128xf32, #tpu.memory_space<hbm>>
    tpu.wait_indirect_dma semaphore(%arg15 : memref<!tpu.dma_semaphore, #tpu.memory_space<semaphore_mem>>) src(%dma_wait3A_113 : memref<10000x128xf32, #tpu.memory_space<hbm>>) dst(%arg11 : memref<80x128xf32, #tpu.memory_space<vmem>>)
    "tpu.region"() ({
      %run_scoped3A = tpu.sem_alloc : memref<!tpu.dma_semaphore, #tpu.memory_space<semaphore_mem>>
      %dma_start3A_119 = arith.constant 0 : i32
      %dma_start3A_120 = arith.constant 0 : i32
      %dma_start3A_121 = tpu.memref_slice %arg14[%dma_start3A_119, %dma_start3A_120] : memref<10240x128xf32, #tpu.memory_space<vmem_shared>> -> memref<10240x128xf32, #tpu.memory_space<vmem_shared>>
      tpu.enqueue_indirect_dma source(%arg11 : memref<80x128xf32, #tpu.memory_space<vmem>>) target(%dma_start3A_121 : memref<10240x128xf32, #tpu.memory_space<vmem_shared>>) offsets(%arg8 : memref<80xi32, #tpu.memory_space<vmem>>) semaphore(%run_scoped3A : memref<!tpu.dma_semaphore, #tpu.memory_space<semaphore_mem>>) {add = true}
      %dma_wait3A_122 = arith.constant 0 : i32
      %dma_wait3A_123 = arith.constant 0 : i32
      %dma_wait3A_124 = tpu.memref_slice %arg14[%dma_wait3A_122, %dma_wait3A_123] : memref<10240x128xf32, #tpu.memory_space<vmem_shared>> -> memref<10240x128xf32, #tpu.memory_space<vmem_shared>>
      tpu.wait_indirect_dma semaphore(%run_scoped3A : memref<!tpu.dma_semaphore, #tpu.memory_space<semaphore_mem>>) src(%arg11 : memref<80x128xf32, #tpu.memory_space<vmem>>) dst(%dma_wait3A_124 : memref<10240x128xf32, #tpu.memory_space<vmem_shared>>)
      tpu.yield
    }) : () -> ()
    %barrier3A_114 = arith.constant 0 : index
    tpu.barrier barrier_id(%barrier3A_114)
    %mul3A_115 = arith.constant 640 : i32
    %mul3A_116 = arith.muli %arg1, %mul3A_115 : i32
    %mul3A_117 = arith.constant 640 : i32
    %mul3A_118 = arith.muli %arg1, %mul3A_117 : i32
    "tpu.region"() ({
      %run_scoped3A = tpu.sem_alloc : memref<!tpu.dma_semaphore, #tpu.memory_space<semaphore_mem>>
      %dma_start3A_119 = arith.constant 0 : i32
      %dma_start3A_120 = tpu.memref_slice %arg5[%arg0, %mul3A_118, %dma_start3A_119] : memref<2x10240x128xf32, #tpu.memory_space<hbm>> -> memref<1x640x128xf32, #tpu.memory_space<hbm>>
      %dma_start3A_121 = tpu.memref_squeeze %dma_start3A_120 : memref<1x640x128xf32, #tpu.memory_space<hbm>> -> memref<640x128xf32, #tpu.memory_space<hbm>>
      %dma_start3A_122 = arith.constant 0 : i32
      %dma_start3A_123 = tpu.memref_slice %arg14[%mul3A_116, %dma_start3A_122] : memref<10240x128xf32, #tpu.memory_space<vmem_shared>> -> memref<640x128xf32, #tpu.memory_space<vmem_shared>>
      tpu.enqueue_dma source(%dma_start3A_123 : memref<640x128xf32, #tpu.memory_space<vmem_shared>>) target(%dma_start3A_121 : memref<640x128xf32, #tpu.memory_space<hbm>>) target_semaphore(%run_scoped3A : memref<!tpu.dma_semaphore, #tpu.memory_space<semaphore_mem>>)
      %dma_wait3A_124 = arith.constant 0 : i32
      %dma_wait3A_125 = tpu.memref_slice %arg5[%arg0, %mul3A_118, %dma_wait3A_124] : memref<2x10240x128xf32, #tpu.memory_space<hbm>> -> memref<1x640x128xf32, #tpu.memory_space<hbm>>
      %dma_wait3A_126 = tpu.memref_squeeze %dma_wait3A_125 : memref<1x640x128xf32, #tpu.memory_space<hbm>> -> memref<640x128xf32, #tpu.memory_space<hbm>>
      %dma_wait3A_127 = arith.constant 0 : i32
      %dma_wait3A_128 = tpu.memref_slice %arg14[%mul3A_116, %dma_wait3A_127] : memref<10240x128xf32, #tpu.memory_space<vmem_shared>> -> memref<640x128xf32, #tpu.memory_space<vmem_shared>>
      tpu.wait_dma2 semaphore(%run_scoped3A : memref<!tpu.dma_semaphore, #tpu.memory_space<semaphore_mem>>) src(%dma_wait3A_128 : memref<640x128xf32, #tpu.memory_space<vmem_shared>>) dst(%dma_wait3A_126 : memref<640x128xf32, #tpu.memory_space<hbm>>)
      tpu.yield
    }) : () -> ()
    return
  }
}

module attributes {stable_mosaic.version = 14 : i64} {
  func.func @body(%arg0: i32, %arg1: memref<2x1000x128xf32, #tpu.memory_space<vmem>>, %arg2: memref<1000x128xf32, #tpu.memory_space<vmem>>, %arg3: memref<128x64xf32, #tpu.memory_space<vmem>>, %arg4: memref<1000x128xf32, #tpu.memory_space<vmem>>) attributes {dimension_semantics = [#tpu.dimension_semantics<arbitrary>], iteration_bounds = array<i64: 10>, scalar_prefetch = 0 : i64, scratch_operands = 0 : i64, tpu.core_type = #tpu.core_type<tc>, window_params = [{transform_indices = @transform_0, window_bounds = array<i64: 2, 1000, 128>}, {transform_indices = @transform_1, window_bounds = array<i64: 1000, 128>}, {pipeline_mode = #tpu.pipeline_mode<synchronous>, transform_indices = @transform_2, window_bounds = array<i64: 128, 64>}, {transform_indices = @transform_3, window_bounds = array<i64: 1000, 128>}]} {
    %get3A = arith.constant 0 : index
    %get3A_0 = arith.constant 0 : index
    %get3A_1 = arith.constant 0 : index
    %get3A_2 = vector.load %arg1[%get3A, %get3A_0, %get3A_1] : memref<2x1000x128xf32, #tpu.memory_space<vmem>>, vector<1x1000x1xf32>
    %get3A_3 = vector.shape_cast %get3A_2 : vector<1x1000x1xf32> to vector<1000x1xf32>
    %get3A_4 = arith.constant 1 : index
    %get3A_5 = arith.constant 0 : index
    %get3A_6 = arith.constant 0 : index
    %get3A_7 = vector.load %arg1[%get3A_4, %get3A_5, %get3A_6] : memref<2x1000x128xf32, #tpu.memory_space<vmem>>, vector<1x1000x1xf32>
    %get3A_8 = vector.shape_cast %get3A_7 : vector<1x1000x1xf32> to vector<1000x1xf32>
    %add3A = arith.addf %get3A_3, %get3A_8 : vector<1000x1xf32>
    %add3A_9 = arith.constant 1.000000e+00 : f32
    %add3A_10 = vector.broadcast %add3A_9 : f32 to vector<1000x1xf32>
    %add3A_11 = arith.addf %add3A, %add3A_10 : vector<1000x1xf32>
    %rsqrt3A = math.rsqrt %add3A_11 : vector<1000x1xf32>
    %get3A_12 = arith.constant 0 : index
    %get3A_13 = arith.constant 0 : index
    %get3A_14 = vector.load %arg2[%get3A_12, %get3A_13] : memref<1000x128xf32, #tpu.memory_space<vmem>>, vector<1000x128xf32>
    %get3A_15 = arith.constant 0 : index
    %get3A_16 = arith.constant 0 : index
    %get3A_17 = vector.load %arg3[%get3A_15, %get3A_16] : memref<128x64xf32, #tpu.memory_space<vmem>>, vector<128x64xf32>
    %dot_general3A = arith.constant dense<0.000000e+00> : vector<1000x64xf32>
    %dot_general3A_18 = tpu.matmul %get3A_14, %get3A_17, %dot_general3A {dimension_numbers = #tpu.dot_dimension_numbers<[1], [0], [0], [1], [0, 0, 1, 1], [], []>, transpose_lhs_hint = false} : vector<1000x128xf32>, vector<128x64xf32>, vector<1000x64xf32> -> vector<1000x64xf32>
    %mul3A = vector.broadcast %rsqrt3A : vector<1000x1xf32> to vector<1000x64xf32>
    %mul3A_19 = arith.mulf %dot_general3A_18, %mul3A : vector<1000x64xf32>
    %broadcast_in_dim3A = arith.constant 0.000000e+00 : f32
    %broadcast_in_dim3A_20 = vector.broadcast %broadcast_in_dim3A : f32 to vector<1000x64xf32>
    %concatenate3A = tpu.concatenate %mul3A_19, %broadcast_in_dim3A_20 in 1 : vector<1000x64xf32>, vector<1000x64xf32> -> vector<1000x128xf32>
    %swap3A = arith.constant 0 : index
    %swap3A_21 = arith.constant 0 : index
    %swap3A_22 = vector.load %arg4[%swap3A, %swap3A_21] : memref<1000x128xf32, #tpu.memory_space<vmem>>, vector<1000x128xf32>
    tpu.vector_store %arg4[%swap3A, %swap3A_21], %concatenate3A {strides = array<i32>} : memref<1000x128xf32, #tpu.memory_space<vmem>>, vector<1000x128xf32>,
    return
  }
  func.func @transform_0(%arg0: i32) -> (i32, i32, i32) {
    %c0_i32 = arith.constant 0 : i32
    %c0_i32_0 = arith.constant 0 : i32
    %c0_i32_1 = arith.constant 0 : i32
    return %c0_i32, %arg0, %c0_i32_0 : i32, i32, i32
  }
  func.func @transform_1(%arg0: i32) -> (i32, i32) {
    %c0_i32 = arith.constant 0 : i32
    %c0_i32_0 = arith.constant 0 : i32
    return %arg0, %c0_i32 : i32, i32
  }
  func.func @transform_2(%arg0: i32) -> (i32, i32) {
    %c0_i32 = arith.constant 0 : i32
    %c0_i32_0 = arith.constant 0 : i32
    %c0_i32_1 = arith.constant 0 : i32
    return %c0_i32, %c0_i32_0 : i32, i32
  }
  func.func @transform_3(%arg0: i32) -> (i32, i32) {
    %c0_i32 = arith.constant 0 : i32
    %c0_i32_0 = arith.constant 0 : i32
    return %arg0, %c0_i32 : i32, i32
  }
}

module attributes {stable_mosaic.version = 14 : i64} {
  func.func @body(%arg0: i32, %arg1: memref<2x1000x128xf32, #tpu.memory_space<vmem>>, %arg2: memref<2x1000x128xf32, #tpu.memory_space<vmem>>, %arg3: memref<1000x128xf32, #tpu.memory_space<vmem>>, %arg4: memref<64x128xf32, #tpu.memory_space<vmem>>, %arg5: memref<1x64xf32, #tpu.memory_space<vmem>>, %arg6: memref<1000x128xf32, #tpu.memory_space<vmem>>) attributes {dimension_semantics = [#tpu.dimension_semantics<arbitrary>], iteration_bounds = array<i64: 10>, scalar_prefetch = 0 : i64, scratch_operands = 0 : i64, tpu.core_type = #tpu.core_type<tc>, window_params = [{transform_indices = @transform_0, window_bounds = array<i64: 2, 1000, 128>}, {transform_indices = @transform_1, window_bounds = array<i64: 2, 1000, 128>}, {transform_indices = @transform_2, window_bounds = array<i64: 1000, 128>}, {pipeline_mode = #tpu.pipeline_mode<synchronous>, transform_indices = @transform_3, window_bounds = array<i64: 64, 128>}, {pipeline_mode = #tpu.pipeline_mode<synchronous>, transform_indices = @transform_4, window_bounds = array<i64: 1, 64>}, {transform_indices = @transform_5, window_bounds = array<i64: 1000, 128>}]} {
    %get3A = arith.constant 0 : index
    %get3A_0 = arith.constant 0 : index
    %get3A_1 = arith.constant 0 : index
    %get3A_2 = vector.load %arg1[%get3A, %get3A_0, %get3A_1] : memref<2x1000x128xf32, #tpu.memory_space<vmem>>, vector<1x1000x1xf32>
    %get3A_3 = vector.shape_cast %get3A_2 : vector<1x1000x1xf32> to vector<1000x1xf32>
    %get3A_4 = arith.constant 1 : index
    %get3A_5 = arith.constant 0 : index
    %get3A_6 = arith.constant 0 : index
    %get3A_7 = vector.load %arg1[%get3A_4, %get3A_5, %get3A_6] : memref<2x1000x128xf32, #tpu.memory_space<vmem>>, vector<1x1000x1xf32>
    %get3A_8 = vector.shape_cast %get3A_7 : vector<1x1000x1xf32> to vector<1000x1xf32>
    %add3A = arith.addf %get3A_3, %get3A_8 : vector<1000x1xf32>
    %add3A_9 = arith.constant 1.000000e+00 : f32
    %add3A_10 = vector.broadcast %add3A_9 : f32 to vector<1000x1xf32>
    %add3A_11 = arith.addf %add3A, %add3A_10 : vector<1000x1xf32>
    %rsqrt3A = math.rsqrt %add3A_11 : vector<1000x1xf32>
    %get3A_12 = arith.constant 0 : index
    %get3A_13 = arith.constant 0 : index
    %get3A_14 = arith.constant 0 : index
    %get3A_15 = vector.load %arg2[%get3A_12, %get3A_13, %get3A_14] : memref<2x1000x128xf32, #tpu.memory_space<vmem>>, vector<1x1000x64xf32>
    %get3A_16 = vector.shape_cast %get3A_15 : vector<1x1000x64xf32> to vector<1000x64xf32>
    %get3A_17 = arith.constant 1 : index
    %get3A_18 = arith.constant 0 : index
    %get3A_19 = arith.constant 0 : index
    %get3A_20 = vector.load %arg2[%get3A_17, %get3A_18, %get3A_19] : memref<2x1000x128xf32, #tpu.memory_space<vmem>>, vector<1x1000x64xf32>
    %get3A_21 = vector.shape_cast %get3A_20 : vector<1x1000x64xf32> to vector<1000x64xf32>
    %add3A_22 = arith.addf %get3A_16, %get3A_21 : vector<1000x64xf32>
    %get3A_23 = arith.constant 0 : index
    %get3A_24 = arith.constant 0 : index
    %get3A_25 = vector.load %arg3[%get3A_23, %get3A_24] : memref<1000x128xf32, #tpu.memory_space<vmem>>, vector<1000x64xf32>
    %add3A_26 = arith.addf %add3A_22, %get3A_25 : vector<1000x64xf32>
    %mul3A = vector.broadcast %rsqrt3A : vector<1000x1xf32> to vector<1000x64xf32>
    %mul3A_27 = arith.mulf %add3A_26, %mul3A : vector<1000x64xf32>
    %get3A_28 = arith.constant 0 : index
    %get3A_29 = arith.constant 0 : index
    %get3A_30 = vector.load %arg5[%get3A_28, %get3A_29] : memref<1x64xf32, #tpu.memory_space<vmem>>, vector<1x64xf32>
    %add3A_31 = vector.broadcast %get3A_30 : vector<1x64xf32> to vector<1000x64xf32>
    %add3A_32 = arith.addf %mul3A_27, %add3A_31 : vector<1000x64xf32>
    %max3A = arith.constant 0.000000e+00 : f32
    %max3A_33 = vector.broadcast %max3A : f32 to vector<1000x64xf32>
    %max3A_34 = arith.maximumf %add3A_32, %max3A_33 : vector<1000x64xf32>
    %get3A_35 = arith.constant 0 : index
    %get3A_36 = arith.constant 0 : index
    %get3A_37 = vector.load %arg4[%get3A_35, %get3A_36] : memref<64x128xf32, #tpu.memory_space<vmem>>, vector<64x128xf32>
    %dot_general3A = arith.constant dense<0.000000e+00> : vector<1000x128xf32>
    %dot_general3A_38 = tpu.matmul %max3A_34, %get3A_37, %dot_general3A {dimension_numbers = #tpu.dot_dimension_numbers<[1], [0], [0], [1], [0, 0, 1, 1], [], []>, transpose_lhs_hint = false} : vector<1000x64xf32>, vector<64x128xf32>, vector<1000x128xf32> -> vector<1000x128xf32>
    %mul3A_39 = vector.broadcast %rsqrt3A : vector<1000x1xf32> to vector<1000x128xf32>
    %mul3A_40 = arith.mulf %dot_general3A_38, %mul3A_39 : vector<1000x128xf32>
    %swap3A = arith.constant 0 : index
    %swap3A_41 = arith.constant 0 : index
    %swap3A_42 = vector.load %arg6[%swap3A, %swap3A_41] : memref<1000x128xf32, #tpu.memory_space<vmem>>, vector<1000x128xf32>
    tpu.vector_store %arg6[%swap3A, %swap3A_41], %mul3A_40 {strides = array<i32>} : memref<1000x128xf32, #tpu.memory_space<vmem>>, vector<1000x128xf32>,
    return
  }
  func.func @transform_0(%arg0: i32) -> (i32, i32, i32) {
    %c0_i32 = arith.constant 0 : i32
    %c0_i32_0 = arith.constant 0 : i32
    %c0_i32_1 = arith.constant 0 : i32
    return %c0_i32, %arg0, %c0_i32_0 : i32, i32, i32
  }
  func.func @transform_1(%arg0: i32) -> (i32, i32, i32) {
    %c0_i32 = arith.constant 0 : i32
    %c0_i32_0 = arith.constant 0 : i32
    %c0_i32_1 = arith.constant 0 : i32
    return %c0_i32, %arg0, %c0_i32_0 : i32, i32, i32
  }
  func.func @transform_2(%arg0: i32) -> (i32, i32) {
    %c0_i32 = arith.constant 0 : i32
    %c0_i32_0 = arith.constant 0 : i32
    return %arg0, %c0_i32 : i32, i32
  }
  func.func @transform_3(%arg0: i32) -> (i32, i32) {
    %c0_i32 = arith.constant 0 : i32
    %c0_i32_0 = arith.constant 0 : i32
    %c0_i32_1 = arith.constant 0 : i32
    return %c0_i32, %c0_i32_0 : i32, i32
  }
  func.func @transform_4(%arg0: i32) -> (i32, i32) {
    %c0_i32 = arith.constant 0 : i32
    %c0_i32_0 = arith.constant 0 : i32
    %c0_i32_1 = arith.constant 0 : i32
    return %c0_i32, %c0_i32_0 : i32, i32
  }
  func.func @transform_5(%arg0: i32) -> (i32, i32) {
    %c0_i32 = arith.constant 0 : i32
    %c0_i32_0 = arith.constant 0 : i32
    return %arg0, %c0_i32 : i32, i32
  }
}

module attributes {stable_mosaic.version = 14 : i64} {
  func.func @body(%arg0: i32, %arg1: memref<2x1000x128xf32, #tpu.memory_space<vmem>>, %arg2: memref<2x1000x128xf32, #tpu.memory_space<vmem>>, %arg3: memref<1000x128xf32, #tpu.memory_space<vmem>>, %arg4: memref<1x128xf32, #tpu.memory_space<vmem>>, %arg5: memref<1000x128xf32, #tpu.memory_space<vmem>>) attributes {dimension_semantics = [#tpu.dimension_semantics<arbitrary>], iteration_bounds = array<i64: 10>, scalar_prefetch = 0 : i64, scratch_operands = 0 : i64, tpu.core_type = #tpu.core_type<tc>, window_params = [{transform_indices = @transform_0, window_bounds = array<i64: 2, 1000, 128>}, {transform_indices = @transform_1, window_bounds = array<i64: 2, 1000, 128>}, {transform_indices = @transform_2, window_bounds = array<i64: 1000, 128>}, {pipeline_mode = #tpu.pipeline_mode<synchronous>, transform_indices = @transform_3, window_bounds = array<i64: 1, 128>}, {transform_indices = @transform_4, window_bounds = array<i64: 1000, 128>}]} {
    %get3A = arith.constant 0 : index
    %get3A_0 = arith.constant 0 : index
    %get3A_1 = arith.constant 0 : index
    %get3A_2 = vector.load %arg1[%get3A, %get3A_0, %get3A_1] : memref<2x1000x128xf32, #tpu.memory_space<vmem>>, vector<1x1000x1xf32>
    %get3A_3 = vector.shape_cast %get3A_2 : vector<1x1000x1xf32> to vector<1000x1xf32>
    %get3A_4 = arith.constant 1 : index
    %get3A_5 = arith.constant 0 : index
    %get3A_6 = arith.constant 0 : index
    %get3A_7 = vector.load %arg1[%get3A_4, %get3A_5, %get3A_6] : memref<2x1000x128xf32, #tpu.memory_space<vmem>>, vector<1x1000x1xf32>
    %get3A_8 = vector.shape_cast %get3A_7 : vector<1x1000x1xf32> to vector<1000x1xf32>
    %add3A = arith.addf %get3A_3, %get3A_8 : vector<1000x1xf32>
    %add3A_9 = arith.constant 1.000000e+00 : f32
    %add3A_10 = vector.broadcast %add3A_9 : f32 to vector<1000x1xf32>
    %add3A_11 = arith.addf %add3A, %add3A_10 : vector<1000x1xf32>
    %rsqrt3A = math.rsqrt %add3A_11 : vector<1000x1xf32>
    %get3A_12 = arith.constant 0 : index
    %get3A_13 = arith.constant 0 : index
    %get3A_14 = arith.constant 0 : index
    %get3A_15 = vector.load %arg2[%get3A_12, %get3A_13, %get3A_14] : memref<2x1000x128xf32, #tpu.memory_space<vmem>>, vector<1x1000x128xf32>
    %get3A_16 = vector.shape_cast %get3A_15 : vector<1x1000x128xf32> to vector<1000x128xf32>
    %get3A_17 = arith.constant 1 : index
    %get3A_18 = arith.constant 0 : index
    %get3A_19 = arith.constant 0 : index
    %get3A_20 = vector.load %arg2[%get3A_17, %get3A_18, %get3A_19] : memref<2x1000x128xf32, #tpu.memory_space<vmem>>, vector<1x1000x128xf32>
    %get3A_21 = vector.shape_cast %get3A_20 : vector<1x1000x128xf32> to vector<1000x128xf32>
    %add3A_22 = arith.addf %get3A_16, %get3A_21 : vector<1000x128xf32>
    %get3A_23 = arith.constant 0 : index
    %get3A_24 = arith.constant 0 : index
    %get3A_25 = vector.load %arg3[%get3A_23, %get3A_24] : memref<1000x128xf32, #tpu.memory_space<vmem>>, vector<1000x128xf32>
    %add3A_26 = arith.addf %add3A_22, %get3A_25 : vector<1000x128xf32>
    %mul3A = vector.broadcast %rsqrt3A : vector<1000x1xf32> to vector<1000x128xf32>
    %mul3A_27 = arith.mulf %add3A_26, %mul3A : vector<1000x128xf32>
    %get3A_28 = arith.constant 0 : index
    %get3A_29 = arith.constant 0 : index
    %get3A_30 = vector.load %arg4[%get3A_28, %get3A_29] : memref<1x128xf32, #tpu.memory_space<vmem>>, vector<1x128xf32>
    %add3A_31 = vector.broadcast %get3A_30 : vector<1x128xf32> to vector<1000x128xf32>
    %add3A_32 = arith.addf %mul3A_27, %add3A_31 : vector<1000x128xf32>
    %max3A = arith.constant 0.000000e+00 : f32
    %max3A_33 = vector.broadcast %max3A : f32 to vector<1000x128xf32>
    %max3A_34 = arith.maximumf %add3A_32, %max3A_33 : vector<1000x128xf32>
    %swap3A = arith.constant 0 : index
    %swap3A_35 = arith.constant 0 : index
    %swap3A_36 = vector.load %arg5[%swap3A, %swap3A_35] : memref<1000x128xf32, #tpu.memory_space<vmem>>, vector<1000x128xf32>
    tpu.vector_store %arg5[%swap3A, %swap3A_35], %max3A_34 {strides = array<i32>} : memref<1000x128xf32, #tpu.memory_space<vmem>>, vector<1000x128xf32>,
    return
  }
  func.func @transform_0(%arg0: i32) -> (i32, i32, i32) {
    %c0_i32 = arith.constant 0 : i32
    %c0_i32_0 = arith.constant 0 : i32
    %c0_i32_1 = arith.constant 0 : i32
    return %c0_i32, %arg0, %c0_i32_0 : i32, i32, i32
  }
  func.func @transform_1(%arg0: i32) -> (i32, i32, i32) {
    %c0_i32 = arith.constant 0 : i32
    %c0_i32_0 = arith.constant 0 : i32
    %c0_i32_1 = arith.constant 0 : i32
    return %c0_i32, %arg0, %c0_i32_0 : i32, i32, i32
  }
  func.func @transform_2(%arg0: i32) -> (i32, i32) {
    %c0_i32 = arith.constant 0 : i32
    %c0_i32_0 = arith.constant 0 : i32
    return %arg0, %c0_i32 : i32, i32
  }
  func.func @transform_3(%arg0: i32) -> (i32, i32) {
    %c0_i32 = arith.constant 0 : i32
    %c0_i32_0 = arith.constant 0 : i32
    %c0_i32_1 = arith.constant 0 : i32
    return %c0_i32, %c0_i32_0 : i32, i32
  }
  func.func @transform_4(%arg0: i32) -> (i32, i32) {
    %c0_i32 = arith.constant 0 : i32
    %c0_i32_0 = arith.constant 0 : i32
    return %arg0, %c0_i32 : i32, i32
  }
}

</mosaic_0001>

<sc_bundles>
// kernel: kernel.11.cloned.1.call-start
scs
__scs_entry_jumppad:
0x0: {  	(pc) =	sbr.rel $0x88, $3  }
0x1: {  	(tag) =	ssettag $0x0;
	lr =	simm.s32 $0x1  }
0x2: {  	[smem:$0x3F9B] =	sst lr;
	_ =	strace $0xD0000000  }
0x3: {  	_ = 	snop  }
0x4: {  	_ = 	snop  }
0x5: {  	_ = 	snop  }
0x6: {  	_ = 	snop  }
0x7: {  	_ = 	snop  }
__scs_overlays_trampoline_lowered:
0x8: {  	[smem:$0x3FAA] =	sst s0  }
0x9: {  	[smem:$0x3FAB] =	sst s1  }
0xa: {  	[smem:$0x3FAC] =	sst s2  }
0xb: {  	[smem:$0x3FAD] =	sst s3  }
0xc: {  	[smem:$0x3FAE] =	sst s4  }
0xd: {  	[smem:$0x3FAF] =	sst s5  }
0xe: {  	[smem:$0x3FB0] =	sst s6  }
0xf: {  	[smem:$0x3FB1] =	sst s7  }
0x10: {  	[smem:$0x3FB2] =	sst s8  }
0x11: {  	[smem:$0x3FB3] =	sst s9;
	s0 =	simm.s32 @!p0 $0x0  }
0x12: {  	s1 =	sld [smem:$0x3F99];
	s0 =	simm.s32 @p0 $0x1  }
0x13: {  	[smem:$0x3FB4] =	sst s0;
	s0 =	simm.s32 @!p1 $0x0  }
0x14: {  	s2 =	sld [smem:$0x3F98];
	s0 =	simm.s32 @p1 $0x1  }
0x15: {  	[smem:$0x3FB5] =	sst s0;
	s0 =	simm.s32 @!p2 $0x0  }
0x16: {  	s3 =	sld [smem:$0x3FDB];
	s0 =	simm.s32 @p2 $0x1  }
0x17: {  	s4 =	simm.s32 $0x1BF5;
	[smem:$0x3FB7] =	sst s0  }
0x18: {  	s0 =	sld [smem:$0x3F9A];
	_ =	swait.ge [sflag:s4], $0x0  }
0x19: {  	s7 =	sld [smem:$0x3F9B]  }
0x1a: {  	s8 =	sadd.s32 $0xFFFFE003, lr  }
0x1b: {  	s9 =	sadd.s32 $0xFFFFFEF7, lr;
	s5 =	simm.s32 $0xFFFFFFFF;
	p2 =	slt.u32 s8, $0xFFFFF086  }
0x1c: {  	p1 =	slt.u32 s9, $0xF7A;
	s5 =	simm.s32 @!p2 $0x0  }
0x1d: {  	s5 =	simm.s32 @p1 $0x1;
	p0 =	seq.s32 s7, s2  }
0x1e: {  	s7 =	smul.u32 @!p0 $0xF7A, s2;
	p2 =	seq.s32 @!p0 s5, $0x0  }
0x1f: {  	s9 =	smul.u32 $0xF7A, s1;
	s8 =	simm.s32 @!p0 $0x1BF5;
	p2 =	por !p2, p0  }
0x20: {  	[sflag:s8] =	ssyncset.s32 @!p0 $0xFFFFF086;
	s6 =	sadd.s32 @!p0 s3, s7;
	s7 =	simm.s32 @!p0 $0x108  }
0x21: {  	s3 =	sadd.s32 s3, s9;
	s6 =	sadd.s32 @!p0 $0x88, s6;
	s7 =	simm.s32 @p2 $0x1082  }
0x22: {  	[simem:s7], [sflag:s8] =	dma.local @!p0 [hbm:s6], $0xF7A  }
0x23: {  	s9 =	sor.u32 $0xD0000000, s2;
	s6 =	simm.s32 $0x108;
	_ =	swait.ge @!p0 [sflag:s8], $0x0  }
0x24: {  	s3 =	sadd.s32 $0x88, s3;
	s6 =	simm.s32 @!p1 $0x1082;
	[sflag:s4] =	ssyncset.s32 $0xFFFFF086  }
0x25: {  	[simem:s6], [sflag:s4] =	dma.local [hbm:s3], $0xF7A  }
0x26: {  	[smem:$0x3F9B] =	sst s1;
	(tag) =	ssettag s2;
	_ =	strace s9  }
0x27: {  	s1 =	sld [smem:$0x3FAB]  }
0x28: {  	s2 =	sld [smem:$0x3FAC]  }
0x29: {  	s4 =	sld [smem:$0x3FAE]  }
0x2a: {  	p0 =	seq.s32 s5, $0x0;
	s5 =	sld [smem:$0x3FAF]  }
0x2b: {  	s6 =	sld [smem:$0x3FB0]  }
0x2c: {  	s7 =	sld [smem:$0x3FB1]  }
0x2d: {  	s3 =	simm.s32 $0x108;
	s8 =	sld [smem:$0x3FB2]  }
0x2e: {  	s3 =	simm.s32 @!p0 $0x1082;
	s9 =	sld [smem:$0x3FB3]  }
0x2f: {  	lr =	sadd.s32 s0, s3;
	s0 =	sld [smem:$0x3FAA]  }
0x30: {  	s3 =	sld [smem:$0x3FAD]  }
0x31: {  	[smem:$0x3FB6] =	sst s10  }
0x32: {  	s10 =	sld [smem:$0x3FB4];
	_ =	sdelay $0x3  }
0x33: {  	p0 =	seq.s32 s10, $0x1;
	s10 =	sld [smem:$0x3FB6];
	_ =	sdelay $0x3  }
0x34: {  	[smem:$0x3FB6] =	sst s10  }
0x35: {  	s10 =	sld [smem:$0x3FB5];
	_ =	sdelay $0x3  }
0x36: {  	p1 =	seq.s32 s10, $0x1;
	s10 =	sld [smem:$0x3FB6];
	_ =	sdelay $0x3  }
0x37: {  	[smem:$0x3FB6] =	sst s10  }
0x38: {  	s10 =	sld [smem:$0x3FB7]  }
0x39: {  	_ = 	snop;
	(pc) =	sbr.ind lr, $3  }
0x3a: {  	_ = 	snop  }
0x3b: {  	_ = 	snop  }
0x3c: {  	p2 =	seq.s32 s10, $0x1;
	s10 =	sld [smem:$0x3FB6]  }
0x3d: {  	_ =	shalt  }
0x3e: {  	_ =	shalt  }
0x3f: {  	_ =	shalt  }
0x40: {  	_ =	shalt  }
0x41: {  	_ =	shalt  }
0x42: {  	_ =	shalt  }
0x43: {  	_ =	shalt  }
0x44: {  	_ =	shalt  }
0x45: {  	_ =	shalt  }
0x46: {  	_ =	shalt  }
0x47: {  	_ =	shalt  }
0x48: {  	_ =	shalt  }
0x49: {  	_ =	shalt  }
0x4a: {  	_ =	shalt  }
0x4b: {  	_ =	shalt  }
0x4c: {  	_ =	shalt  }
0x4d: {  	_ =	shalt  }
0x4e: {  	_ =	shalt  }
0x4f: {  	_ =	shalt  }
0x50: {  	_ =	shalt  }
0x51: {  	_ =	shalt  }
0x52: {  	_ =	shalt  }
0x53: {  	_ =	shalt  }
0x54: {  	_ =	shalt  }
0x55: {  	_ =	shalt  }
0x56: {  	_ =	shalt  }
0x57: {  	_ =	shalt  }
0x58: {  	_ =	shalt  }
0x59: {  	_ =	shalt  }
0x5a: {  	_ =	shalt  }
0x5b: {  	_ =	shalt  }
0x5c: {  	_ =	shalt  }
0x5d: {  	_ =	shalt  }
0x5e: {  	_ =	shalt  }
0x5f: {  	_ =	shalt  }
0x60: {  	_ =	shalt  }
0x61: {  	_ =	shalt  }
0x62: {  	_ =	shalt  }
0x63: {  	_ =	shalt  }
0x64: {  	_ =	shalt  }
0x65: {  	_ =	shalt  }
0x66: {  	_ =	shalt  }
0x67: {  	_ =	shalt  }
0x68: {  	_ =	shalt  }
0x69: {  	_ =	shalt  }
0x6a: {  	_ =	shalt  }
0x6b: {  	_ =	shalt  }
0x6c: {  	_ =	shalt  }
0x6d: {  	_ =	shalt  }
0x6e: {  	_ =	shalt  }
0x6f: {  	_ =	shalt  }
0x70: {  	_ =	shalt  }
0x71: {  	_ =	shalt  }
0x72: {  	_ =	shalt  }
0x73: {  	_ =	shalt  }
0x74: {  	_ =	shalt  }
0x75: {  	_ =	shalt  }
0x76: {  	_ =	shalt  }
0x77: {  	_ =	shalt  }
0x78: {  	_ =	shalt  }
0x79: {  	_ =	shalt  }
0x7a: {  	_ =	shalt  }
0x7b: {  	_ =	shalt  }
0x7c: {  	_ =	shalt  }
0x7d: {  	_ =	shalt  }
0x7e: {  	_ =	shalt  }
0x7f: {  	_ =	shalt  }
0x80: {  	_ =	shalt  }
0x81: {  	_ =	shalt  }
0x82: {  	_ =	shalt  }
0x83: {  	_ =	shalt  }
0x84: {  	_ =	shalt  }
0x85: {  	_ =	shalt  }
0x86: {  	_ =	shalt  }
0x87: {  	_ =	shalt  }
.Lfunc_end0:
.L_simem_size_0:
called_computation.1_lowered:
.L_overlay_start_0:
0x88: {  	s2 =	sld [smem:$0x3FD9]  }
0x89: {  	s3 =	sld [smem:$0x3FFE];
	_ =	sdelay $0x1  }
0x8a: {  	s1 =	srdreg.scid  }
0x8b: {  	s0 =	sand.u32 $0x1, s1  }
0x8c: {  	s17 =	sshll.u32 s0, $0xA;
	s2 =	sadd.s32 s3, s2  }
0x8d: {  	s2 =	sadd.s32 s2, s17  }
0x8e: {  	[smem:$0x3FC2] =	sst s2  }
0x8f: {  	_ = 	snop  }
0x90: {  	s2 =	sld [smem:$0x3FD0];
	(tm) =	ssettm $0x1  }
0x91: {  	s18 =	sld [smem:$0x3FFB];
	_ =	sdelay $0x3  }
0x92: {  	_ =	strace s18  }
0x93: {  	s3 =	sld [smem:$0x3FFC];
	_ =	sdelay $0x3  }
0x94: {  	_ =	strace s3  }
0x95: {  	s3 =	sld [smem:$0x3FFD];
	_ =	sdelay $0x3  }
0x96: {  	_ =	strace s3  }
0x97: {  	_ =	strace $0x8FFFFFFF  }
0x98: {  	s19 =	sld [smem:$0x3FDB];
	_ =	sdelay $0x1  }
0x99: {  	s4 =	simm.s32 $_scs_section_size  }
0x9a: {  	s5 =	simm.s32 $_size__tile_overlayer_lowered;
	s6 =	simm.s32 $_tile_overlayer_lowered  }
0x9b: {  	s22 =	simm.s32 $0x1BFF;
	s21 =	sshll.u32 s6, $0x1;
	s3 =	sadd.s32 s4, s19  }
0x9c: {  	s7 =	simm.s32 $0x0;
	s20 =	sshll.u32 s5, $0x1;
	s5 =	sadd.s32 s21, s3  }
0x9d: {  	[timem:s7], [sflag:s22] =	dma.local [hbm:s5], s20  }
0x9e: {  	_ =	swait.ge [sflag:s22], s20  }
0x9f: {  	s4 =	ssub.s32 $0x0, s20;
	[sflag:s22] =	ssyncset.done $0x0  }
0xa0: {  	[sflag:s22] =	ssyncadd.s32 s4;
	_ =	sdelay $0x1  }
0xa1: {  	s23 =	simm.s32 $0x1B8B  }
0xa2: {  	_ =	swait.ge [sflag:s23], $0x1  }
0xa3: {  	[sflag:s23] =	ssyncset.done $0x0  }
0xa4: {  	s25 =	simm.s32 $0x1B8E;
	s24 =	sld [smem:$0x3FFE];
	[sflag:s23] =	ssyncadd.s32 $0xFFFFFFFF  }
0xa5: {  	s26 =	simm.s32 $execute0_lowered;
	[smem:$0x3FD2] =	sst s25  }
0xa6: {  	s5 =	sshll.u32 s26, $0x1;
	_ =	strace $0x80000049;
	[dreg:$0x1] =	wrdreg $0xFFFFFFFF  }
0xa7: {  	s28 =	simm.s32 $_size_execute0_lowered;
	s3 =	sadd.s32 s3, s5;
	[dreg:$0x0] =	wrdreg $0x0  }
0xa8: {  	s5 =	sshll.u32 s28, $0x1;
	[dreg:$0x2] =	wrdreg s3  }
0xa9: {  	[dreg:$0x3] =	wrdreg s5  }
0xaa: {  	[dreg:$0x4] =	wrdreg $0xC0  }
0xab: {  	_ =	task [dreg:s7], $0x5FFFF  }
0xac: {  	[dreg:$0x1] =	wrdreg $0xFFFFFFFF  }
0xad: {  	[dreg:$0x0] =	wrdreg $0x60  }
0xae: {  	[dreg:$0x2] =	wrdreg s2  }
0xaf: {  	[dreg:$0x3] =	wrdreg s24  }
0xb0: {  	[dreg:$0x4] =	wrdreg $0x9A000  }
0xb1: {  	[dreg:$0x5] =	wrdreg $0x9  }
0xb2: {  	_ =	task.clear_ibuf [dreg:s7], $0x6FFFF;
	_ =	strace $0x90000049  }
0xb3: {  	s29 =	simm.s32 $0x9;
	_ =	strace $0x8000004B  }
0xb4: {  	_ =	swait.ge [sflag:s29], $0x1  }
0xb5: {  	[sflag:s29] =	ssyncadd.s32 $0xFFFFFFFF  }
0xb6: {  	_ =	strace $0x9000004B  }
0xb7: {  	_ =	sfence  }
0xb8: {  	s30 =	sld [smem:$0x0];
	_ =	sdelay $0x2  }
0xb9: {  	s31 =	sshll.u32 s1, $0xD;
	s1 =	sshrl.u32 s1, $0x2  }
0xba: {  	s3 =	sand.u32 $0x4000, s31;
	s1 =	sadd.s32 s1, s30  }
0xbb: {  	s0 =	sor.u32 s3, s0;
	s1 =	sshll.u32 s1, $0x11  }
0xbc: {  	s0 =	sor.u32 s1, s0  }
0xbd: {  	s0 =	sadd.s32 $0x8F2B, s0  }
0xbe: {  	[sflag:s0] =	ssyncadd.remote.s32 $0x1  }
0xbf: {  	_ =	sfence.sel $0xFFFF  }
0xc0: {  	[dreg:$0x0] =	wrdreg $0xFFFFFFFF;
	(pc) =	sbr.abs _section_cstart, $3  }
0xc1: {  	[dreg:$0x1] =	wrdreg $0xFFFFFFFF  }
0xc2: {  	_ =	task.clear_ibuf [dreg:s7], $0x2FFFF;
	_ =	strace $0x9FFFFFFF  }
0xc3: {  	(tm) =	ssettm $0x7FFFFFFF  }
tec
execute0_lowered:
.L_overlay_start_1:
0x0: {  	(tag) =	ssettag $0x1  }
0x1: {  	s0 =	rddreg [dreg:$0x0]  }
0x2: {  	s6 =	rddreg [dreg:$0x1];
	s1 =	srdreg.scid  }
0x3: {  	s3 =	rddreg [dreg:$0x2];
	s2 =	stileid.u32;
	s4 =	simm.s32 $0x0  }
0x4: {  	s12 =	simm.s32 $0x9200;
	s13 =	simm.s32 $0x50;
	s14 =	simm.s32 $0x4000  }
0x5: {  	s15 =	simm.s32 $0x4200;
	s16 =	simm.s32 $0x4100;
	s17 =	simm.s32 $0x6A00  }
0x6: {  	s18 =	simm.s32 $0x1;
	s19 =	simm.s32 $0x4080;
	s20 =	simm.s32 $0x2  }
0x7: {  	s21 =	simm.s32 $0x4180;
	s22 =	simm.s32 $0x3;
	s24 =	simm.s32 $0x0  }
0x8: {  	s7 =	sand.u32 $0x1, s1;
	s1 =	rddreg [dreg:$0x3];
	s8 =	smul.u32 $0x14000, s2  }
0x9: {  	[smem:$0x7FF] =	sst s4;
	s10 =	smul.u32 $0x50000, s2;
	s29 =	sshll.u32 s2, $0xC  }
0xa: {  	s23 =	sshll.u32 s2, $0x6;
	s5 =	smul.u32 $0x140000, s7;
	s9 =	sshll.u32 s7, $0xB  }
0xb: {  	_ =	strace $0x8000004A;
	s28 =	ssub.s32 $0x2, s7;
	s23 =	sor.u32 $0x1C04, s23  }
0xc: {  	s9 =	sadd.s32 s9, s6;
	s11 =	sshrl.u32 s28, $0x1;
	s30 =	sshrl.u32 s10, $0x2  }
0xd: {  	s10 =	simm.s32 $0x1DA00;
	s8 =	sadd.s32 s8, s5;
	s5 =	sadd.s32 $0x2600, s6  }
0xe: {  	s7 =	sadd.s32 s29, s9;
	s31 =	ssub.s32 s28, s11;
	s8 =	sshrl.u32 s8, $0x3  }
0xf: {  	s11 =	simm.s32 $0x4;
	s9 =	smax.u32 s31, $0x1;
	s8 =	sadd.s32 s8, s6  }
0x10: {  	v0 =	vimm.f32 $0.0e+00;
	s6 =	sadd.s32 $0x52600, s7;
	s7 =	sadd.s32 s30, s3;
	s8 =	sadd.s32 $0x62600, s8  }
.LBB2_1:
0x11: {  	[tilespmem:s10], [sflag:$0x4] =	stream.linear.gather [hbm4b:s5+s4], $0x1, $0x38;
	[tilespmem:$0x1DA80] =	vst v63  }
0x12: {  	_ =	swait.ge [sflag:s11], $0x1  }
0x13: {  	[sflag:s11] =	ssyncset.done $0x0  }
0x14: {  	[sflag:s11] =	ssyncadd.s32 $0xFFFFFFFF  }
0x15: {  	v1 =	vld [tilespmem:$0x1DA00];
	[tilespmem:s4], [sflag:$0x4] =	stream.linear.gather [hbm4b:s6+s4], $0x3E80, $0x38  }
0x16: {  	_ =	swait.ge [sflag:s11], $0x3E80  }
0x17: {  	[sflag:s11] =	ssyncset.done $0x0  }
0x18: {  	s25 =	simm.s32 $0x0;
	s26 =	simm.s32 $0x200;
	[sflag:s11] =	ssyncadd.s32 $0xFFFFC180  }
.LBB2_2:
0x19: {  	p0 =	sne.s32 s26, $0x1E00;
	[tilespmem:s25+$0x9270] =	vst v0  }
0x1a: {  	[tilespmem:s25+$0x9200] =	vst v0  }
0x1b: {  	[tilespmem:s25+$0x9210] =	vst v0  }
.Ltmp0:
0x1c: {  	[tilespmem:s25+$0x9220] =	vst v0;
	(pc) =	sbr.rel @p0 .LBB2_2-.Ltmp0, $4  }
0x1d: {  	[tilespmem:s25+$0x9230] =	vst v0  }
0x1e: {  	[tilespmem:s25+$0x9240] =	vst v0  }
0x1f: {  	[tilespmem:s25+$0x9250] =	vst v0  }
0x20: {  	[tilespmem:s25+$0x9260] =	vst v0;
	s25 =	sshra.s32 s26, $0x2;
	s26 =	sadd.s32 $0x200, s26  }
0x21: {  	[tilespmem:s25+$0x9270] =	vst v0  }
0x22: {  	[tilespmem:s25+$0x9200] =	vst v0  }
0x23: {  	[tilespmem:s25+$0x9210] =	vst v0  }
0x24: {  	[tilespmem:s25+$0x9220] =	vst v0  }
0x25: {  	[tilespmem:s25+$0x9230] =	vst v0  }
0x26: {  	[tilespmem:s25+$0x9240] =	vst v0  }
0x27: {  	[tilespmem:s25+$0x9250] =	vst v0  }
0x28: {  	[tilespmem:s25+$0x9260] =	vst v0;
	s31 =	sadd.s32 $0x0, s7  }
0x29: {  	[spmem:s31] =	stream.linear.scatter [tilespmem:s12], [sflag:$0x4], $0x800, $0x38;
	[tilespmem:$0x1DA80] =	vst v63  }
0x2a: {  	s25 =	simm.s32 $0x2000;
	_ =	swait.ge [sflag:s11], $0x800  }
.LBB2_4:
0x2b: {  	s26 =	sshra.s32 s25, $0x2;
	[sflag:s11] =	ssyncset.done $0x0;
	p0 =	sne.s32 s25, $0x4E000  }
.Ltmp1:
0x2c: {  	s26 =	sadd.s32 s26, s7;
	[sflag:s11] =	ssyncadd.s32 $0xFFFFF800;
	(pc) =	sbr.rel @p0 .LBB2_4-.Ltmp1, $3  }
0x2d: {  	[spmem:s26] =	stream.linear.scatter [tilespmem:s12], [sflag:$0x4], $0x800, $0x38;
	[tilespmem:$0x1DA80] =	vst v63  }
0x2e: {  	s25 =	sadd.s32 $0x2000, s25;
	_ =	sdelay $0x1  }
0x2f: {  	_ =	swait.ge [sflag:s11], $0x800  }
0x30: {  	[sflag:s11] =	ssyncset.done $0x0  }
0x31: {  	[sflag:s11] =	ssyncadd.s32 $0xFFFFF800  }
0x32: {  	[bflag:$0x0] =	sbarrier.arrive $0xFFFF  }
0x33: {  	v2 =	vld [tilespmem:$0x0];
	_ =	sdelay $0x1  }
0x34: {  	v3 =	vld [tilespmem:$0x10]  }
0x35: {  	v1 =	vbroadcast v1, $0x0  }
0x36: {  	v4 =	vld [tilespmem:$0x20]  }
0x37: {  	v5 =	vand.u32 v1, v2  }
0x38: {  	v63 =	vld [tilespmem:$0x30];
	v2 =	vshrl.u32 v2, $0xE;
	[tilespmem:$0x4000] =	vst v5  }
0x39: {  	[tilespmem:$0x4080] =	vst v2;
	v2 =	vand.u32 v1, v3  }
0x3a: {  	[tilespmem:$0x4010] =	vst v2;
	v2 =	vshrl.u32 v3, $0xE;
	v3 =	vld [tilespmem:$0x40]  }
0x3b: {  	[tilespmem:$0x4090] =	vst v2;
	v2 =	vand.u32 v1, v4  }
0x3c: {  	[tilespmem:$0x4020] =	vst v2;
	v2 =	vshrl.u32 v4, $0xE  }
0x3d: {  	[tilespmem:$0x40A0] =	vst v2;
	v2 =	vand.u32 v1, v63  }
0x3e: {  	[tilespmem:$0x4030] =	vst v2;
	v2 =	vshrl.u32 v63, $0xE  }
0x3f: {  	[tilespmem:$0x40B0] =	vst v2;
	v2 =	vand.u32 v1, v3  }
0x40: {  	[tilespmem:$0x4040] =	vst v2;
	v2 =	vshrl.u32 v3, $0xE  }
0x41: {  	s26 =	simm.s32 $0x0;
	[tilespmem:$0x40C0] =	vst v2  }
0x42: {  	[tilespmem:s15], [sflag:$0x1] =	stream.indirect.gather [hbm4b:s0+s13], $0x80, s14, s13, $0xb8;
	[tilespmem:$0x1DA80] =	vst v63  }
0x43: {  	v2 =	vld [tilespmem:s26+$0x80];
	_ =	sdelay $0x4  }
0x44: {  	v3 =	vand.u32 v1, v2  }
0x45: {  	v2 =	vshrl.u32 v2, $0xE;
	[tilespmem:$0x4100] =	vst v3  }
0x46: {  	[tilespmem:$0x4180] =	vst v2  }
0x47: {  	v2 =	vld [tilespmem:s26+$0x90];
	_ =	sdelay $0x4  }
0x48: {  	v3 =	vand.u32 v1, v2  }
0x49: {  	v2 =	vshrl.u32 v2, $0xE;
	[tilespmem:$0x4110] =	vst v3  }
0x4a: {  	[tilespmem:$0x4190] =	vst v2  }
0x4b: {  	v2 =	vld [tilespmem:s26+$0xA0];
	_ =	sdelay $0x4  }
0x4c: {  	v3 =	vand.u32 v1, v2  }
0x4d: {  	v2 =	vshrl.u32 v2, $0xE;
	[tilespmem:$0x4120] =	vst v3  }
0x4e: {  	[tilespmem:$0x41A0] =	vst v2  }
0x4f: {  	v2 =	vld [tilespmem:s26+$0xB0];
	_ =	sdelay $0x4  }
0x50: {  	v3 =	vand.u32 v1, v2  }
0x51: {  	v2 =	vshrl.u32 v2, $0xE;
	[tilespmem:$0x4130] =	vst v3  }
0x52: {  	[tilespmem:$0x41B0] =	vst v2  }
0x53: {  	v2 =	vld [tilespmem:s26+$0xC0];
	_ =	sdelay $0x4  }
0x54: {  	v3 =	vand.u32 v1, v2  }
0x55: {  	v2 =	vshrl.u32 v2, $0xE;
	[tilespmem:$0x4140] =	vst v3  }
0x56: {  	[tilespmem:$0x41C0] =	vst v2  }
0x57: {  	[tilespmem:s17], [sflag:$0x2] =	stream.indirect.gather [hbm4b:s0+s13], $0x80, s16, s13, $0xb8;
	[tilespmem:$0x1DA80] =	vst v63  }
0x58: {  	_ =	swait.ge [sflag:s18], $0x2800  }
0x59: {  	[sflag:s18] =	ssyncset.done $0x0  }
0x5a: {  	[sflag:s18] =	ssyncadd.s32 $0xFFFFD800  }
0x5b: {  	[spmem:s3] =	stream.indirect.scatter.add.f32 [tilespmem:s15], [sflag:$0x3], $0x80, s19, s13, $0xb8;
	[tilespmem:$0x1DA80] =	vst v63  }
0x5c: {  	_ =	swait.ge [sflag:s20], $0x2800  }
0x5d: {  	[sflag:s20] =	ssyncset.done $0x0  }
0x5e: {  	[sflag:s20] =	ssyncadd.s32 $0xFFFFD800  }
0x5f: {  	[spmem:s3] =	stream.indirect.scatter.add.f32 [tilespmem:s17], [sflag:$0x3], $0x80, s21, s13, $0xb8;
	[tilespmem:$0x1DA80] =	vst v63  }
0x60: {  	_ =	swait.ge [sflag:s22], $0x2800  }
0x61: {  	[sflag:s22] =	ssyncset.done $0x0  }
0x62: {  	[sflag:s22] =	ssyncadd.s32 $0xFFFFD800  }
0x63: {  	v2 =	vld [tilespmem:s26+$0x100];
	_ =	sdelay $0x4  }
0x64: {  	v3 =	vand.u32 v1, v2  }
0x65: {  	v2 =	vshrl.u32 v2, $0xE;
	[tilespmem:$0x4000] =	vst v3  }
0x66: {  	[tilespmem:$0x4080] =	vst v2  }
0x67: {  	v2 =	vld [tilespmem:s26+$0x110];
	_ =	sdelay $0x4  }
0x68: {  	v3 =	vand.u32 v1, v2  }
0x69: {  	v2 =	vshrl.u32 v2, $0xE;
	[tilespmem:$0x4010] =	vst v3  }
0x6a: {  	[tilespmem:$0x4090] =	vst v2  }
0x6b: {  	v2 =	vld [tilespmem:s26+$0x120];
	_ =	sdelay $0x4  }
0x6c: {  	v3 =	vand.u32 v1, v2  }
0x6d: {  	v2 =	vshrl.u32 v2, $0xE;
	[tilespmem:$0x4020] =	vst v3  }
0x6e: {  	[tilespmem:$0x40A0] =	vst v2  }
0x6f: {  	v2 =	vld [tilespmem:s26+$0x130];
	_ =	sdelay $0x4  }
0x70: {  	v3 =	vand.u32 v1, v2  }
0x71: {  	v2 =	vshrl.u32 v2, $0xE;
	[tilespmem:$0x4030] =	vst v3  }
0x72: {  	[tilespmem:$0x40B0] =	vst v2  }
0x73: {  	s25 =	simm.s32 $0x400;
	v2 =	vld [tilespmem:s26+$0x140]  }
.LBB2_6:
0x74: {  	p0 =	sne.s32 s25, $0xF400;
	s26 =	smov.u32 s25;
	s25 =	sadd.s32 $0x400, s25  }
0x75: {  	_ =	sdelay $0x2  }
0x76: {  	v3 =	vand.u32 v1, v2;
	v2 =	vshrl.u32 v2, $0xE  }
0x77: {  	[tilespmem:$0x4040] =	vst v3  }
0x78: {  	[tilespmem:$0x40C0] =	vst v2  }
0x79: {  	[tilespmem:s15], [sflag:$0x1] =	stream.indirect.gather [hbm4b:s0+s13], $0x80, s14, s13, $0xb8;
	[tilespmem:$0x1DA80] =	vst v63  }
0x7a: {  	_ =	swait.ge [sflag:s22], $0x2800  }
0x7b: {  	[sflag:s22] =	ssyncset.done $0x0  }
0x7c: {  	s26 =	sshra.s32 s26, $0x2;
	[sflag:s22] =	ssyncadd.s32 $0xFFFFD800  }
0x7d: {  	v2 =	vld [tilespmem:s26+$0x80];
	_ =	sdelay $0x4  }
0x7e: {  	v3 =	vand.u32 v1, v2;
	v2 =	vshrl.u32 v2, $0xE  }
0x7f: {  	[tilespmem:$0x4100] =	vst v3  }
0x80: {  	[tilespmem:$0x4180] =	vst v2  }
0x81: {  	v2 =	vld [tilespmem:s26+$0x90];
	_ =	sdelay $0x4  }
0x82: {  	v3 =	vand.u32 v1, v2;
	v2 =	vshrl.u32 v2, $0xE  }
0x83: {  	[tilespmem:$0x4110] =	vst v3  }
0x84: {  	[tilespmem:$0x4190] =	vst v2  }
0x85: {  	v2 =	vld [tilespmem:s26+$0xA0];
	_ =	sdelay $0x4  }
0x86: {  	v3 =	vand.u32 v1, v2;
	v2 =	vshrl.u32 v2, $0xE  }
0x87: {  	[tilespmem:$0x4120] =	vst v3  }
0x88: {  	[tilespmem:$0x41A0] =	vst v2  }
0x89: {  	v2 =	vld [tilespmem:s26+$0xB0];
	_ =	sdelay $0x4  }
0x8a: {  	v3 =	vand.u32 v1, v2;
	v2 =	vshrl.u32 v2, $0xE  }
0x8b: {  	[tilespmem:$0x4130] =	vst v3  }
0x8c: {  	[tilespmem:$0x41B0] =	vst v2  }
0x8d: {  	v2 =	vld [tilespmem:s26+$0xC0];
	_ =	sdelay $0x4  }
0x8e: {  	v3 =	vand.u32 v1, v2;
	v2 =	vshrl.u32 v2, $0xE  }
0x8f: {  	[tilespmem:$0x4140] =	vst v3  }
0x90: {  	[tilespmem:$0x41C0] =	vst v2  }
0x91: {  	[tilespmem:s17], [sflag:$0x2] =	stream.indirect.gather [hbm4b:s0+s13], $0x80, s16, s13, $0xb8;
	[tilespmem:$0x1DA80] =	vst v63  }
0x92: {  	_ =	swait.ge [sflag:s18], $0x2800  }
0x93: {  	[sflag:s18] =	ssyncset.done $0x0  }
0x94: {  	[sflag:s18] =	ssyncadd.s32 $0xFFFFD800  }
0x95: {  	[spmem:s3] =	stream.indirect.scatter.add.f32 [tilespmem:s15], [sflag:$0x3], $0x80, s19, s13, $0xb8;
	[tilespmem:$0x1DA80] =	vst v63  }
0x96: {  	_ =	swait.ge [sflag:s20], $0x2800  }
0x97: {  	[sflag:s20] =	ssyncset.done $0x0  }
0x98: {  	[sflag:s20] =	ssyncadd.s32 $0xFFFFD800  }
0x99: {  	[spmem:s3] =	stream.indirect.scatter.add.f32 [tilespmem:s17], [sflag:$0x3], $0x80, s21, s13, $0xb8;
	[tilespmem:$0x1DA80] =	vst v63  }
0x9a: {  	_ =	swait.ge [sflag:s22], $0x2800  }
0x9b: {  	[sflag:s22] =	ssyncset.done $0x0  }
0x9c: {  	[sflag:s22] =	ssyncadd.s32 $0xFFFFD800  }
0x9d: {  	v2 =	vld [tilespmem:s26+$0x100];
	_ =	sdelay $0x4  }
0x9e: {  	v3 =	vand.u32 v1, v2;
	v2 =	vshrl.u32 v2, $0xE  }
0x9f: {  	[tilespmem:$0x4000] =	vst v3  }
0xa0: {  	[tilespmem:$0x4080] =	vst v2  }
0xa1: {  	v2 =	vld [tilespmem:s26+$0x110];
	_ =	sdelay $0x4  }
0xa2: {  	v3 =	vand.u32 v1, v2;
	v2 =	vshrl.u32 v2, $0xE  }
0xa3: {  	[tilespmem:$0x4010] =	vst v3  }
0xa4: {  	[tilespmem:$0x4090] =	vst v2  }
0xa5: {  	v2 =	vld [tilespmem:s26+$0x120];
	_ =	sdelay $0x4  }
0xa6: {  	v3 =	vand.u32 v1, v2;
	v2 =	vshrl.u32 v2, $0xE  }
0xa7: {  	[tilespmem:$0x4020] =	vst v3  }
0xa8: {  	[tilespmem:$0x40A0] =	vst v2  }
0xa9: {  	v2 =	vld [tilespmem:s26+$0x130];
	_ =	sdelay $0x3  }
.Ltmp2:
0xaa: {  	(pc) =	sbr.rel @p0 .LBB2_6-.Ltmp2, $4  }
0xab: {  	v3 =	vand.u32 v1, v2;
	v2 =	vshrl.u32 v2, $0xE  }
0xac: {  	[tilespmem:$0x4030] =	vst v3  }
0xad: {  	[tilespmem:$0x40B0] =	vst v2  }
0xae: {  	v2 =	vld [tilespmem:s26+$0x140]  }
0xaf: {  	_ =	sdelay $0x3  }
0xb0: {  	v1 =	vand.u32 v1, v2  }
0xb1: {  	v2 =	vshrl.u32 v2, $0xE;
	[tilespmem:$0x4040] =	vst v1  }
0xb2: {  	[tilespmem:$0x40C0] =	vst v2  }
0xb3: {  	[tilespmem:s15], [sflag:$0x1] =	stream.indirect.gather [hbm4b:s0+s13], $0x80, s14, s13, $0xb8;
	[tilespmem:$0x1DA80] =	vst v63  }
0xb4: {  	_ =	swait.ge [sflag:s22], $0x2800  }
0xb5: {  	[sflag:s22] =	ssyncset.done $0x0  }
0xb6: {  	[sflag:s22] =	ssyncadd.s32 $0xFFFFD800  }
0xb7: {  	_ =	swait.ge [sflag:s18], $0x2800  }
0xb8: {  	[sflag:s18] =	ssyncset.done $0x0  }
0xb9: {  	[sflag:s18] =	ssyncadd.s32 $0xFFFFD800  }
0xba: {  	[spmem:s3] =	stream.indirect.scatter.add.f32 [tilespmem:s15], [sflag:$0x4], $0x80, s19, s13, $0xb8;
	[tilespmem:$0x1DA80] =	vst v63  }
0xbb: {  	_ =	swait.ge [sflag:s11], $0x2800  }
0xbc: {  	s24 =	sadd.s32 $0x1, s24;
	[sflag:s11] =	ssyncset.done $0x0  }
0xbd: {  	p0 =	sne.s32 s24, s9;
	[sflag:s11] =	ssyncadd.s32 $0xFFFFD800  }
.Ltmp3:
0xbe: {  	s25 =	sshrl.u32 s7, $0x3;
	[bflag:$0x0] =	sbarrier.arrive $0xFFFF;
	(pc) =	sbr.rel @p0 .LBB2_1-.Ltmp3, $4  }
0xbf: {  	[hbm:s8], [sflag:s23] =	dma.local [spmem:s25], $0x2800  }
0xc0: {  	_ =	swait.ge [sflag:s11], $0x2800  }
0xc1: {  	[sflag:s11] =	ssyncset.done $0x0  }
0xc2: {  	[sflag:s11] =	ssyncadd.s32 $0xFFFFD800  }
0xc3: {  	_ =	sfence.sel $0x180000  }
0xc4: {  	[bflag:$0x0] =	sbarrier.arrive $0xFFFF  }
0xc5: {  	p0 =	sne.s32 s2, $0x0;
	_ =	strace $0x9000004A  }
0xc6: {  	s0 =	sadd.s32 @!p0 $0x100000, s1;
	[bflag:$0x2] =	sbarrier.arrive $0xFFFF  }
0xc7: {  	[sflag:s0] =	ssyncadd.tile.s32 @!p0 $0x1;
	_ =	shalt  }
.Lfunc_end2:
_tile_overlayer_lowered:
.L_overlay_start_2:
0xc8: {  	(tag) =	ssettag $0x2  }
0xc9: {  	s0 =	rddreg [dreg:$0x0];
	s2 =	stileid.u32  }
0xca: {  	s1 =	rddreg [dreg:$0x1];
	p0 =	sne.s32 s2, $0x0  }
0xcb: {  	s3 =	rddreg [dreg:$0x2];
	[bflag:$0x3] =	sbarrier.arrive $0xFFFF;
	s2 =	simm.s32 @!p0 $0x1C04  }
0xcc: {  	[timem:s3], [sflag:s2] =	dma.local @!p0 [hbm:s0], s1  }
0xcd: {  	s0 =	simm.s32 @!p0 $0x4  }
0xce: {  	_ =	swait.ge @!p0 [sflag:s0], s1  }
0xcf: {  	s1 =	ssub.s32 @!p0 $0x0, s1;
	[sflag:s0] =	ssyncset.done @!p0 $0x0  }
0xd0: {  	[sflag:s0] =	ssyncadd.s32 @!p0 s1  }
0xd1: {  	[bflag:$0x3] =	sbarrier.arrive $0xFFFF  }
0xd2: {  	_ =	shalt  }

// kernel: kernel.14.cloned.1.call-start
scs
__scs_entry_jumppad:
0x0: {  	(pc) =	sbr.rel $0x88, $3  }
0x1: {  	(tag) =	ssettag $0x0;
	lr =	simm.s32 $0x1  }
0x2: {  	[smem:$0x3F9B] =	sst lr;
	_ =	strace $0xD0000000  }
0x3: {  	_ = 	snop  }
0x4: {  	_ = 	snop  }
0x5: {  	_ = 	snop  }
0x6: {  	_ = 	snop  }
0x7: {  	_ = 	snop  }
__scs_overlays_trampoline_lowered:
0x8: {  	[smem:$0x3FAA] =	sst s0  }
0x9: {  	[smem:$0x3FAB] =	sst s1  }
0xa: {  	[smem:$0x3FAC] =	sst s2  }
0xb: {  	[smem:$0x3FAD] =	sst s3  }
0xc: {  	[smem:$0x3FAE] =	sst s4  }
0xd: {  	[smem:$0x3FAF] =	sst s5  }
0xe: {  	[smem:$0x3FB0] =	sst s6  }
0xf: {  	[smem:$0x3FB1] =	sst s7  }
0x10: {  	[smem:$0x3FB2] =	sst s8  }
0x11: {  	[smem:$0x3FB3] =	sst s9;
	s0 =	simm.s32 @!p0 $0x0  }
0x12: {  	s1 =	sld [smem:$0x3F99];
	s0 =	simm.s32 @p0 $0x1  }
0x13: {  	[smem:$0x3FB4] =	sst s0;
	s0 =	simm.s32 @!p1 $0x0  }
0x14: {  	s2 =	sld [smem:$0x3F98];
	s0 =	simm.s32 @p1 $0x1  }
0x15: {  	[smem:$0x3FB5] =	sst s0;
	s0 =	simm.s32 @!p2 $0x0  }
0x16: {  	s3 =	sld [smem:$0x3FDB];
	s0 =	simm.s32 @p2 $0x1  }
0x17: {  	s4 =	simm.s32 $0x1BF5;
	[smem:$0x3FB7] =	sst s0  }
0x18: {  	s0 =	sld [smem:$0x3F9A];
	_ =	swait.ge [sflag:s4], $0x0  }
0x19: {  	s7 =	sld [smem:$0x3F9B]  }
0x1a: {  	s8 =	sadd.s32 $0xFFFFE003, lr  }
0x1b: {  	s9 =	sadd.s32 $0xFFFFFEF7, lr;
	s5 =	simm.s32 $0xFFFFFFFF;
	p2 =	slt.u32 s8, $0xFFFFF086  }
0x1c: {  	p1 =	slt.u32 s9, $0xF7A;
	s5 =	simm.s32 @!p2 $0x0  }
0x1d: {  	s5 =	simm.s32 @p1 $0x1;
	p0 =	seq.s32 s7, s2  }
0x1e: {  	s7 =	smul.u32 @!p0 $0xF7A, s2;
	p2 =	seq.s32 @!p0 s5, $0x0  }
0x1f: {  	s9 =	smul.u32 $0xF7A, s1;
	s8 =	simm.s32 @!p0 $0x1BF5;
	p2 =	por !p2, p0  }
0x20: {  	[sflag:s8] =	ssyncset.s32 @!p0 $0xFFFFF086;
	s6 =	sadd.s32 @!p0 s3, s7;
	s7 =	simm.s32 @!p0 $0x108  }
0x21: {  	s3 =	sadd.s32 s3, s9;
	s6 =	sadd.s32 @!p0 $0x88, s6;
	s7 =	simm.s32 @p2 $0x1082  }
0x22: {  	[simem:s7], [sflag:s8] =	dma.local @!p0 [hbm:s6], $0xF7A  }
0x23: {  	s9 =	sor.u32 $0xD0000000, s2;
	s6 =	simm.s32 $0x108;
	_ =	swait.ge @!p0 [sflag:s8], $0x0  }
0x24: {  	s3 =	sadd.s32 $0x88, s3;
	s6 =	simm.s32 @!p1 $0x1082;
	[sflag:s4] =	ssyncset.s32 $0xFFFFF086  }
0x25: {  	[simem:s6], [sflag:s4] =	dma.local [hbm:s3], $0xF7A  }
0x26: {  	[smem:$0x3F9B] =	sst s1;
	(tag) =	ssettag s2;
	_ =	strace s9  }
0x27: {  	s1 =	sld [smem:$0x3FAB]  }
0x28: {  	s2 =	sld [smem:$0x3FAC]  }
0x29: {  	s4 =	sld [smem:$0x3FAE]  }
0x2a: {  	p0 =	seq.s32 s5, $0x0;
	s5 =	sld [smem:$0x3FAF]  }
0x2b: {  	s6 =	sld [smem:$0x3FB0]  }
0x2c: {  	s7 =	sld [smem:$0x3FB1]  }
0x2d: {  	s3 =	simm.s32 $0x108;
	s8 =	sld [smem:$0x3FB2]  }
0x2e: {  	s3 =	simm.s32 @!p0 $0x1082;
	s9 =	sld [smem:$0x3FB3]  }
0x2f: {  	lr =	sadd.s32 s0, s3;
	s0 =	sld [smem:$0x3FAA]  }
0x30: {  	s3 =	sld [smem:$0x3FAD]  }
0x31: {  	[smem:$0x3FB6] =	sst s10  }
0x32: {  	s10 =	sld [smem:$0x3FB4];
	_ =	sdelay $0x3  }
0x33: {  	p0 =	seq.s32 s10, $0x1;
	s10 =	sld [smem:$0x3FB6];
	_ =	sdelay $0x3  }
0x34: {  	[smem:$0x3FB6] =	sst s10  }
0x35: {  	s10 =	sld [smem:$0x3FB5];
	_ =	sdelay $0x3  }
0x36: {  	p1 =	seq.s32 s10, $0x1;
	s10 =	sld [smem:$0x3FB6];
	_ =	sdelay $0x3  }
0x37: {  	[smem:$0x3FB6] =	sst s10  }
0x38: {  	s10 =	sld [smem:$0x3FB7]  }
0x39: {  	_ = 	snop;
	(pc) =	sbr.ind lr, $3  }
0x3a: {  	_ = 	snop  }
0x3b: {  	_ = 	snop  }
0x3c: {  	p2 =	seq.s32 s10, $0x1;
	s10 =	sld [smem:$0x3FB6]  }
0x3d: {  	_ =	shalt  }
0x3e: {  	_ =	shalt  }
0x3f: {  	_ =	shalt  }
0x40: {  	_ =	shalt  }
0x41: {  	_ =	shalt  }
0x42: {  	_ =	shalt  }
0x43: {  	_ =	shalt  }
0x44: {  	_ =	shalt  }
0x45: {  	_ =	shalt  }
0x46: {  	_ =	shalt  }
0x47: {  	_ =	shalt  }
0x48: {  	_ =	shalt  }
0x49: {  	_ =	shalt  }
0x4a: {  	_ =	shalt  }
0x4b: {  	_ =	shalt  }
0x4c: {  	_ =	shalt  }
0x4d: {  	_ =	shalt  }
0x4e: {  	_ =	shalt  }
0x4f: {  	_ =	shalt  }
0x50: {  	_ =	shalt  }
0x51: {  	_ =	shalt  }
0x52: {  	_ =	shalt  }
0x53: {  	_ =	shalt  }
0x54: {  	_ =	shalt  }
0x55: {  	_ =	shalt  }
0x56: {  	_ =	shalt  }
0x57: {  	_ =	shalt  }
0x58: {  	_ =	shalt  }
0x59: {  	_ =	shalt  }
0x5a: {  	_ =	shalt  }
0x5b: {  	_ =	shalt  }
0x5c: {  	_ =	shalt  }
0x5d: {  	_ =	shalt  }
0x5e: {  	_ =	shalt  }
0x5f: {  	_ =	shalt  }
0x60: {  	_ =	shalt  }
0x61: {  	_ =	shalt  }
0x62: {  	_ =	shalt  }
0x63: {  	_ =	shalt  }
0x64: {  	_ =	shalt  }
0x65: {  	_ =	shalt  }
0x66: {  	_ =	shalt  }
0x67: {  	_ =	shalt  }
0x68: {  	_ =	shalt  }
0x69: {  	_ =	shalt  }
0x6a: {  	_ =	shalt  }
0x6b: {  	_ =	shalt  }
0x6c: {  	_ =	shalt  }
0x6d: {  	_ =	shalt  }
0x6e: {  	_ =	shalt  }
0x6f: {  	_ =	shalt  }
0x70: {  	_ =	shalt  }
0x71: {  	_ =	shalt  }
0x72: {  	_ =	shalt  }
0x73: {  	_ =	shalt  }
0x74: {  	_ =	shalt  }
0x75: {  	_ =	shalt  }
0x76: {  	_ =	shalt  }
0x77: {  	_ =	shalt  }
0x78: {  	_ =	shalt  }
0x79: {  	_ =	shalt  }
0x7a: {  	_ =	shalt  }
0x7b: {  	_ =	shalt  }
0x7c: {  	_ =	shalt  }
0x7d: {  	_ =	shalt  }
0x7e: {  	_ =	shalt  }
0x7f: {  	_ =	shalt  }
0x80: {  	_ =	shalt  }
0x81: {  	_ =	shalt  }
0x82: {  	_ =	shalt  }
0x83: {  	_ =	shalt  }
0x84: {  	_ =	shalt  }
0x85: {  	_ =	shalt  }
0x86: {  	_ =	shalt  }
0x87: {  	_ =	shalt  }
.Lfunc_end0:
.L_simem_size_0:
called_computation.2_lowered:
.L_overlay_start_0:
0x88: {  	s2 =	sld [smem:$0x3FD9]  }
0x89: {  	s3 =	sld [smem:$0x3FFE];
	_ =	sdelay $0x1  }
0x8a: {  	s1 =	srdreg.scid  }
0x8b: {  	s0 =	sand.u32 $0x1, s1  }
0x8c: {  	s17 =	sshll.u32 s0, $0xA;
	s2 =	sadd.s32 s3, s2  }
0x8d: {  	s2 =	sadd.s32 s2, s17  }
0x8e: {  	[smem:$0x3FC2] =	sst s2  }
0x8f: {  	_ = 	snop  }
0x90: {  	s2 =	sld [smem:$0x3FD0];
	(tm) =	ssettm $0x1  }
0x91: {  	s18 =	sld [smem:$0x3FFB];
	_ =	sdelay $0x3  }
0x92: {  	_ =	strace s18  }
0x93: {  	s3 =	sld [smem:$0x3FFC];
	_ =	sdelay $0x3  }
0x94: {  	_ =	strace s3  }
0x95: {  	s3 =	sld [smem:$0x3FFD];
	_ =	sdelay $0x3  }
0x96: {  	_ =	strace s3  }
0x97: {  	_ =	strace $0x8FFFFFFF  }
0x98: {  	s19 =	sld [smem:$0x3FDB];
	_ =	sdelay $0x1  }
0x99: {  	s4 =	simm.s32 $_scs_section_size  }
0x9a: {  	s5 =	simm.s32 $_size__tile_overlayer_lowered;
	s6 =	simm.s32 $_tile_overlayer_lowered  }
0x9b: {  	s22 =	simm.s32 $0x1BFF;
	s21 =	sshll.u32 s6, $0x1;
	s3 =	sadd.s32 s4, s19  }
0x9c: {  	s7 =	simm.s32 $0x0;
	s20 =	sshll.u32 s5, $0x1;
	s5 =	sadd.s32 s21, s3  }
0x9d: {  	[timem:s7], [sflag:s22] =	dma.local [hbm:s5], s20  }
0x9e: {  	_ =	swait.ge [sflag:s22], s20  }
0x9f: {  	s4 =	ssub.s32 $0x0, s20;
	[sflag:s22] =	ssyncset.done $0x0  }
0xa0: {  	[sflag:s22] =	ssyncadd.s32 s4;
	_ =	sdelay $0x1  }
0xa1: {  	s23 =	simm.s32 $0x1B8B  }
0xa2: {  	_ =	swait.ge [sflag:s23], $0x1  }
0xa3: {  	[sflag:s23] =	ssyncset.done $0x0  }
0xa4: {  	s25 =	simm.s32 $0x1B8E;
	s24 =	sld [smem:$0x3FFE];
	[sflag:s23] =	ssyncadd.s32 $0xFFFFFFFF  }
0xa5: {  	s26 =	simm.s32 $execute0_lowered;
	[smem:$0x3FD2] =	sst s25  }
0xa6: {  	s5 =	sshll.u32 s26, $0x1;
	_ =	strace $0x8000004C;
	[dreg:$0x1] =	wrdreg $0xFFFFFFFF  }
0xa7: {  	s28 =	simm.s32 $_size_execute0_lowered;
	s3 =	sadd.s32 s3, s5;
	[dreg:$0x0] =	wrdreg $0x0  }
0xa8: {  	s5 =	sshll.u32 s28, $0x1;
	[dreg:$0x2] =	wrdreg s3  }
0xa9: {  	[dreg:$0x3] =	wrdreg s5  }
0xaa: {  	[dreg:$0x4] =	wrdreg $0xC0  }
0xab: {  	_ =	task [dreg:s7], $0x5FFFF  }
0xac: {  	[dreg:$0x1] =	wrdreg $0xFFFFFFFF  }
0xad: {  	[dreg:$0x0] =	wrdreg $0x60  }
0xae: {  	[dreg:$0x2] =	wrdreg s2  }
0xaf: {  	[dreg:$0x3] =	wrdreg s24  }
0xb0: {  	[dreg:$0x4] =	wrdreg $0x9A000  }
0xb1: {  	[dreg:$0x5] =	wrdreg $0x9  }
0xb2: {  	_ =	task.clear_ibuf [dreg:s7], $0x6FFFF;
	_ =	strace $0x9000004C  }
0xb3: {  	s29 =	simm.s32 $0x9;
	_ =	strace $0x8000004E  }
0xb4: {  	_ =	swait.ge [sflag:s29], $0x1  }
0xb5: {  	[sflag:s29] =	ssyncadd.s32 $0xFFFFFFFF  }
0xb6: {  	_ =	strace $0x9000004E  }
0xb7: {  	_ =	sfence  }
0xb8: {  	s30 =	sld [smem:$0x0];
	_ =	sdelay $0x2  }
0xb9: {  	s31 =	sshll.u32 s1, $0xD;
	s1 =	sshrl.u32 s1, $0x2  }
0xba: {  	s3 =	sand.u32 $0x4000, s31;
	s1 =	sadd.s32 s1, s30  }
0xbb: {  	s0 =	sor.u32 s3, s0;
	s1 =	sshll.u32 s1, $0x11  }
0xbc: {  	s0 =	sor.u32 s1, s0  }
0xbd: {  	s0 =	sadd.s32 $0x8F2B, s0  }
0xbe: {  	[sflag:s0] =	ssyncadd.remote.s32 $0x1  }
0xbf: {  	_ =	sfence.sel $0xFFFF  }
0xc0: {  	[dreg:$0x0] =	wrdreg $0xFFFFFFFF;
	(pc) =	sbr.abs _section_cstart, $3  }
0xc1: {  	[dreg:$0x1] =	wrdreg $0xFFFFFFFF  }
0xc2: {  	_ =	task.clear_ibuf [dreg:s7], $0x2FFFF;
	_ =	strace $0x9FFFFFFF  }
0xc3: {  	(tm) =	ssettm $0x7FFFFFFF  }
tec
execute0_lowered:
.L_overlay_start_1:
0x0: {  	(tag) =	ssettag $0x1  }
0x1: {  	s0 =	rddreg [dreg:$0x0]  }
0x2: {  	s6 =	rddreg [dreg:$0x1];
	s1 =	srdreg.scid  }
0x3: {  	s3 =	rddreg [dreg:$0x2];
	s2 =	stileid.u32;
	s4 =	simm.s32 $0x0  }
0x4: {  	s12 =	simm.s32 $0x9200;
	s13 =	simm.s32 $0x50;
	s14 =	simm.s32 $0x4000  }
0x5: {  	s15 =	simm.s32 $0x4200;
	s16 =	simm.s32 $0x4100;
	s17 =	simm.s32 $0x6A00  }
0x6: {  	s18 =	simm.s32 $0x1;
	s19 =	simm.s32 $0x4080;
	s20 =	simm.s32 $0x2  }
0x7: {  	s21 =	simm.s32 $0x4180;
	s22 =	simm.s32 $0x3;
	s24 =	simm.s32 $0x0  }
0x8: {  	s7 =	sand.u32 $0x1, s1;
	s1 =	rddreg [dreg:$0x3];
	s8 =	smul.u32 $0x14000, s2  }
0x9: {  	[smem:$0x7FF] =	sst s4;
	s10 =	smul.u32 $0x50000, s2;
	s29 =	sshll.u32 s2, $0xC  }
0xa: {  	s23 =	sshll.u32 s2, $0x6;
	s5 =	smul.u32 $0x140000, s7;
	s9 =	sshll.u32 s7, $0xB  }
0xb: {  	_ =	strace $0x8000004D;
	s28 =	ssub.s32 $0x2, s7;
	s23 =	sor.u32 $0x1C04, s23  }
0xc: {  	s9 =	sadd.s32 s9, s6;
	s11 =	sshrl.u32 s28, $0x1;
	s30 =	sshrl.u32 s10, $0x2  }
0xd: {  	s10 =	simm.s32 $0x1DA00;
	s8 =	sadd.s32 s8, s5;
	s5 =	sadd.s32 $0x2800, s6  }
0xe: {  	s7 =	sadd.s32 s29, s9;
	s31 =	ssub.s32 s28, s11;
	s8 =	sshrl.u32 s8, $0x3  }
0xf: {  	s11 =	simm.s32 $0x4;
	s9 =	smax.u32 s31, $0x1;
	s8 =	sadd.s32 s8, s6  }
0x10: {  	v0 =	vimm.f32 $0.0e+00;
	s6 =	sadd.s32 $0x52600, s7;
	s7 =	sadd.s32 s30, s3;
	s8 =	sadd.s32 $0x62600, s8  }
.LBB2_1:
0x11: {  	[tilespmem:s10], [sflag:$0x4] =	stream.linear.gather [hbm4b:s5+s4], $0x1, $0x38;
	[tilespmem:$0x1DA80] =	vst v63  }
0x12: {  	_ =	swait.ge [sflag:s11], $0x1  }
0x13: {  	[sflag:s11] =	ssyncset.done $0x0  }
0x14: {  	[sflag:s11] =	ssyncadd.s32 $0xFFFFFFFF  }
0x15: {  	v1 =	vld [tilespmem:$0x1DA00];
	[tilespmem:s4], [sflag:$0x4] =	stream.linear.gather [hbm4b:s6+s4], $0x3E80, $0x38  }
0x16: {  	_ =	swait.ge [sflag:s11], $0x3E80  }
0x17: {  	[sflag:s11] =	ssyncset.done $0x0  }
0x18: {  	s25 =	simm.s32 $0x0;
	s26 =	simm.s32 $0x200;
	[sflag:s11] =	ssyncadd.s32 $0xFFFFC180  }
.LBB2_2:
0x19: {  	p0 =	sne.s32 s26, $0x1E00;
	[tilespmem:s25+$0x9270] =	vst v0  }
0x1a: {  	[tilespmem:s25+$0x9200] =	vst v0  }
0x1b: {  	[tilespmem:s25+$0x9210] =	vst v0  }
.Ltmp0:
0x1c: {  	[tilespmem:s25+$0x9220] =	vst v0;
	(pc) =	sbr.rel @p0 .LBB2_2-.Ltmp0, $4  }
0x1d: {  	[tilespmem:s25+$0x9230] =	vst v0  }
0x1e: {  	[tilespmem:s25+$0x9240] =	vst v0  }
0x1f: {  	[tilespmem:s25+$0x9250] =	vst v0  }
0x20: {  	[tilespmem:s25+$0x9260] =	vst v0;
	s25 =	sshra.s32 s26, $0x2;
	s26 =	sadd.s32 $0x200, s26  }
0x21: {  	[tilespmem:s25+$0x9270] =	vst v0  }
0x22: {  	[tilespmem:s25+$0x9200] =	vst v0  }
0x23: {  	[tilespmem:s25+$0x9210] =	vst v0  }
0x24: {  	[tilespmem:s25+$0x9220] =	vst v0  }
0x25: {  	[tilespmem:s25+$0x9230] =	vst v0  }
0x26: {  	[tilespmem:s25+$0x9240] =	vst v0  }
0x27: {  	[tilespmem:s25+$0x9250] =	vst v0  }
0x28: {  	[tilespmem:s25+$0x9260] =	vst v0;
	s31 =	sadd.s32 $0x0, s7  }
0x29: {  	[spmem:s31] =	stream.linear.scatter [tilespmem:s12], [sflag:$0x4], $0x800, $0x38;
	[tilespmem:$0x1DA80] =	vst v63  }
0x2a: {  	s25 =	simm.s32 $0x2000;
	_ =	swait.ge [sflag:s11], $0x800  }
.LBB2_4:
0x2b: {  	s26 =	sshra.s32 s25, $0x2;
	[sflag:s11] =	ssyncset.done $0x0;
	p0 =	sne.s32 s25, $0x4E000  }
.Ltmp1:
0x2c: {  	s26 =	sadd.s32 s26, s7;
	[sflag:s11] =	ssyncadd.s32 $0xFFFFF800;
	(pc) =	sbr.rel @p0 .LBB2_4-.Ltmp1, $3  }
0x2d: {  	[spmem:s26] =	stream.linear.scatter [tilespmem:s12], [sflag:$0x4], $0x800, $0x38;
	[tilespmem:$0x1DA80] =	vst v63  }
0x2e: {  	s25 =	sadd.s32 $0x2000, s25;
	_ =	sdelay $0x1  }
0x2f: {  	_ =	swait.ge [sflag:s11], $0x800  }
0x30: {  	[sflag:s11] =	ssyncset.done $0x0  }
0x31: {  	[sflag:s11] =	ssyncadd.s32 $0xFFFFF800  }
0x32: {  	[bflag:$0x0] =	sbarrier.arrive $0xFFFF  }
0x33: {  	v2 =	vld [tilespmem:$0x0];
	_ =	sdelay $0x1  }
0x34: {  	v3 =	vld [tilespmem:$0x10]  }
0x35: {  	v1 =	vbroadcast v1, $0x0  }
0x36: {  	v4 =	vld [tilespmem:$0x20]  }
0x37: {  	v5 =	vand.u32 v1, v2  }
0x38: {  	v63 =	vld [tilespmem:$0x30];
	v2 =	vshrl.u32 v2, $0xE;
	[tilespmem:$0x4000] =	vst v5  }
0x39: {  	[tilespmem:$0x4080] =	vst v2;
	v2 =	vand.u32 v1, v3  }
0x3a: {  	[tilespmem:$0x4010] =	vst v2;
	v2 =	vshrl.u32 v3, $0xE;
	v3 =	vld [tilespmem:$0x40]  }
0x3b: {  	[tilespmem:$0x4090] =	vst v2;
	v2 =	vand.u32 v1, v4  }
0x3c: {  	[tilespmem:$0x4020] =	vst v2;
	v2 =	vshrl.u32 v4, $0xE  }
0x3d: {  	[tilespmem:$0x40A0] =	vst v2;
	v2 =	vand.u32 v1, v63  }
0x3e: {  	[tilespmem:$0x4030] =	vst v2;
	v2 =	vshrl.u32 v63, $0xE  }
0x3f: {  	[tilespmem:$0x40B0] =	vst v2;
	v2 =	vand.u32 v1, v3  }
0x40: {  	[tilespmem:$0x4040] =	vst v2;
	v2 =	vshrl.u32 v3, $0xE  }
0x41: {  	s26 =	simm.s32 $0x0;
	[tilespmem:$0x40C0] =	vst v2  }
0x42: {  	[tilespmem:s15], [sflag:$0x1] =	stream.indirect.gather [hbm4b:s0+s13], $0x80, s14, s13, $0xb8;
	[tilespmem:$0x1DA80] =	vst v63  }
0x43: {  	v2 =	vld [tilespmem:s26+$0x80];
	_ =	sdelay $0x4  }
0x44: {  	v3 =	vand.u32 v1, v2  }
0x45: {  	v2 =	vshrl.u32 v2, $0xE;
	[tilespmem:$0x4100] =	vst v3  }
0x46: {  	[tilespmem:$0x4180] =	vst v2  }
0x47: {  	v2 =	vld [tilespmem:s26+$0x90];
	_ =	sdelay $0x4  }
0x48: {  	v3 =	vand.u32 v1, v2  }
0x49: {  	v2 =	vshrl.u32 v2, $0xE;
	[tilespmem:$0x4110] =	vst v3  }
0x4a: {  	[tilespmem:$0x4190] =	vst v2  }
0x4b: {  	v2 =	vld [tilespmem:s26+$0xA0];
	_ =	sdelay $0x4  }
0x4c: {  	v3 =	vand.u32 v1, v2  }
0x4d: {  	v2 =	vshrl.u32 v2, $0xE;
	[tilespmem:$0x4120] =	vst v3  }
0x4e: {  	[tilespmem:$0x41A0] =	vst v2  }
0x4f: {  	v2 =	vld [tilespmem:s26+$0xB0];
	_ =	sdelay $0x4  }
0x50: {  	v3 =	vand.u32 v1, v2  }
0x51: {  	v2 =	vshrl.u32 v2, $0xE;
	[tilespmem:$0x4130] =	vst v3  }
0x52: {  	[tilespmem:$0x41B0] =	vst v2  }
0x53: {  	v2 =	vld [tilespmem:s26+$0xC0];
	_ =	sdelay $0x4  }
0x54: {  	v3 =	vand.u32 v1, v2  }
0x55: {  	v2 =	vshrl.u32 v2, $0xE;
	[tilespmem:$0x4140] =	vst v3  }
0x56: {  	[tilespmem:$0x41C0] =	vst v2  }
0x57: {  	[tilespmem:s17], [sflag:$0x2] =	stream.indirect.gather [hbm4b:s0+s13], $0x80, s16, s13, $0xb8;
	[tilespmem:$0x1DA80] =	vst v63  }
0x58: {  	_ =	swait.ge [sflag:s18], $0x2800  }
0x59: {  	[sflag:s18] =	ssyncset.done $0x0  }
0x5a: {  	[sflag:s18] =	ssyncadd.s32 $0xFFFFD800  }
0x5b: {  	[spmem:s3] =	stream.indirect.scatter.add.f32 [tilespmem:s15], [sflag:$0x3], $0x80, s19, s13, $0xb8;
	[tilespmem:$0x1DA80] =	vst v63  }
0x5c: {  	_ =	swait.ge [sflag:s20], $0x2800  }
0x5d: {  	[sflag:s20] =	ssyncset.done $0x0  }
0x5e: {  	[sflag:s20] =	ssyncadd.s32 $0xFFFFD800  }
0x5f: {  	[spmem:s3] =	stream.indirect.scatter.add.f32 [tilespmem:s17], [sflag:$0x3], $0x80, s21, s13, $0xb8;
	[tilespmem:$0x1DA80] =	vst v63  }
0x60: {  	_ =	swait.ge [sflag:s22], $0x2800  }
0x61: {  	[sflag:s22] =	ssyncset.done $0x0  }
0x62: {  	[sflag:s22] =	ssyncadd.s32 $0xFFFFD800  }
0x63: {  	v2 =	vld [tilespmem:s26+$0x100];
	_ =	sdelay $0x4  }
0x64: {  	v3 =	vand.u32 v1, v2  }
0x65: {  	v2 =	vshrl.u32 v2, $0xE;
	[tilespmem:$0x4000] =	vst v3  }
0x66: {  	[tilespmem:$0x4080] =	vst v2  }
0x67: {  	v2 =	vld [tilespmem:s26+$0x110];
	_ =	sdelay $0x4  }
0x68: {  	v3 =	vand.u32 v1, v2  }
0x69: {  	v2 =	vshrl.u32 v2, $0xE;
	[tilespmem:$0x4010] =	vst v3  }
0x6a: {  	[tilespmem:$0x4090] =	vst v2  }
0x6b: {  	v2 =	vld [tilespmem:s26+$0x120];
	_ =	sdelay $0x4  }
0x6c: {  	v3 =	vand.u32 v1, v2  }
0x6d: {  	v2 =	vshrl.u32 v2, $0xE;
	[tilespmem:$0x4020] =	vst v3  }
0x6e: {  	[tilespmem:$0x40A0] =	vst v2  }
0x6f: {  	v2 =	vld [tilespmem:s26+$0x130];
	_ =	sdelay $0x4  }
0x70: {  	v3 =	vand.u32 v1, v2  }
0x71: {  	v2 =	vshrl.u32 v2, $0xE;
	[tilespmem:$0x4030] =	vst v3  }
0x72: {  	[tilespmem:$0x40B0] =	vst v2  }
0x73: {  	s25 =	simm.s32 $0x400;
	v2 =	vld [tilespmem:s26+$0x140]  }
.LBB2_6:
0x74: {  	p0 =	sne.s32 s25, $0xF400;
	s26 =	smov.u32 s25;
	s25 =	sadd.s32 $0x400, s25  }
0x75: {  	_ =	sdelay $0x2  }
0x76: {  	v3 =	vand.u32 v1, v2;
	v2 =	vshrl.u32 v2, $0xE  }
0x77: {  	[tilespmem:$0x4040] =	vst v3  }
0x78: {  	[tilespmem:$0x40C0] =	vst v2  }
0x79: {  	[tilespmem:s15], [sflag:$0x1] =	stream.indirect.gather [hbm4b:s0+s13], $0x80, s14, s13, $0xb8;
	[tilespmem:$0x1DA80] =	vst v63  }
0x7a: {  	_ =	swait.ge [sflag:s22], $0x2800  }
0x7b: {  	[sflag:s22] =	ssyncset.done $0x0  }
0x7c: {  	s26 =	sshra.s32 s26, $0x2;
	[sflag:s22] =	ssyncadd.s32 $0xFFFFD800  }
0x7d: {  	v2 =	vld [tilespmem:s26+$0x80];
	_ =	sdelay $0x4  }
0x7e: {  	v3 =	vand.u32 v1, v2;
	v2 =	vshrl.u32 v2, $0xE  }
0x7f: {  	[tilespmem:$0x4100] =	vst v3  }
0x80: {  	[tilespmem:$0x4180] =	vst v2  }
0x81: {  	v2 =	vld [tilespmem:s26+$0x90];
	_ =	sdelay $0x4  }
0x82: {  	v3 =	vand.u32 v1, v2;
	v2 =	vshrl.u32 v2, $0xE  }
0x83: {  	[tilespmem:$0x4110] =	vst v3  }
0x84: {  	[tilespmem:$0x4190] =	vst v2  }
0x85: {  	v2 =	vld [tilespmem:s26+$0xA0];
	_ =	sdelay $0x4  }
0x86: {  	v3 =	vand.u32 v1, v2;
	v2 =	vshrl.u32 v2, $0xE  }
0x87: {  	[tilespmem:$0x4120] =	vst v3  }
0x88: {  	[tilespmem:$0x41A0] =	vst v2  }
0x89: {  	v2 =	vld [tilespmem:s26+$0xB0];
	_ =	sdelay $0x4  }
0x8a: {  	v3 =	vand.u32 v1, v2;
	v2 =	vshrl.u32 v2, $0xE  }
0x8b: {  	[tilespmem:$0x4130] =	vst v3  }
0x8c: {  	[tilespmem:$0x41B0] =	vst v2  }
0x8d: {  	v2 =	vld [tilespmem:s26+$0xC0];
	_ =	sdelay $0x4  }
0x8e: {  	v3 =	vand.u32 v1, v2;
	v2 =	vshrl.u32 v2, $0xE  }
0x8f: {  	[tilespmem:$0x4140] =	vst v3  }
0x90: {  	[tilespmem:$0x41C0] =	vst v2  }
0x91: {  	[tilespmem:s17], [sflag:$0x2] =	stream.indirect.gather [hbm4b:s0+s13], $0x80, s16, s13, $0xb8;
	[tilespmem:$0x1DA80] =	vst v63  }
0x92: {  	_ =	swait.ge [sflag:s18], $0x2800  }
0x93: {  	[sflag:s18] =	ssyncset.done $0x0  }
0x94: {  	[sflag:s18] =	ssyncadd.s32 $0xFFFFD800  }
0x95: {  	[spmem:s3] =	stream.indirect.scatter.add.f32 [tilespmem:s15], [sflag:$0x3], $0x80, s19, s13, $0xb8;
	[tilespmem:$0x1DA80] =	vst v63  }
0x96: {  	_ =	swait.ge [sflag:s20], $0x2800  }
0x97: {  	[sflag:s20] =	ssyncset.done $0x0  }
0x98: {  	[sflag:s20] =	ssyncadd.s32 $0xFFFFD800  }
0x99: {  	[spmem:s3] =	stream.indirect.scatter.add.f32 [tilespmem:s17], [sflag:$0x3], $0x80, s21, s13, $0xb8;
	[tilespmem:$0x1DA80] =	vst v63  }
0x9a: {  	_ =	swait.ge [sflag:s22], $0x2800  }
0x9b: {  	[sflag:s22] =	ssyncset.done $0x0  }
0x9c: {  	[sflag:s22] =	ssyncadd.s32 $0xFFFFD800  }
0x9d: {  	v2 =	vld [tilespmem:s26+$0x100];
	_ =	sdelay $0x4  }
0x9e: {  	v3 =	vand.u32 v1, v2;
	v2 =	vshrl.u32 v2, $0xE  }
0x9f: {  	[tilespmem:$0x4000] =	vst v3  }
0xa0: {  	[tilespmem:$0x4080] =	vst v2  }
0xa1: {  	v2 =	vld [tilespmem:s26+$0x110];
	_ =	sdelay $0x4  }
0xa2: {  	v3 =	vand.u32 v1, v2;
	v2 =	vshrl.u32 v2, $0xE  }
0xa3: {  	[tilespmem:$0x4010] =	vst v3  }
0xa4: {  	[tilespmem:$0x4090] =	vst v2  }
0xa5: {  	v2 =	vld [tilespmem:s26+$0x120];
	_ =	sdelay $0x4  }
0xa6: {  	v3 =	vand.u32 v1, v2;
	v2 =	vshrl.u32 v2, $0xE  }
0xa7: {  	[tilespmem:$0x4020] =	vst v3  }
0xa8: {  	[tilespmem:$0x40A0] =	vst v2  }
0xa9: {  	v2 =	vld [tilespmem:s26+$0x130];
	_ =	sdelay $0x3  }
.Ltmp2:
0xaa: {  	(pc) =	sbr.rel @p0 .LBB2_6-.Ltmp2, $4  }
0xab: {  	v3 =	vand.u32 v1, v2;
	v2 =	vshrl.u32 v2, $0xE  }
0xac: {  	[tilespmem:$0x4030] =	vst v3  }
0xad: {  	[tilespmem:$0x40B0] =	vst v2  }
0xae: {  	v2 =	vld [tilespmem:s26+$0x140]  }
0xaf: {  	_ =	sdelay $0x3  }
0xb0: {  	v1 =	vand.u32 v1, v2  }
0xb1: {  	v2 =	vshrl.u32 v2, $0xE;
	[tilespmem:$0x4040] =	vst v1  }
0xb2: {  	[tilespmem:$0x40C0] =	vst v2  }
0xb3: {  	[tilespmem:s15], [sflag:$0x1] =	stream.indirect.gather [hbm4b:s0+s13], $0x80, s14, s13, $0xb8;
	[tilespmem:$0x1DA80] =	vst v63  }
0xb4: {  	_ =	swait.ge [sflag:s22], $0x2800  }
0xb5: {  	[sflag:s22] =	ssyncset.done $0x0  }
0xb6: {  	[sflag:s22] =	ssyncadd.s32 $0xFFFFD800  }
0xb7: {  	_ =	swait.ge [sflag:s18], $0x2800  }
0xb8: {  	[sflag:s18] =	ssyncset.done $0x0  }
0xb9: {  	[sflag:s18] =	ssyncadd.s32 $0xFFFFD800  }
0xba: {  	[spmem:s3] =	stream.indirect.scatter.add.f32 [tilespmem:s15], [sflag:$0x4], $0x80, s19, s13, $0xb8;
	[tilespmem:$0x1DA80] =	vst v63  }
0xbb: {  	_ =	swait.ge [sflag:s11], $0x2800  }
0xbc: {  	s24 =	sadd.s32 $0x1, s24;
	[sflag:s11] =	ssyncset.done $0x0  }
0xbd: {  	p0 =	sne.s32 s24, s9;
	[sflag:s11] =	ssyncadd.s32 $0xFFFFD800  }
.Ltmp3:
0xbe: {  	s25 =	sshrl.u32 s7, $0x3;
	[bflag:$0x0] =	sbarrier.arrive $0xFFFF;
	(pc) =	sbr.rel @p0 .LBB2_1-.Ltmp3, $4  }
0xbf: {  	[hbm:s8], [sflag:s23] =	dma.local [spmem:s25], $0x2800  }
0xc0: {  	_ =	swait.ge [sflag:s11], $0x2800  }
0xc1: {  	[sflag:s11] =	ssyncset.done $0x0  }
0xc2: {  	[sflag:s11] =	ssyncadd.s32 $0xFFFFD800  }
0xc3: {  	_ =	sfence.sel $0x180000  }
0xc4: {  	[bflag:$0x0] =	sbarrier.arrive $0xFFFF  }
0xc5: {  	p0 =	sne.s32 s2, $0x0;
	_ =	strace $0x9000004D  }
0xc6: {  	s0 =	sadd.s32 @!p0 $0x100000, s1;
	[bflag:$0x2] =	sbarrier.arrive $0xFFFF  }
0xc7: {  	[sflag:s0] =	ssyncadd.tile.s32 @!p0 $0x1;
	_ =	shalt  }
.Lfunc_end2:
_tile_overlayer_lowered:
.L_overlay_start_2:
0xc8: {  	(tag) =	ssettag $0x2  }
0xc9: {  	s0 =	rddreg [dreg:$0x0];
	s2 =	stileid.u32  }
0xca: {  	s1 =	rddreg [dreg:$0x1];
	p0 =	sne.s32 s2, $0x0  }
0xcb: {  	s3 =	rddreg [dreg:$0x2];
	[bflag:$0x3] =	sbarrier.arrive $0xFFFF;
	s2 =	simm.s32 @!p0 $0x1C04  }
0xcc: {  	[timem:s3], [sflag:s2] =	dma.local @!p0 [hbm:s0], s1  }
0xcd: {  	s0 =	simm.s32 @!p0 $0x4  }
0xce: {  	_ =	swait.ge @!p0 [sflag:s0], s1  }
0xcf: {  	s1 =	ssub.s32 @!p0 $0x0, s1;
	[sflag:s0] =	ssyncset.done @!p0 $0x0  }
0xd0: {  	[sflag:s0] =	ssyncadd.s32 @!p0 s1  }
0xd1: {  	[bflag:$0x3] =	sbarrier.arrive $0xFFFF  }
0xd2: {  	_ =	shalt  }

// kernel: kernel.8.cloned.1.call-start
scs
__scs_entry_jumppad:
0x0: {  	(pc) =	sbr.rel $0x88, $3  }
0x1: {  	(tag) =	ssettag $0x0;
	lr =	simm.s32 $0x1  }
0x2: {  	[smem:$0x3F9B] =	sst lr;
	_ =	strace $0xD0000000  }
0x3: {  	_ = 	snop  }
0x4: {  	_ = 	snop  }
0x5: {  	_ = 	snop  }
0x6: {  	_ = 	snop  }
0x7: {  	_ = 	snop  }
__scs_overlays_trampoline_lowered:
0x8: {  	[smem:$0x3FAA] =	sst s0  }
0x9: {  	[smem:$0x3FAB] =	sst s1  }
0xa: {  	[smem:$0x3FAC] =	sst s2  }
0xb: {  	[smem:$0x3FAD] =	sst s3  }
0xc: {  	[smem:$0x3FAE] =	sst s4  }
0xd: {  	[smem:$0x3FAF] =	sst s5  }
0xe: {  	[smem:$0x3FB0] =	sst s6  }
0xf: {  	[smem:$0x3FB1] =	sst s7  }
0x10: {  	[smem:$0x3FB2] =	sst s8  }
0x11: {  	[smem:$0x3FB3] =	sst s9;
	s0 =	simm.s32 @!p0 $0x0  }
0x12: {  	s1 =	sld [smem:$0x3F99];
	s0 =	simm.s32 @p0 $0x1  }
0x13: {  	[smem:$0x3FB4] =	sst s0;
	s0 =	simm.s32 @!p1 $0x0  }
0x14: {  	s2 =	sld [smem:$0x3F98];
	s0 =	simm.s32 @p1 $0x1  }
0x15: {  	[smem:$0x3FB5] =	sst s0;
	s0 =	simm.s32 @!p2 $0x0  }
0x16: {  	s3 =	sld [smem:$0x3FDB];
	s0 =	simm.s32 @p2 $0x1  }
0x17: {  	s4 =	simm.s32 $0x1BF5;
	[smem:$0x3FB7] =	sst s0  }
0x18: {  	s0 =	sld [smem:$0x3F9A];
	_ =	swait.ge [sflag:s4], $0x0  }
0x19: {  	s7 =	sld [smem:$0x3F9B]  }
0x1a: {  	s8 =	sadd.s32 $0xFFFFE003, lr  }
0x1b: {  	s9 =	sadd.s32 $0xFFFFFEF7, lr;
	s5 =	simm.s32 $0xFFFFFFFF;
	p2 =	slt.u32 s8, $0xFFFFF086  }
0x1c: {  	p1 =	slt.u32 s9, $0xF7A;
	s5 =	simm.s32 @!p2 $0x0  }
0x1d: {  	s5 =	simm.s32 @p1 $0x1;
	p0 =	seq.s32 s7, s2  }
0x1e: {  	s7 =	smul.u32 @!p0 $0xF7A, s2;
	p2 =	seq.s32 @!p0 s5, $0x0  }
0x1f: {  	s9 =	smul.u32 $0xF7A, s1;
	s8 =	simm.s32 @!p0 $0x1BF5;
	p2 =	por !p2, p0  }
0x20: {  	[sflag:s8] =	ssyncset.s32 @!p0 $0xFFFFF086;
	s6 =	sadd.s32 @!p0 s3, s7;
	s7 =	simm.s32 @!p0 $0x108  }
0x21: {  	s3 =	sadd.s32 s3, s9;
	s6 =	sadd.s32 @!p0 $0x88, s6;
	s7 =	simm.s32 @p2 $0x1082  }
0x22: {  	[simem:s7], [sflag:s8] =	dma.local @!p0 [hbm:s6], $0xF7A  }
0x23: {  	s9 =	sor.u32 $0xD0000000, s2;
	s6 =	simm.s32 $0x108;
	_ =	swait.ge @!p0 [sflag:s8], $0x0  }
0x24: {  	s3 =	sadd.s32 $0x88, s3;
	s6 =	simm.s32 @!p1 $0x1082;
	[sflag:s4] =	ssyncset.s32 $0xFFFFF086  }
0x25: {  	[simem:s6], [sflag:s4] =	dma.local [hbm:s3], $0xF7A  }
0x26: {  	[smem:$0x3F9B] =	sst s1;
	(tag) =	ssettag s2;
	_ =	strace s9  }
0x27: {  	s1 =	sld [smem:$0x3FAB]  }
0x28: {  	s2 =	sld [smem:$0x3FAC]  }
0x29: {  	s4 =	sld [smem:$0x3FAE]  }
0x2a: {  	p0 =	seq.s32 s5, $0x0;
	s5 =	sld [smem:$0x3FAF]  }
0x2b: {  	s6 =	sld [smem:$0x3FB0]  }
0x2c: {  	s7 =	sld [smem:$0x3FB1]  }
0x2d: {  	s3 =	simm.s32 $0x108;
	s8 =	sld [smem:$0x3FB2]  }
0x2e: {  	s3 =	simm.s32 @!p0 $0x1082;
	s9 =	sld [smem:$0x3FB3]  }
0x2f: {  	lr =	sadd.s32 s0, s3;
	s0 =	sld [smem:$0x3FAA]  }
0x30: {  	s3 =	sld [smem:$0x3FAD]  }
0x31: {  	[smem:$0x3FB6] =	sst s10  }
0x32: {  	s10 =	sld [smem:$0x3FB4];
	_ =	sdelay $0x3  }
0x33: {  	p0 =	seq.s32 s10, $0x1;
	s10 =	sld [smem:$0x3FB6];
	_ =	sdelay $0x3  }
0x34: {  	[smem:$0x3FB6] =	sst s10  }
0x35: {  	s10 =	sld [smem:$0x3FB5];
	_ =	sdelay $0x3  }
0x36: {  	p1 =	seq.s32 s10, $0x1;
	s10 =	sld [smem:$0x3FB6];
	_ =	sdelay $0x3  }
0x37: {  	[smem:$0x3FB6] =	sst s10  }
0x38: {  	s10 =	sld [smem:$0x3FB7]  }
0x39: {  	_ = 	snop;
	(pc) =	sbr.ind lr, $3  }
0x3a: {  	_ = 	snop  }
0x3b: {  	_ = 	snop  }
0x3c: {  	p2 =	seq.s32 s10, $0x1;
	s10 =	sld [smem:$0x3FB6]  }
0x3d: {  	_ =	shalt  }
0x3e: {  	_ =	shalt  }
0x3f: {  	_ =	shalt  }
0x40: {  	_ =	shalt  }
0x41: {  	_ =	shalt  }
0x42: {  	_ =	shalt  }
0x43: {  	_ =	shalt  }
0x44: {  	_ =	shalt  }
0x45: {  	_ =	shalt  }
0x46: {  	_ =	shalt  }
0x47: {  	_ =	shalt  }
0x48: {  	_ =	shalt  }
0x49: {  	_ =	shalt  }
0x4a: {  	_ =	shalt  }
0x4b: {  	_ =	shalt  }
0x4c: {  	_ =	shalt  }
0x4d: {  	_ =	shalt  }
0x4e: {  	_ =	shalt  }
0x4f: {  	_ =	shalt  }
0x50: {  	_ =	shalt  }
0x51: {  	_ =	shalt  }
0x52: {  	_ =	shalt  }
0x53: {  	_ =	shalt  }
0x54: {  	_ =	shalt  }
0x55: {  	_ =	shalt  }
0x56: {  	_ =	shalt  }
0x57: {  	_ =	shalt  }
0x58: {  	_ =	shalt  }
0x59: {  	_ =	shalt  }
0x5a: {  	_ =	shalt  }
0x5b: {  	_ =	shalt  }
0x5c: {  	_ =	shalt  }
0x5d: {  	_ =	shalt  }
0x5e: {  	_ =	shalt  }
0x5f: {  	_ =	shalt  }
0x60: {  	_ =	shalt  }
0x61: {  	_ =	shalt  }
0x62: {  	_ =	shalt  }
0x63: {  	_ =	shalt  }
0x64: {  	_ =	shalt  }
0x65: {  	_ =	shalt  }
0x66: {  	_ =	shalt  }
0x67: {  	_ =	shalt  }
0x68: {  	_ =	shalt  }
0x69: {  	_ =	shalt  }
0x6a: {  	_ =	shalt  }
0x6b: {  	_ =	shalt  }
0x6c: {  	_ =	shalt  }
0x6d: {  	_ =	shalt  }
0x6e: {  	_ =	shalt  }
0x6f: {  	_ =	shalt  }
0x70: {  	_ =	shalt  }
0x71: {  	_ =	shalt  }
0x72: {  	_ =	shalt  }
0x73: {  	_ =	shalt  }
0x74: {  	_ =	shalt  }
0x75: {  	_ =	shalt  }
0x76: {  	_ =	shalt  }
0x77: {  	_ =	shalt  }
0x78: {  	_ =	shalt  }
0x79: {  	_ =	shalt  }
0x7a: {  	_ =	shalt  }
0x7b: {  	_ =	shalt  }
0x7c: {  	_ =	shalt  }
0x7d: {  	_ =	shalt  }
0x7e: {  	_ =	shalt  }
0x7f: {  	_ =	shalt  }
0x80: {  	_ =	shalt  }
0x81: {  	_ =	shalt  }
0x82: {  	_ =	shalt  }
0x83: {  	_ =	shalt  }
0x84: {  	_ =	shalt  }
0x85: {  	_ =	shalt  }
0x86: {  	_ =	shalt  }
0x87: {  	_ =	shalt  }
.Lfunc_end0:
.L_simem_size_0:
called_computation_lowered:
.L_overlay_start_0:
0x88: {  	s2 =	sld [smem:$0x3FD9]  }
0x89: {  	s3 =	sld [smem:$0x3FFE];
	_ =	sdelay $0x1  }
0x8a: {  	s1 =	srdreg.scid  }
0x8b: {  	s0 =	sand.u32 $0x1, s1  }
0x8c: {  	s17 =	sshll.u32 s0, $0xA;
	s2 =	sadd.s32 s3, s2  }
0x8d: {  	s2 =	sadd.s32 s2, s17  }
0x8e: {  	[smem:$0x3FC2] =	sst s2  }
0x8f: {  	_ = 	snop  }
0x90: {  	s2 =	sld [smem:$0x3FD0];
	(tm) =	ssettm $0x1  }
0x91: {  	s18 =	sld [smem:$0x3FFB];
	_ =	sdelay $0x3  }
0x92: {  	_ =	strace s18  }
0x93: {  	s3 =	sld [smem:$0x3FFC];
	_ =	sdelay $0x3  }
0x94: {  	_ =	strace s3  }
0x95: {  	s3 =	sld [smem:$0x3FFD];
	_ =	sdelay $0x3  }
0x96: {  	_ =	strace s3  }
0x97: {  	_ =	strace $0x8FFFFFFF  }
0x98: {  	s19 =	sld [smem:$0x3FDB];
	_ =	sdelay $0x1  }
0x99: {  	s4 =	simm.s32 $_scs_section_size  }
0x9a: {  	s5 =	simm.s32 $_size__tile_overlayer_lowered;
	s6 =	simm.s32 $_tile_overlayer_lowered  }
0x9b: {  	s22 =	simm.s32 $0x1BFF;
	s21 =	sshll.u32 s6, $0x1;
	s3 =	sadd.s32 s4, s19  }
0x9c: {  	s7 =	simm.s32 $0x0;
	s20 =	sshll.u32 s5, $0x1;
	s5 =	sadd.s32 s21, s3  }
0x9d: {  	[timem:s7], [sflag:s22] =	dma.local [hbm:s5], s20  }
0x9e: {  	_ =	swait.ge [sflag:s22], s20  }
0x9f: {  	s4 =	ssub.s32 $0x0, s20;
	[sflag:s22] =	ssyncset.done $0x0  }
0xa0: {  	[sflag:s22] =	ssyncadd.s32 s4;
	_ =	sdelay $0x1  }
0xa1: {  	s23 =	simm.s32 $0x1B8B  }
0xa2: {  	_ =	swait.ge [sflag:s23], $0x1  }
0xa3: {  	[sflag:s23] =	ssyncset.done $0x0  }
0xa4: {  	s25 =	simm.s32 $0x1B8E;
	s24 =	sld [smem:$0x3FFE];
	[sflag:s23] =	ssyncadd.s32 $0xFFFFFFFF  }
0xa5: {  	s26 =	simm.s32 $execute0_lowered;
	[smem:$0x3FD2] =	sst s25  }
0xa6: {  	s5 =	sshll.u32 s26, $0x1;
	_ =	strace $0x80000046;
	[dreg:$0x1] =	wrdreg $0xFFFFFFFF  }
0xa7: {  	s28 =	simm.s32 $_size_execute0_lowered;
	s3 =	sadd.s32 s3, s5;
	[dreg:$0x0] =	wrdreg $0x0  }
0xa8: {  	s5 =	sshll.u32 s28, $0x1;
	[dreg:$0x2] =	wrdreg s3  }
0xa9: {  	[dreg:$0x3] =	wrdreg s5  }
0xaa: {  	[dreg:$0x4] =	wrdreg $0xC0  }
0xab: {  	_ =	task [dreg:s7], $0x5FFFF  }
0xac: {  	[dreg:$0x1] =	wrdreg $0xFFFFFFFF  }
0xad: {  	[dreg:$0x0] =	wrdreg $0x60  }
0xae: {  	[dreg:$0x2] =	wrdreg s2  }
0xaf: {  	[dreg:$0x3] =	wrdreg s24  }
0xb0: {  	[dreg:$0x4] =	wrdreg $0x70000  }
0xb1: {  	[dreg:$0x5] =	wrdreg $0x9  }
0xb2: {  	_ =	task.clear_ibuf [dreg:s7], $0x6FFFF;
	_ =	strace $0x90000046  }
0xb3: {  	s29 =	simm.s32 $0x9;
	_ =	strace $0x80000048  }
0xb4: {  	_ =	swait.ge [sflag:s29], $0x1  }
0xb5: {  	[sflag:s29] =	ssyncadd.s32 $0xFFFFFFFF  }
0xb6: {  	_ =	strace $0x90000048  }
0xb7: {  	_ =	sfence  }
0xb8: {  	s30 =	sld [smem:$0x0];
	_ =	sdelay $0x2  }
0xb9: {  	s31 =	sshll.u32 s1, $0xD;
	s1 =	sshrl.u32 s1, $0x2  }
0xba: {  	s3 =	sand.u32 $0x4000, s31;
	s1 =	sadd.s32 s1, s30  }
0xbb: {  	s0 =	sor.u32 s3, s0;
	s1 =	sshll.u32 s1, $0x11  }
0xbc: {  	s0 =	sor.u32 s1, s0  }
0xbd: {  	s0 =	sadd.s32 $0x8F2B, s0  }
0xbe: {  	[sflag:s0] =	ssyncadd.remote.s32 $0x1  }
0xbf: {  	_ =	sfence.sel $0xFFFF  }
0xc0: {  	[dreg:$0x0] =	wrdreg $0xFFFFFFFF;
	(pc) =	sbr.abs _section_cstart, $3  }
0xc1: {  	[dreg:$0x1] =	wrdreg $0xFFFFFFFF  }
0xc2: {  	_ =	task.clear_ibuf [dreg:s7], $0x2FFFF;
	_ =	strace $0x9FFFFFFF  }
0xc3: {  	(tm) =	ssettm $0x7FFFFFFF  }
tec
execute0_lowered:
.L_overlay_start_1:
0x0: {  	(tag) =	ssettag $0x1  }
0x1: {  	s4 =	rddreg [dreg:$0x0]  }
0x2: {  	s7 =	rddreg [dreg:$0x1]  }
0x3: {  	s2 =	rddreg [dreg:$0x2]  }
0x4: {  	s0 =	srdreg.scid;
	s1 =	rddreg [dreg:$0x3];
	s3 =	simm.s32 $0x0  }
0x5: {  	s11 =	simm.s32 $0x4000;
	s12 =	simm.s32 $0x80;
	s13 =	simm.s32 $0x100  }
0x6: {  	s14 =	simm.s32 $0x180;
	s5 =	sand.u32 $0x1, s0;
	s0 =	stileid.u32  }
0x7: {  	s15 =	simm.s32 $0x1;
	[smem:$0x7FF] =	sst s3;
	s6 =	smul.u32 $0x140000, s5  }
0x8: {  	s18 =	simm.s32 $0x0;
	s8 =	smul.u32 $0x14000, s0;
	_ =	strace $0x80000047  }
0x9: {  	s29 =	ssub.s32 $0x2, s5;
	s5 =	sshll.u32 s5, $0xB;
	s30 =	smul.u32 $0x50000, s0  }
0xa: {  	s10 =	sshll.u32 s0, $0xC;
	s16 =	sshll.u32 s0, $0x6;
	s9 =	sshrl.u32 s29, $0x1  }
0xb: {  	s4 =	sadd.s32 s4, s5;
	s16 =	sor.u32 $0x1C02, s16;
	s6 =	sadd.s32 s8, s6  }
0xc: {  	s4 =	sadd.s32 s10, s4;
	s31 =	sshrl.u32 s30, $0x2;
	s8 =	simm.s32 $0x2  }
0xd: {  	s10 =	simm.s32 $0x50;
	s6 =	sshrl.u32 s6, $0x3;
	s5 =	sadd.s32 s31, s2  }
0xe: {  	s6 =	sadd.s32 s6, s7;
	s7 =	ssub.s32 s29, s9;
	s9 =	simm.s32 $0x6800  }
0xf: {  	v0 =	vimm.f32 $1.000000000e+00;
	v1 =	vimm.f32 $0.0e+00;
	s17 =	sshrl.u32 s5, $0x3;
	s6 =	sadd.s32 $0x2600, s6;
	s7 =	smax.u32 s7, $0x1  }
.LBB2_1:
0x10: {  	[tilespmem:s3], [sflag:$0x2] =	stream.linear.gather [hbm4b:s4+s3], $0x3E80, $0x38;
	[tilespmem:$0x1B000] =	vst v63  }
0x11: {  	_ =	swait.ge [sflag:s8], $0x3E80  }
0x12: {  	[sflag:s8] =	ssyncset.done $0x0  }
0x13: {  	s19 =	simm.s32 $0x0;
	s20 =	simm.s32 $0x200;
	[sflag:s8] =	ssyncadd.s32 $0xFFFFC180  }
.LBB2_2:
0x14: {  	p0 =	sne.s32 s20, $0x9E00;
	[tilespmem:s19+$0x4070] =	vst v0  }
0x15: {  	[tilespmem:s19+$0x4000] =	vst v0  }
0x16: {  	[tilespmem:s19+$0x4010] =	vst v0  }
.Ltmp0:
0x17: {  	[tilespmem:s19+$0x4020] =	vst v0;
	(pc) =	sbr.rel @p0 .LBB2_2-.Ltmp0, $4  }
0x18: {  	[tilespmem:s19+$0x4030] =	vst v0  }
0x19: {  	[tilespmem:s19+$0x4040] =	vst v0  }
0x1a: {  	[tilespmem:s19+$0x4050] =	vst v0  }
0x1b: {  	[tilespmem:s19+$0x4060] =	vst v0;
	s19 =	sshra.s32 s20, $0x2;
	s20 =	sadd.s32 $0x200, s20  }
0x1c: {  	[tilespmem:s19+$0x4070] =	vst v0  }
0x1d: {  	[tilespmem:s19+$0x4000] =	vst v0  }
0x1e: {  	[tilespmem:s19+$0x4010] =	vst v0  }
0x1f: {  	[tilespmem:s19+$0x4020] =	vst v0  }
0x20: {  	[tilespmem:s19+$0x4030] =	vst v0  }
0x21: {  	[tilespmem:s19+$0x4040] =	vst v0  }
0x22: {  	[tilespmem:s19+$0x4050] =	vst v0  }
0x23: {  	[tilespmem:s19+$0x4060] =	vst v0;
	s19 =	simm.s32 $0x0;
	s20 =	simm.s32 $0x200  }
.LBB2_4:
0x24: {  	p0 =	sne.s32 s20, $0x1E00;
	[tilespmem:s19+$0x6870] =	vst v1  }
0x25: {  	[tilespmem:s19+$0x6800] =	vst v1  }
0x26: {  	[tilespmem:s19+$0x6810] =	vst v1  }
.Ltmp1:
0x27: {  	[tilespmem:s19+$0x6820] =	vst v1;
	(pc) =	sbr.rel @p0 .LBB2_4-.Ltmp1, $4  }
0x28: {  	[tilespmem:s19+$0x6830] =	vst v1  }
0x29: {  	[tilespmem:s19+$0x6840] =	vst v1  }
0x2a: {  	[tilespmem:s19+$0x6850] =	vst v1  }
0x2b: {  	[tilespmem:s19+$0x6860] =	vst v1;
	s19 =	sshra.s32 s20, $0x2;
	s20 =	sadd.s32 $0x200, s20  }
0x2c: {  	[tilespmem:s19+$0x6870] =	vst v1  }
0x2d: {  	[tilespmem:s19+$0x6800] =	vst v1  }
0x2e: {  	[tilespmem:s19+$0x6810] =	vst v1  }
0x2f: {  	[tilespmem:s19+$0x6820] =	vst v1  }
0x30: {  	[tilespmem:s19+$0x6830] =	vst v1  }
0x31: {  	[tilespmem:s19+$0x6840] =	vst v1  }
0x32: {  	[tilespmem:s19+$0x6850] =	vst v1  }
0x33: {  	[tilespmem:s19+$0x6860] =	vst v1;
	s31 =	sadd.s32 $0x0, s5  }
0x34: {  	[spmem:s31] =	stream.linear.scatter [tilespmem:s9], [sflag:$0x2], $0x800, $0x38;
	[tilespmem:$0x1B000] =	vst v63  }
0x35: {  	s19 =	simm.s32 $0x2000;
	_ =	swait.ge [sflag:s8], $0x800  }
.LBB2_6:
0x36: {  	s20 =	sshra.s32 s19, $0x2;
	[sflag:s8] =	ssyncset.done $0x0;
	p0 =	sne.s32 s19, $0x4E000  }
.Ltmp2:
0x37: {  	s20 =	sadd.s32 s20, s5;
	[sflag:s8] =	ssyncadd.s32 $0xFFFFF800;
	(pc) =	sbr.rel @p0 .LBB2_6-.Ltmp2, $3  }
0x38: {  	[spmem:s20] =	stream.linear.scatter [tilespmem:s9], [sflag:$0x2], $0x800, $0x38;
	[tilespmem:$0x1B000] =	vst v63  }
0x39: {  	s19 =	sadd.s32 $0x2000, s19;
	_ =	sdelay $0x1  }
0x3a: {  	_ =	swait.ge [sflag:s8], $0x800  }
0x3b: {  	[sflag:s8] =	ssyncset.done $0x0  }
0x3c: {  	[sflag:s8] =	ssyncadd.s32 $0xFFFFF800  }
0x3d: {  	[bflag:$0x0] =	sbarrier.arrive $0xFFFF  }
0x3e: {  	[spmem:s2] =	stream.indirect.scatter.add.f32 [tilespmem:s11], [sflag:$0x1], $0x80, s3, s10, $0xb8;
	[tilespmem:$0x1B000] =	vst v63  }
0x3f: {  	_ = 	snop  }
0x40: {  	[spmem:s2] =	stream.indirect.scatter.add.f32 [tilespmem:s11], [sflag:$0x1], $0x80, s12, s10, $0xb8;
	[tilespmem:$0x1B000] =	vst v63  }
0x41: {  	_ = 	snop  }
0x42: {  	[spmem:s2] =	stream.indirect.scatter.add.f32 [tilespmem:s11], [sflag:$0x1], $0x80, s13, s10, $0xb8;
	[tilespmem:$0x1B000] =	vst v63  }
0x43: {  	_ = 	snop  }
0x44: {  	[spmem:s2] =	stream.indirect.scatter.add.f32 [tilespmem:s11], [sflag:$0x1], $0x80, s14, s10, $0xb8;
	[tilespmem:$0x1B000] =	vst v63  }
0x45: {  	_ =	swait.ge [sflag:s15], $0x2800  }
0x46: {  	[sflag:s15] =	ssyncset.done $0x0  }
0x47: {  	s19 =	simm.s32 $0xA00;
	s20 =	simm.s32 $0x200;
	[sflag:s15] =	ssyncadd.s32 $0xFFFFD800  }
.LBB2_8:
0x48: {  	[spmem:s2] =	stream.indirect.scatter.add.f32 [tilespmem:s11], [sflag:$0x1], $0x80, s20, s10, $0xb8;
	[tilespmem:$0x1B000] =	vst v63  }
0x49: {  	s20 =	smov.u32 s19;
	p0 =	sne.s32 s19, $0xF800  }
.Ltmp3:
0x4a: {  	s19 =	sadd.s32 $0x200, s19;
	(pc) =	sbr.rel @p0 .LBB2_8-.Ltmp3, $4  }
0x4b: {  	_ = 	snop  }
0x4c: {  	_ =	swait.ge [sflag:s15], $0x2800  }
0x4d: {  	[sflag:s15] =	ssyncset.done $0x0  }
0x4e: {  	s20 =	sshra.s32 s20, $0x2;
	[sflag:s15] =	ssyncadd.s32 $0xFFFFD800  }
0x4f: {  	[spmem:s2] =	stream.indirect.scatter.add.f32 [tilespmem:s11], [sflag:$0x1], $0x80, s20, s10, $0xb8;
	[tilespmem:$0x1B000] =	vst v63  }
0x50: {  	_ =	swait.ge [sflag:s15], $0x2800  }
0x51: {  	[sflag:s15] =	ssyncset.done $0x0  }
0x52: {  	[sflag:s15] =	ssyncadd.s32 $0xFFFFD800  }
0x53: {  	_ =	swait.ge [sflag:s15], $0x2800  }
0x54: {  	[sflag:s15] =	ssyncset.done $0x0  }
0x55: {  	[sflag:s15] =	ssyncadd.s32 $0xFFFFD800  }
0x56: {  	_ =	swait.ge [sflag:s15], $0x2800  }
0x57: {  	[sflag:s15] =	ssyncset.done $0x0  }
0x58: {  	[sflag:s15] =	ssyncadd.s32 $0xFFFFD800  }
0x59: {  	_ =	swait.ge [sflag:s15], $0x2800  }
0x5a: {  	s18 =	sadd.s32 $0x1, s18;
	[sflag:s15] =	ssyncset.done $0x0  }
0x5b: {  	p0 =	sne.s32 s18, s7;
	[sflag:s15] =	ssyncadd.s32 $0xFFFFD800  }
.Ltmp4:
0x5c: {  	[bflag:$0x0] =	sbarrier.arrive $0xFFFF;
	(pc) =	sbr.rel @p0 .LBB2_1-.Ltmp4, $4  }
0x5d: {  	[hbm:s6], [sflag:s16] =	dma.local [spmem:s17], $0x2800  }
0x5e: {  	_ =	swait.ge [sflag:s8], $0x2800  }
0x5f: {  	[sflag:s8] =	ssyncset.done $0x0  }
0x60: {  	[sflag:s8] =	ssyncadd.s32 $0xFFFFD800  }
0x61: {  	_ =	sfence.sel $0x180000  }
0x62: {  	[bflag:$0x0] =	sbarrier.arrive $0xFFFF  }
0x63: {  	p0 =	sne.s32 s0, $0x0;
	_ =	strace $0x90000047  }
0x64: {  	s0 =	sadd.s32 @!p0 $0x100000, s1;
	[bflag:$0x2] =	sbarrier.arrive $0xFFFF  }
0x65: {  	[sflag:s0] =	ssyncadd.tile.s32 @!p0 $0x1;
	_ =	shalt  }
.Lfunc_end2:
_tile_overlayer_lowered:
.L_overlay_start_2:
0x66: {  	(tag) =	ssettag $0x2  }
0x67: {  	s0 =	rddreg [dreg:$0x0];
	s2 =	stileid.u32  }
0x68: {  	s1 =	rddreg [dreg:$0x1];
	p0 =	sne.s32 s2, $0x0  }
0x69: {  	s3 =	rddreg [dreg:$0x2];
	[bflag:$0x3] =	sbarrier.arrive $0xFFFF;
	s2 =	simm.s32 @!p0 $0x1C02  }
0x6a: {  	[timem:s3], [sflag:s2] =	dma.local @!p0 [hbm:s0], s1  }
0x6b: {  	s0 =	simm.s32 @!p0 $0x2  }
0x6c: {  	_ =	swait.ge @!p0 [sflag:s0], s1  }
0x6d: {  	s1 =	ssub.s32 @!p0 $0x0, s1;
	[sflag:s0] =	ssyncset.done @!p0 $0x0  }
0x6e: {  	[sflag:s0] =	ssyncadd.s32 @!p0 s1  }
0x6f: {  	[bflag:$0x3] =	sbarrier.arrive $0xFFFF  }
0x70: {  	_ =	shalt  }

</sc_bundles>
